<compile_context>
chip_gen: v7x
topology: tpu7x:2x2x1
jax: 0.10.2.dev20260603
libtpu: 0.0.44.dev20260713+nightly
codegen_flags: <defaults>
</compile_context>

<pallas_src>
import functools

import jax
import jax.numpy as jnp
from jax import lax
from jax.experimental import pallas as pl
from jax.experimental.pallas import tpu as pltpu
from jax.experimental.pallas import tpu_sc as plsc

_EMBED_DIM = 32

_info = plsc.get_sparse_core_info()
_NC, _NS = _info.num_cores, _info.num_subcores
_NW = _NC * _NS


def _make_relayout(vocab: int, embed: int):
    vb = 256
    n_blocks = (vocab + vb - 1) // vb
    iters = (n_blocks + _NW - 1) // _NW + 1
    pairs = (iters + 1) // 2
    blk_elems = vb * embed
    mesh = plsc.VectorSubcoreMesh(core_axis_name="c", subcore_axis_name="s")

    @functools.partial(
        pl.kernel,
        mesh=mesh,
        compiler_params=pltpu.CompilerParams(needs_layout_passes=False),
        out_type=jax.ShapeDtypeStruct((n_blocks * blk_elems,), jnp.float32),
        scratch_types=[
            pltpu.VMEM((embed, vb), jnp.float32),
            pltpu.VMEM((embed, vb), jnp.float32),
            pltpu.VMEM((blk_elems,), jnp.float32),
            pltpu.VMEM((blk_elems,), jnp.float32),
            pltpu.SemaphoreType.DMA,
            pltpu.SemaphoreType.DMA,
            pltpu.SemaphoreType.DMA,
            pltpu.SemaphoreType.DMA,
        ],
    )
    def relayout_kernel(tt_hbm, out_hbm, tblk0, tblk1, rowblk0, rowblk1,
                        g0, g1, s0, s1):
        wid = lax.axis_index("s") * _NC + lax.axis_index("c")
        lanes = lax.iota(jnp.int32, 16)
        rot = [(lanes + d) % 16 for d in range(16)]
        rows_e0 = {e0: [r + e0 for r in rot] for e0 in (0, 16)}
        tblk = (tblk0, tblk1)
        rowblk = (rowblk0, rowblk1)
        gsem = (g0, g1)
        ssem = (s0, s1)
        def vstart_of(i):
            blk = jnp.minimum(wid + i * _NW, n_blocks - 1)
            return pl.multiple_of(blk * vb, vb)

        pltpu.async_copy(
            tt_hbm.at[:, pl.ds(vstart_of(0), vb)], tblk[0], g0
        )

        def pair_body(p, carry):
            for b in (0, 1):
                i = 2 * p + b
                pltpu.make_async_copy(
                    tt_hbm.at[:, pl.ds(0, vb)], tblk[b], gsem[b]
                ).wait()
                pltpu.async_copy(
                    tt_hbm.at[:, pl.ds(vstart_of(i + 1), vb)],
                    tblk[1 - b],
                    gsem[1 - b],
                )
                @pl.when(p >= 1)
                def _wait_store():
                    pltpu.make_async_copy(
                        rowblk[b], out_hbm.at[pl.ds(0, blk_elems)], ssem[b]
                    ).wait()

                def g_body(g, car):
                    cols = g * 16 + lanes
                    for e0 in (0, 16):
                        colbase = cols * embed + e0
                        for d in range(16):
                            v = plsc.load_gather(tblk[b], [rows_e0[e0][d], cols])
                            plsc.store_scatter(rowblk[b], [colbase + rot[d]], v)
                    return car

                lax.fori_loop(0, vb // 16, g_body, 0)

                pltpu.async_copy(
                    rowblk[b],
                    out_hbm.at[pl.ds(vstart_of(i) * embed, blk_elems)],
                    ssem[b],
                )
            return carry

        lax.fori_loop(0, pairs, pair_body, 0)

        pltpu.make_async_copy(
            tt_hbm.at[:, pl.ds(0, vb)], tblk[0], g0
        ).wait()
        pltpu.make_async_copy(
            rowblk[0], out_hbm.at[pl.ds(0, blk_elems)], s0
        ).wait()
        pltpu.make_async_copy(
            rowblk[1], out_hbm.at[pl.ds(0, blk_elems)], s1
        ).wait()

    return relayout_kernel


def _make_gather(batch: int, hist: int, chunk_b: int):
    b_per_w = batch // _NW
    assert b_per_w % chunk_b == 0
    n_chunks = b_per_w // chunk_b
    chunk = chunk_b * hist
    rows_per_w = b_per_w * hist
    n_rows = batch * hist
    mesh = plsc.VectorSubcoreMesh(core_axis_name="c", subcore_axis_name="s")

    @functools.partial(
        pl.kernel,
        mesh=mesh,
        compiler_params=pltpu.CompilerParams(
            use_tc_tiling_on_sc=False, needs_layout_passes=False
        ),
        out_type=jax.ShapeDtypeStruct((n_rows, _EMBED_DIM), jnp.float32),
        scratch_types=[
            pltpu.VMEM((b_per_w, hist), jnp.int32),
            pltpu.VMEM((rows_per_w,), jnp.int32),
            pltpu.VMEM((2, chunk, _EMBED_DIM), jnp.float32),
            pltpu.SemaphoreType.DMA,
            pltpu.SemaphoreType.DMA,
            pltpu.SemaphoreType.DMA,
            pltpu.SemaphoreType.DMA,
        ],
    )
    def gather_kernel(table_hbm, x_hbm, out_hbm, idx2d, idx_v, rows_v,
                      g0, g1, s0, s1):
        wid = lax.axis_index("s") * _NC + lax.axis_index("c")
        base = wid * rows_per_w
        pltpu.sync_copy(x_hbm.at[pl.ds(wid * b_per_w, b_per_w)], idx2d)

        lanes = lax.iota(jnp.int32, 16)

        def flat_body(j, carry):
            m = j * 16 + lanes
            v = plsc.load_gather(idx2d, [m // hist, m % hist])
            idx_v[pl.ds(j * 16, 16)] = v
            return carry

        lax.fori_loop(0, rows_per_w // 16, flat_body, 0)

        gsem = (g0, g1)
        ssem = (s0, s1)
        gathers = [None, None]
        stores = [None, None]
        gathers[0] = pltpu.async_copy(
            table_hbm.at[idx_v.at[pl.ds(0, chunk)]], rows_v.at[0], g0
        )
        for i in range(n_chunks):
            b = i % 2
            nb = (i + 1) % 2
            if i + 1 < n_chunks:
                if stores[nb] is not None:
                    stores[nb].wait()
                gathers[nb] = pltpu.async_copy(
                    table_hbm.at[idx_v.at[pl.ds((i + 1) * chunk, chunk)]],
                    rows_v.at[nb],
                    gsem[nb],
                )
            gathers[b].wait()
            stores[b] = pltpu.async_copy(
                rows_v.at[b], out_hbm.at[pl.ds(base + i * chunk, chunk)], ssem[b]
            )
        stores[(n_chunks - 1) % 2].wait()
        if n_chunks >= 2:
            stores[(n_chunks - 2) % 2].wait()

    return gather_kernel


def kernel(x, table):
    batch, hist = x.shape
    vocab, embed = table.shape
    table_lin = _make_relayout(vocab, embed)(table.T)
    vocab_pad = table_lin.shape[0] // embed
    out = _make_gather(batch, hist, 64)(
        table_lin.reshape(vocab_pad, embed), x.astype(jnp.int32)
    )
    return out.reshape(batch, hist, _EMBED_DIM)

# --- scband reference (transcript-rebuilt; emitter-appended) ---
"""Pipeline reference for scband-meaning-extraction-52106543235406 (READ-ONLY COPY).

The authoritative reference and input builder live on the scoring server;
editing this copy changes nothing except your own understanding.
"""

import jax, jax.numpy as jnp
import numpy as np

VOCAB = 1000000
EMBED_DIM = 32
BATCH = 16384
HIST = 20

def setup_inputs(seed: int = 0) -> dict:
    key = jax.random.key(seed)
    k_idx, k_tab = jax.random.split(key)
    x = jax.random.randint(k_idx, (BATCH, HIST), 0, VOCAB, dtype=jnp.int64) if jax.config.jax_enable_x64 else jax.random.randint(k_idx, (BATCH, HIST), 0, VOCAB, dtype=jnp.int32)
    table = jax.random.normal(k_tab, (VOCAB, EMBED_DIM), dtype=jnp.float32)
    return {"x": x, "table": table}

def reference(x, table):
    # nn.Embedding forward: gather rows of the table by index
    embedded = jnp.take(table, x, axis=0)
    return embedded

if __name__ == "__main__":
    import jax
    _d = setup_inputs()
    print(jax.jit(kernel)(*tuple(_d.values())))

</pallas_src>

<mosaic_0001>
#map = affine_map<(d0, d1) -> (0, 0)>
#map1 = affine_map<(d0, d1) -> (0)>
module attributes {stable_mosaic.version = 14 : i64} {
  func.func @relayout_kernel(%arg0: i32, %arg1: i32, %arg2: memref<32x1000000xf32, #tpu.memory_space<hbm>>, %arg3: memref<32006144xf32, #tpu.memory_space<hbm>>, %arg4: memref<32x256xf32, #tpu.memory_space<vmem>>, %arg5: memref<32x256xf32, #tpu.memory_space<vmem>>, %arg6: memref<8192xf32, #tpu.memory_space<vmem>>, %arg7: memref<8192xf32, #tpu.memory_space<vmem>>, %arg8: memref<!tpu.dma_semaphore, #tpu.memory_space<semaphore_mem>>, %arg9: memref<!tpu.dma_semaphore, #tpu.memory_space<semaphore_mem>>, %arg10: memref<!tpu.dma_semaphore, #tpu.memory_space<semaphore_mem>>, %arg11: memref<!tpu.dma_semaphore, #tpu.memory_space<semaphore_mem>>) attributes {dimension_semantics = [#tpu.dimension_semantics<core_parallel>, #tpu.dimension_semantics<subcore_parallel>], iteration_bounds = array<i64: 2, 16>, scalar_prefetch = 0 : i64, scratch_operands = 8 : i64, tpu.core_type = #tpu.core_type<sc_vector_subcore>, window_params = [{transform_indices = #map}, {transform_indices = #map1}]} {
    %mul3A = arith.constant 2 : i32
    %mul3A_0 = arith.muli %arg1, %mul3A : i32
    %add3A = arith.addi %mul3A_0, %arg0 : i32
    %iota3A = tpu.iota {dimensions = array<i32: 0>} : vector<16xi32>
    %add3A_1 = arith.constant 0 : i32
    %add3A_2 = vector.broadcast %add3A_1 : i32 to vector<16xi32>
    %add3A_3 = arith.addi %iota3A, %add3A_2 : vector<16xi32>
    %jit3A = arith.constant 16 : i32
    %eq3A = arith.constant 0 : i32
    %eq3A_4 = arith.cmpi eq, %jit3A, %eq3A : i32
    %jit3A_5 = arith.constant 1 : i32
    %select_n3A = arith.select %eq3A_4, %jit3A_5, %jit3A : i32
    %rem3A = vector.broadcast %select_n3A : i32 to vector<16xi32>
    %rem3A_6 = arith.remsi %add3A_3, %rem3A : vector<16xi32>
    %ne3A = arith.constant 0 : i32
    %ne3A_7 = vector.broadcast %ne3A : i32 to vector<16xi32>
    %ne3A_8 = arith.cmpi ne, %rem3A_6, %ne3A_7 : vector<16xi32>
    %lt3A = arith.constant 0 : i32
    %lt3A_9 = vector.broadcast %lt3A : i32 to vector<16xi32>
    %lt3A_10 = arith.cmpi slt, %rem3A_6, %lt3A_9 : vector<16xi32>
    %lt3A_11 = arith.constant 0 : i32
    %lt3A_12 = arith.cmpi slt, %select_n3A, %lt3A_11 : i32
    %ne3A_13 = vector.broadcast %lt3A_12 : i1 to vector<16xi1>
    %ne3A_14 = vector.broadcast %ne3A_13 : vector<16xi1> to vector<16xi1>
    %ne3A_15 = arith.xori %lt3A_10, %ne3A_14 : vector<16xi1>
    %and3A = arith.andi %ne3A_15, %ne3A_8 : vector<16xi1>
    %add3A_16 = vector.broadcast %select_n3A : i32 to vector<16xi32>
    %add3A_17 = arith.addi %rem3A_6, %add3A_16 : vector<16xi32>
    %select_n3A_18 = arith.select %and3A, %add3A_17, %rem3A_6 : vector<16xi1>, vector<16xi32>
    %add3A_19 = arith.constant 1 : i32
    %add3A_20 = vector.broadcast %add3A_19 : i32 to vector<16xi32>
    %add3A_21 = arith.addi %iota3A, %add3A_20 : vector<16xi32>
    %jit3A_22 = arith.constant 16 : i32
    %eq3A_23 = arith.constant 0 : i32
    %eq3A_24 = arith.cmpi eq, %jit3A_22, %eq3A_23 : i32
    %jit3A_25 = arith.constant 1 : i32
    %select_n3A_26 = arith.select %eq3A_24, %jit3A_25, %jit3A_22 : i32
    %rem3A_27 = vector.broadcast %select_n3A_26 : i32 to vector<16xi32>
    %rem3A_28 = arith.remsi %add3A_21, %rem3A_27 : vector<16xi32>
    %ne3A_29 = arith.constant 0 : i32
    %ne3A_30 = vector.broadcast %ne3A_29 : i32 to vector<16xi32>
    %ne3A_31 = arith.cmpi ne, %rem3A_28, %ne3A_30 : vector<16xi32>
    %lt3A_32 = arith.constant 0 : i32
    %lt3A_33 = vector.broadcast %lt3A_32 : i32 to vector<16xi32>
    %lt3A_34 = arith.cmpi slt, %rem3A_28, %lt3A_33 : vector<16xi32>
    %lt3A_35 = arith.constant 0 : i32
    %lt3A_36 = arith.cmpi slt, %select_n3A_26, %lt3A_35 : i32
    %ne3A_37 = vector.broadcast %lt3A_36 : i1 to vector<16xi1>
    %ne3A_38 = vector.broadcast %ne3A_37 : vector<16xi1> to vector<16xi1>
    %ne3A_39 = arith.xori %lt3A_34, %ne3A_38 : vector<16xi1>
    %and3A_40 = arith.andi %ne3A_39, %ne3A_31 : vector<16xi1>
    %add3A_41 = vector.broadcast %select_n3A_26 : i32 to vector<16xi32>
    %add3A_42 = arith.addi %rem3A_28, %add3A_41 : vector<16xi32>
    %select_n3A_43 = arith.select %and3A_40, %add3A_42, %rem3A_28 : vector<16xi1>, vector<16xi32>
    %add3A_44 = arith.constant 2 : i32
    %add3A_45 = vector.broadcast %add3A_44 : i32 to vector<16xi32>
    %add3A_46 = arith.addi %iota3A, %add3A_45 : vector<16xi32>
    %jit3A_47 = arith.constant 16 : i32
    %eq3A_48 = arith.constant 0 : i32
    %eq3A_49 = arith.cmpi eq, %jit3A_47, %eq3A_48 : i32
    %jit3A_50 = arith.constant 1 : i32
    %select_n3A_51 = arith.select %eq3A_49, %jit3A_50, %jit3A_47 : i32
    %rem3A_52 = vector.broadcast %select_n3A_51 : i32 to vector<16xi32>
    %rem3A_53 = arith.remsi %add3A_46, %rem3A_52 : vector<16xi32>
    %ne3A_54 = arith.constant 0 : i32
    %ne3A_55 = vector.broadcast %ne3A_54 : i32 to vector<16xi32>
    %ne3A_56 = arith.cmpi ne, %rem3A_53, %ne3A_55 : vector<16xi32>
    %lt3A_57 = arith.constant 0 : i32
    %lt3A_58 = vector.broadcast %lt3A_57 : i32 to vector<16xi32>
    %lt3A_59 = arith.cmpi slt, %rem3A_53, %lt3A_58 : vector<16xi32>
    %lt3A_60 = arith.constant 0 : i32
    %lt3A_61 = arith.cmpi slt, %select_n3A_51, %lt3A_60 : i32
    %ne3A_62 = vector.broadcast %lt3A_61 : i1 to vector<16xi1>
    %ne3A_63 = vector.broadcast %ne3A_62 : vector<16xi1> to vector<16xi1>
    %ne3A_64 = arith.xori %lt3A_59, %ne3A_63 : vector<16xi1>
    %and3A_65 = arith.andi %ne3A_64, %ne3A_56 : vector<16xi1>
    %add3A_66 = vector.broadcast %select_n3A_51 : i32 to vector<16xi32>
    %add3A_67 = arith.addi %rem3A_53, %add3A_66 : vector<16xi32>
    %select_n3A_68 = arith.select %and3A_65, %add3A_67, %rem3A_53 : vector<16xi1>, vector<16xi32>
    %add3A_69 = arith.constant 3 : i32
    %add3A_70 = vector.broadcast %add3A_69 : i32 to vector<16xi32>
    %add3A_71 = arith.addi %iota3A, %add3A_70 : vector<16xi32>
    %jit3A_72 = arith.constant 16 : i32
    %eq3A_73 = arith.constant 0 : i32
    %eq3A_74 = arith.cmpi eq, %jit3A_72, %eq3A_73 : i32
    %jit3A_75 = arith.constant 1 : i32
    %select_n3A_76 = arith.select %eq3A_74, %jit3A_75, %jit3A_72 : i32
    %rem3A_77 = vector.broadcast %select_n3A_76 : i32 to vector<16xi32>
    %rem3A_78 = arith.remsi %add3A_71, %rem3A_77 : vector<16xi32>
    %ne3A_79 = arith.constant 0 : i32
    %ne3A_80 = vector.broadcast %ne3A_79 : i32 to vector<16xi32>
    %ne3A_81 = arith.cmpi ne, %rem3A_78, %ne3A_80 : vector<16xi32>
    %lt3A_82 = arith.constant 0 : i32
    %lt3A_83 = vector.broadcast %lt3A_82 : i32 to vector<16xi32>
    %lt3A_84 = arith.cmpi slt, %rem3A_78, %lt3A_83 : vector<16xi32>
    %lt3A_85 = arith.constant 0 : i32
    %lt3A_86 = arith.cmpi slt, %select_n3A_76, %lt3A_85 : i32
    %ne3A_87 = vector.broadcast %lt3A_86 : i1 to vector<16xi1>
    %ne3A_88 = vector.broadcast %ne3A_87 : vector<16xi1> to vector<16xi1>
    %ne3A_89 = arith.xori %lt3A_84, %ne3A_88 : vector<16xi1>
    %and3A_90 = arith.andi %ne3A_89, %ne3A_81 : vector<16xi1>
    %add3A_91 = vector.broadcast %select_n3A_76 : i32 to vector<16xi32>
    %add3A_92 = arith.addi %rem3A_78, %add3A_91 : vector<16xi32>
    %select_n3A_93 = arith.select %and3A_90, %add3A_92, %rem3A_78 : vector<16xi1>, vector<16xi32>
    %add3A_94 = arith.constant 4 : i32
    %add3A_95 = vector.broadcast %add3A_94 : i32 to vector<16xi32>
    %add3A_96 = arith.addi %iota3A, %add3A_95 : vector<16xi32>
    %jit3A_97 = arith.constant 16 : i32
    %eq3A_98 = arith.constant 0 : i32
    %eq3A_99 = arith.cmpi eq, %jit3A_97, %eq3A_98 : i32
    %jit3A_100 = arith.constant 1 : i32
    %select_n3A_101 = arith.select %eq3A_99, %jit3A_100, %jit3A_97 : i32
    %rem3A_102 = vector.broadcast %select_n3A_101 : i32 to vector<16xi32>
    %rem3A_103 = arith.remsi %add3A_96, %rem3A_102 : vector<16xi32>
    %ne3A_104 = arith.constant 0 : i32
    %ne3A_105 = vector.broadcast %ne3A_104 : i32 to vector<16xi32>
    %ne3A_106 = arith.cmpi ne, %rem3A_103, %ne3A_105 : vector<16xi32>
    %lt3A_107 = arith.constant 0 : i32
    %lt3A_108 = vector.broadcast %lt3A_107 : i32 to vector<16xi32>
    %lt3A_109 = arith.cmpi slt, %rem3A_103, %lt3A_108 : vector<16xi32>
    %lt3A_110 = arith.constant 0 : i32
    %lt3A_111 = arith.cmpi slt, %select_n3A_101, %lt3A_110 : i32
    %ne3A_112 = vector.broadcast %lt3A_111 : i1 to vector<16xi1>
    %ne3A_113 = vector.broadcast %ne3A_112 : vector<16xi1> to vector<16xi1>
    %ne3A_114 = arith.xori %lt3A_109, %ne3A_113 : vector<16xi1>
    %and3A_115 = arith.andi %ne3A_114, %ne3A_106 : vector<16xi1>
    %add3A_116 = vector.broadcast %select_n3A_101 : i32 to vector<16xi32>
    %add3A_117 = arith.addi %rem3A_103, %add3A_116 : vector<16xi32>
    %select_n3A_118 = arith.select %and3A_115, %add3A_117, %rem3A_103 : vector<16xi1>, vector<16xi32>
    %add3A_119 = arith.constant 5 : i32
    %add3A_120 = vector.broadcast %add3A_119 : i32 to vector<16xi32>
    %add3A_121 = arith.addi %iota3A, %add3A_120 : vector<16xi32>
    %jit3A_122 = arith.constant 16 : i32
    %eq3A_123 = arith.constant 0 : i32
    %eq3A_124 = arith.cmpi eq, %jit3A_122, %eq3A_123 : i32
    %jit3A_125 = arith.constant 1 : i32
    %select_n3A_126 = arith.select %eq3A_124, %jit3A_125, %jit3A_122 : i32
    %rem3A_127 = vector.broadcast %select_n3A_126 : i32 to vector<16xi32>
    %rem3A_128 = arith.remsi %add3A_121, %rem3A_127 : vector<16xi32>
    %ne3A_129 = arith.constant 0 : i32
    %ne3A_130 = vector.broadcast %ne3A_129 : i32 to vector<16xi32>
    %ne3A_131 = arith.cmpi ne, %rem3A_128, %ne3A_130 : vector<16xi32>
    %lt3A_132 = arith.constant 0 : i32
    %lt3A_133 = vector.broadcast %lt3A_132 : i32 to vector<16xi32>
    %lt3A_134 = arith.cmpi slt, %rem3A_128, %lt3A_133 : vector<16xi32>
    %lt3A_135 = arith.constant 0 : i32
    %lt3A_136 = arith.cmpi slt, %select_n3A_126, %lt3A_135 : i32
    %ne3A_137 = vector.broadcast %lt3A_136 : i1 to vector<16xi1>
    %ne3A_138 = vector.broadcast %ne3A_137 : vector<16xi1> to vector<16xi1>
    %ne3A_139 = arith.xori %lt3A_134, %ne3A_138 : vector<16xi1>
    %and3A_140 = arith.andi %ne3A_139, %ne3A_131 : vector<16xi1>
    %add3A_141 = vector.broadcast %select_n3A_126 : i32 to vector<16xi32>
    %add3A_142 = arith.addi %rem3A_128, %add3A_141 : vector<16xi32>
    %select_n3A_143 = arith.select %and3A_140, %add3A_142, %rem3A_128 : vector<16xi1>, vector<16xi32>
    %add3A_144 = arith.constant 6 : i32
    %add3A_145 = vector.broadcast %add3A_144 : i32 to vector<16xi32>
    %add3A_146 = arith.addi %iota3A, %add3A_145 : vector<16xi32>
    %jit3A_147 = arith.constant 16 : i32
    %eq3A_148 = arith.constant 0 : i32
    %eq3A_149 = arith.cmpi eq, %jit3A_147, %eq3A_148 : i32
    %jit3A_150 = arith.constant 1 : i32
    %select_n3A_151 = arith.select %eq3A_149, %jit3A_150, %jit3A_147 : i32
    %rem3A_152 = vector.broadcast %select_n3A_151 : i32 to vector<16xi32>
    %rem3A_153 = arith.remsi %add3A_146, %rem3A_152 : vector<16xi32>
    %ne3A_154 = arith.constant 0 : i32
    %ne3A_155 = vector.broadcast %ne3A_154 : i32 to vector<16xi32>
    %ne3A_156 = arith.cmpi ne, %rem3A_153, %ne3A_155 : vector<16xi32>
    %lt3A_157 = arith.constant 0 : i32
    %lt3A_158 = vector.broadcast %lt3A_157 : i32 to vector<16xi32>
    %lt3A_159 = arith.cmpi slt, %rem3A_153, %lt3A_158 : vector<16xi32>
    %lt3A_160 = arith.constant 0 : i32
    %lt3A_161 = arith.cmpi slt, %select_n3A_151, %lt3A_160 : i32
    %ne3A_162 = vector.broadcast %lt3A_161 : i1 to vector<16xi1>
    %ne3A_163 = vector.broadcast %ne3A_162 : vector<16xi1> to vector<16xi1>
    %ne3A_164 = arith.xori %lt3A_159, %ne3A_163 : vector<16xi1>
    %and3A_165 = arith.andi %ne3A_164, %ne3A_156 : vector<16xi1>
    %add3A_166 = vector.broadcast %select_n3A_151 : i32 to vector<16xi32>
    %add3A_167 = arith.addi %rem3A_153, %add3A_166 : vector<16xi32>
    %select_n3A_168 = arith.select %and3A_165, %add3A_167, %rem3A_153 : vector<16xi1>, vector<16xi32>
    %add3A_169 = arith.constant 7 : i32
    %add3A_170 = vector.broadcast %add3A_169 : i32 to vector<16xi32>
    %add3A_171 = arith.addi %iota3A, %add3A_170 : vector<16xi32>
    %jit3A_172 = arith.constant 16 : i32
    %eq3A_173 = arith.constant 0 : i32
    %eq3A_174 = arith.cmpi eq, %jit3A_172, %eq3A_173 : i32
    %jit3A_175 = arith.constant 1 : i32
    %select_n3A_176 = arith.select %eq3A_174, %jit3A_175, %jit3A_172 : i32
    %rem3A_177 = vector.broadcast %select_n3A_176 : i32 to vector<16xi32>
    %rem3A_178 = arith.remsi %add3A_171, %rem3A_177 : vector<16xi32>
    %ne3A_179 = arith.constant 0 : i32
    %ne3A_180 = vector.broadcast %ne3A_179 : i32 to vector<16xi32>
    %ne3A_181 = arith.cmpi ne, %rem3A_178, %ne3A_180 : vector<16xi32>
    %lt3A_182 = arith.constant 0 : i32
    %lt3A_183 = vector.broadcast %lt3A_182 : i32 to vector<16xi32>
    %lt3A_184 = arith.cmpi slt, %rem3A_178, %lt3A_183 : vector<16xi32>
    %lt3A_185 = arith.constant 0 : i32
    %lt3A_186 = arith.cmpi slt, %select_n3A_176, %lt3A_185 : i32
    %ne3A_187 = vector.broadcast %lt3A_186 : i1 to vector<16xi1>
    %ne3A_188 = vector.broadcast %ne3A_187 : vector<16xi1> to vector<16xi1>
    %ne3A_189 = arith.xori %lt3A_184, %ne3A_188 : vector<16xi1>
    %and3A_190 = arith.andi %ne3A_189, %ne3A_181 : vector<16xi1>
    %add3A_191 = vector.broadcast %select_n3A_176 : i32 to vector<16xi32>
    %add3A_192 = arith.addi %rem3A_178, %add3A_191 : vector<16xi32>
    %select_n3A_193 = arith.select %and3A_190, %add3A_192, %rem3A_178 : vector<16xi1>, vector<16xi32>
    %add3A_194 = arith.constant 8 : i32
    %add3A_195 = vector.broadcast %add3A_194 : i32 to vector<16xi32>
    %add3A_196 = arith.addi %iota3A, %add3A_195 : vector<16xi32>
    %jit3A_197 = arith.constant 16 : i32
    %eq3A_198 = arith.constant 0 : i32
    %eq3A_199 = arith.cmpi eq, %jit3A_197, %eq3A_198 : i32
    %jit3A_200 = arith.constant 1 : i32
    %select_n3A_201 = arith.select %eq3A_199, %jit3A_200, %jit3A_197 : i32
    %rem3A_202 = vector.broadcast %select_n3A_201 : i32 to vector<16xi32>
    %rem3A_203 = arith.remsi %add3A_196, %rem3A_202 : vector<16xi32>
    %ne3A_204 = arith.constant 0 : i32
    %ne3A_205 = vector.broadcast %ne3A_204 : i32 to vector<16xi32>
    %ne3A_206 = arith.cmpi ne, %rem3A_203, %ne3A_205 : vector<16xi32>
    %lt3A_207 = arith.constant 0 : i32
    %lt3A_208 = vector.broadcast %lt3A_207 : i32 to vector<16xi32>
    %lt3A_209 = arith.cmpi slt, %rem3A_203, %lt3A_208 : vector<16xi32>
    %lt3A_210 = arith.constant 0 : i32
    %lt3A_211 = arith.cmpi slt, %select_n3A_201, %lt3A_210 : i32
    %ne3A_212 = vector.broadcast %lt3A_211 : i1 to vector<16xi1>
    %ne3A_213 = vector.broadcast %ne3A_212 : vector<16xi1> to vector<16xi1>
    %ne3A_214 = arith.xori %lt3A_209, %ne3A_213 : vector<16xi1>
    %and3A_215 = arith.andi %ne3A_214, %ne3A_206 : vector<16xi1>
    %add3A_216 = vector.broadcast %select_n3A_201 : i32 to vector<16xi32>
    %add3A_217 = arith.addi %rem3A_203, %add3A_216 : vector<16xi32>
    %select_n3A_218 = arith.select %and3A_215, %add3A_217, %rem3A_203 : vector<16xi1>, vector<16xi32>
    %add3A_219 = arith.constant 9 : i32
    %add3A_220 = vector.broadcast %add3A_219 : i32 to vector<16xi32>
    %add3A_221 = arith.addi %iota3A, %add3A_220 : vector<16xi32>
    %jit3A_222 = arith.constant 16 : i32
    %eq3A_223 = arith.constant 0 : i32
    %eq3A_224 = arith.cmpi eq, %jit3A_222, %eq3A_223 : i32
    %jit3A_225 = arith.constant 1 : i32
    %select_n3A_226 = arith.select %eq3A_224, %jit3A_225, %jit3A_222 : i32
    %rem3A_227 = vector.broadcast %select_n3A_226 : i32 to vector<16xi32>
    %rem3A_228 = arith.remsi %add3A_221, %rem3A_227 : vector<16xi32>
    %ne3A_229 = arith.constant 0 : i32
    %ne3A_230 = vector.broadcast %ne3A_229 : i32 to vector<16xi32>
    %ne3A_231 = arith.cmpi ne, %rem3A_228, %ne3A_230 : vector<16xi32>
    %lt3A_232 = arith.constant 0 : i32
    %lt3A_233 = vector.broadcast %lt3A_232 : i32 to vector<16xi32>
    %lt3A_234 = arith.cmpi slt, %rem3A_228, %lt3A_233 : vector<16xi32>
    %lt3A_235 = arith.constant 0 : i32
    %lt3A_236 = arith.cmpi slt, %select_n3A_226, %lt3A_235 : i32
    %ne3A_237 = vector.broadcast %lt3A_236 : i1 to vector<16xi1>
    %ne3A_238 = vector.broadcast %ne3A_237 : vector<16xi1> to vector<16xi1>
    %ne3A_239 = arith.xori %lt3A_234, %ne3A_238 : vector<16xi1>
    %and3A_240 = arith.andi %ne3A_239, %ne3A_231 : vector<16xi1>
    %add3A_241 = vector.broadcast %select_n3A_226 : i32 to vector<16xi32>
    %add3A_242 = arith.addi %rem3A_228, %add3A_241 : vector<16xi32>
    %select_n3A_243 = arith.select %and3A_240, %add3A_242, %rem3A_228 : vector<16xi1>, vector<16xi32>
    %add3A_244 = arith.constant 10 : i32
    %add3A_245 = vector.broadcast %add3A_244 : i32 to vector<16xi32>
    %add3A_246 = arith.addi %iota3A, %add3A_245 : vector<16xi32>
    %jit3A_247 = arith.constant 16 : i32
    %eq3A_248 = arith.constant 0 : i32
    %eq3A_249 = arith.cmpi eq, %jit3A_247, %eq3A_248 : i32
    %jit3A_250 = arith.constant 1 : i32
    %select_n3A_251 = arith.select %eq3A_249, %jit3A_250, %jit3A_247 : i32
    %rem3A_252 = vector.broadcast %select_n3A_251 : i32 to vector<16xi32>
    %rem3A_253 = arith.remsi %add3A_246, %rem3A_252 : vector<16xi32>
    %ne3A_254 = arith.constant 0 : i32
    %ne3A_255 = vector.broadcast %ne3A_254 : i32 to vector<16xi32>
    %ne3A_256 = arith.cmpi ne, %rem3A_253, %ne3A_255 : vector<16xi32>
    %lt3A_257 = arith.constant 0 : i32
    %lt3A_258 = vector.broadcast %lt3A_257 : i32 to vector<16xi32>
    %lt3A_259 = arith.cmpi slt, %rem3A_253, %lt3A_258 : vector<16xi32>
    %lt3A_260 = arith.constant 0 : i32
    %lt3A_261 = arith.cmpi slt, %select_n3A_251, %lt3A_260 : i32
    %ne3A_262 = vector.broadcast %lt3A_261 : i1 to vector<16xi1>
    %ne3A_263 = vector.broadcast %ne3A_262 : vector<16xi1> to vector<16xi1>
    %ne3A_264 = arith.xori %lt3A_259, %ne3A_263 : vector<16xi1>
    %and3A_265 = arith.andi %ne3A_264, %ne3A_256 : vector<16xi1>
    %add3A_266 = vector.broadcast %select_n3A_251 : i32 to vector<16xi32>
    %add3A_267 = arith.addi %rem3A_253, %add3A_266 : vector<16xi32>
    %select_n3A_268 = arith.select %and3A_265, %add3A_267, %rem3A_253 : vector<16xi1>, vector<16xi32>
    %add3A_269 = arith.constant 11 : i32
    %add3A_270 = vector.broadcast %add3A_269 : i32 to vector<16xi32>
    %add3A_271 = arith.addi %iota3A, %add3A_270 : vector<16xi32>
    %jit3A_272 = arith.constant 16 : i32
    %eq3A_273 = arith.constant 0 : i32
    %eq3A_274 = arith.cmpi eq, %jit3A_272, %eq3A_273 : i32
    %jit3A_275 = arith.constant 1 : i32
    %select_n3A_276 = arith.select %eq3A_274, %jit3A_275, %jit3A_272 : i32
    %rem3A_277 = vector.broadcast %select_n3A_276 : i32 to vector<16xi32>
    %rem3A_278 = arith.remsi %add3A_271, %rem3A_277 : vector<16xi32>
    %ne3A_279 = arith.constant 0 : i32
    %ne3A_280 = vector.broadcast %ne3A_279 : i32 to vector<16xi32>
    %ne3A_281 = arith.cmpi ne, %rem3A_278, %ne3A_280 : vector<16xi32>
    %lt3A_282 = arith.constant 0 : i32
    %lt3A_283 = vector.broadcast %lt3A_282 : i32 to vector<16xi32>
    %lt3A_284 = arith.cmpi slt, %rem3A_278, %lt3A_283 : vector<16xi32>
    %lt3A_285 = arith.constant 0 : i32
    %lt3A_286 = arith.cmpi slt, %select_n3A_276, %lt3A_285 : i32
    %ne3A_287 = vector.broadcast %lt3A_286 : i1 to vector<16xi1>
    %ne3A_288 = vector.broadcast %ne3A_287 : vector<16xi1> to vector<16xi1>
    %ne3A_289 = arith.xori %lt3A_284, %ne3A_288 : vector<16xi1>
    %and3A_290 = arith.andi %ne3A_289, %ne3A_281 : vector<16xi1>
    %add3A_291 = vector.broadcast %select_n3A_276 : i32 to vector<16xi32>
    %add3A_292 = arith.addi %rem3A_278, %add3A_291 : vector<16xi32>
    %select_n3A_293 = arith.select %and3A_290, %add3A_292, %rem3A_278 : vector<16xi1>, vector<16xi32>
    %add3A_294 = arith.constant 12 : i32
    %add3A_295 = vector.broadcast %add3A_294 : i32 to vector<16xi32>
    %add3A_296 = arith.addi %iota3A, %add3A_295 : vector<16xi32>
    %jit3A_297 = arith.constant 16 : i32
    %eq3A_298 = arith.constant 0 : i32
    %eq3A_299 = arith.cmpi eq, %jit3A_297, %eq3A_298 : i32
    %jit3A_300 = arith.constant 1 : i32
    %select_n3A_301 = arith.select %eq3A_299, %jit3A_300, %jit3A_297 : i32
    %rem3A_302 = vector.broadcast %select_n3A_301 : i32 to vector<16xi32>
    %rem3A_303 = arith.remsi %add3A_296, %rem3A_302 : vector<16xi32>
    %ne3A_304 = arith.constant 0 : i32
    %ne3A_305 = vector.broadcast %ne3A_304 : i32 to vector<16xi32>
    %ne3A_306 = arith.cmpi ne, %rem3A_303, %ne3A_305 : vector<16xi32>
    %lt3A_307 = arith.constant 0 : i32
    %lt3A_308 = vector.broadcast %lt3A_307 : i32 to vector<16xi32>
    %lt3A_309 = arith.cmpi slt, %rem3A_303, %lt3A_308 : vector<16xi32>
    %lt3A_310 = arith.constant 0 : i32
    %lt3A_311 = arith.cmpi slt, %select_n3A_301, %lt3A_310 : i32
    %ne3A_312 = vector.broadcast %lt3A_311 : i1 to vector<16xi1>
    %ne3A_313 = vector.broadcast %ne3A_312 : vector<16xi1> to vector<16xi1>
    %ne3A_314 = arith.xori %lt3A_309, %ne3A_313 : vector<16xi1>
    %and3A_315 = arith.andi %ne3A_314, %ne3A_306 : vector<16xi1>
    %add3A_316 = vector.broadcast %select_n3A_301 : i32 to vector<16xi32>
    %add3A_317 = arith.addi %rem3A_303, %add3A_316 : vector<16xi32>
    %select_n3A_318 = arith.select %and3A_315, %add3A_317, %rem3A_303 : vector<16xi1>, vector<16xi32>
    %add3A_319 = arith.constant 13 : i32
    %add3A_320 = vector.broadcast %add3A_319 : i32 to vector<16xi32>
    %add3A_321 = arith.addi %iota3A, %add3A_320 : vector<16xi32>
    %jit3A_322 = arith.constant 16 : i32
    %eq3A_323 = arith.constant 0 : i32
    %eq3A_324 = arith.cmpi eq, %jit3A_322, %eq3A_323 : i32
    %jit3A_325 = arith.constant 1 : i32
    %select_n3A_326 = arith.select %eq3A_324, %jit3A_325, %jit3A_322 : i32
    %rem3A_327 = vector.broadcast %select_n3A_326 : i32 to vector<16xi32>
    %rem3A_328 = arith.remsi %add3A_321, %rem3A_327 : vector<16xi32>
    %ne3A_329 = arith.constant 0 : i32
    %ne3A_330 = vector.broadcast %ne3A_329 : i32 to vector<16xi32>
    %ne3A_331 = arith.cmpi ne, %rem3A_328, %ne3A_330 : vector<16xi32>
    %lt3A_332 = arith.constant 0 : i32
    %lt3A_333 = vector.broadcast %lt3A_332 : i32 to vector<16xi32>
    %lt3A_334 = arith.cmpi slt, %rem3A_328, %lt3A_333 : vector<16xi32>
    %lt3A_335 = arith.constant 0 : i32
    %lt3A_336 = arith.cmpi slt, %select_n3A_326, %lt3A_335 : i32
    %ne3A_337 = vector.broadcast %lt3A_336 : i1 to vector<16xi1>
    %ne3A_338 = vector.broadcast %ne3A_337 : vector<16xi1> to vector<16xi1>
    %ne3A_339 = arith.xori %lt3A_334, %ne3A_338 : vector<16xi1>
    %and3A_340 = arith.andi %ne3A_339, %ne3A_331 : vector<16xi1>
    %add3A_341 = vector.broadcast %select_n3A_326 : i32 to vector<16xi32>
    %add3A_342 = arith.addi %rem3A_328, %add3A_341 : vector<16xi32>
    %select_n3A_343 = arith.select %and3A_340, %add3A_342, %rem3A_328 : vector<16xi1>, vector<16xi32>
    %add3A_344 = arith.constant 14 : i32
    %add3A_345 = vector.broadcast %add3A_344 : i32 to vector<16xi32>
    %add3A_346 = arith.addi %iota3A, %add3A_345 : vector<16xi32>
    %jit3A_347 = arith.constant 16 : i32
    %eq3A_348 = arith.constant 0 : i32
    %eq3A_349 = arith.cmpi eq, %jit3A_347, %eq3A_348 : i32
    %jit3A_350 = arith.constant 1 : i32
    %select_n3A_351 = arith.select %eq3A_349, %jit3A_350, %jit3A_347 : i32
    %rem3A_352 = vector.broadcast %select_n3A_351 : i32 to vector<16xi32>
    %rem3A_353 = arith.remsi %add3A_346, %rem3A_352 : vector<16xi32>
    %ne3A_354 = arith.constant 0 : i32
    %ne3A_355 = vector.broadcast %ne3A_354 : i32 to vector<16xi32>
    %ne3A_356 = arith.cmpi ne, %rem3A_353, %ne3A_355 : vector<16xi32>
    %lt3A_357 = arith.constant 0 : i32
    %lt3A_358 = vector.broadcast %lt3A_357 : i32 to vector<16xi32>
    %lt3A_359 = arith.cmpi slt, %rem3A_353, %lt3A_358 : vector<16xi32>
    %lt3A_360 = arith.constant 0 : i32
    %lt3A_361 = arith.cmpi slt, %select_n3A_351, %lt3A_360 : i32
    %ne3A_362 = vector.broadcast %lt3A_361 : i1 to vector<16xi1>
    %ne3A_363 = vector.broadcast %ne3A_362 : vector<16xi1> to vector<16xi1>
    %ne3A_364 = arith.xori %lt3A_359, %ne3A_363 : vector<16xi1>
    %and3A_365 = arith.andi %ne3A_364, %ne3A_356 : vector<16xi1>
    %add3A_366 = vector.broadcast %select_n3A_351 : i32 to vector<16xi32>
    %add3A_367 = arith.addi %rem3A_353, %add3A_366 : vector<16xi32>
    %select_n3A_368 = arith.select %and3A_365, %add3A_367, %rem3A_353 : vector<16xi1>, vector<16xi32>
    %add3A_369 = arith.constant 15 : i32
    %add3A_370 = vector.broadcast %add3A_369 : i32 to vector<16xi32>
    %add3A_371 = arith.addi %iota3A, %add3A_370 : vector<16xi32>
    %jit3A_372 = arith.constant 16 : i32
    %eq3A_373 = arith.constant 0 : i32
    %eq3A_374 = arith.cmpi eq, %jit3A_372, %eq3A_373 : i32
    %jit3A_375 = arith.constant 1 : i32
    %select_n3A_376 = arith.select %eq3A_374, %jit3A_375, %jit3A_372 : i32
    %rem3A_377 = vector.broadcast %select_n3A_376 : i32 to vector<16xi32>
    %rem3A_378 = arith.remsi %add3A_371, %rem3A_377 : vector<16xi32>
    %ne3A_379 = arith.constant 0 : i32
    %ne3A_380 = vector.broadcast %ne3A_379 : i32 to vector<16xi32>
    %ne3A_381 = arith.cmpi ne, %rem3A_378, %ne3A_380 : vector<16xi32>
    %lt3A_382 = arith.constant 0 : i32
    %lt3A_383 = vector.broadcast %lt3A_382 : i32 to vector<16xi32>
    %lt3A_384 = arith.cmpi slt, %rem3A_378, %lt3A_383 : vector<16xi32>
    %lt3A_385 = arith.constant 0 : i32
    %lt3A_386 = arith.cmpi slt, %select_n3A_376, %lt3A_385 : i32
    %ne3A_387 = vector.broadcast %lt3A_386 : i1 to vector<16xi1>
    %ne3A_388 = vector.broadcast %ne3A_387 : vector<16xi1> to vector<16xi1>
    %ne3A_389 = arith.xori %lt3A_384, %ne3A_388 : vector<16xi1>
    %and3A_390 = arith.andi %ne3A_389, %ne3A_381 : vector<16xi1>
    %add3A_391 = vector.broadcast %select_n3A_376 : i32 to vector<16xi32>
    %add3A_392 = arith.addi %rem3A_378, %add3A_391 : vector<16xi32>
    %select_n3A_393 = arith.select %and3A_390, %add3A_392, %rem3A_378 : vector<16xi1>, vector<16xi32>
    %add3A_394 = arith.constant 0 : i32
    %add3A_395 = vector.broadcast %add3A_394 : i32 to vector<16xi32>
    %add3A_396 = arith.addi %select_n3A_18, %add3A_395 : vector<16xi32>
    %add3A_397 = arith.constant 0 : i32
    %add3A_398 = vector.broadcast %add3A_397 : i32 to vector<16xi32>
    %add3A_399 = arith.addi %select_n3A_43, %add3A_398 : vector<16xi32>
    %add3A_400 = arith.constant 0 : i32
    %add3A_401 = vector.broadcast %add3A_400 : i32 to vector<16xi32>
    %add3A_402 = arith.addi %select_n3A_68, %add3A_401 : vector<16xi32>
    %add3A_403 = arith.constant 0 : i32
    %add3A_404 = vector.broadcast %add3A_403 : i32 to vector<16xi32>
    %add3A_405 = arith.addi %select_n3A_93, %add3A_404 : vector<16xi32>
    %add3A_406 = arith.constant 0 : i32
    %add3A_407 = vector.broadcast %add3A_406 : i32 to vector<16xi32>
    %add3A_408 = arith.addi %select_n3A_118, %add3A_407 : vector<16xi32>
    %add3A_409 = arith.constant 0 : i32
    %add3A_410 = vector.broadcast %add3A_409 : i32 to vector<16xi32>
    %add3A_411 = arith.addi %select_n3A_143, %add3A_410 : vector<16xi32>
    %add3A_412 = arith.constant 0 : i32
    %add3A_413 = vector.broadcast %add3A_412 : i32 to vector<16xi32>
    %add3A_414 = arith.addi %select_n3A_168, %add3A_413 : vector<16xi32>
    %add3A_415 = arith.constant 0 : i32
    %add3A_416 = vector.broadcast %add3A_415 : i32 to vector<16xi32>
    %add3A_417 = arith.addi %select_n3A_193, %add3A_416 : vector<16xi32>
    %add3A_418 = arith.constant 0 : i32
    %add3A_419 = vector.broadcast %add3A_418 : i32 to vector<16xi32>
    %add3A_420 = arith.addi %select_n3A_218, %add3A_419 : vector<16xi32>
    %add3A_421 = arith.constant 0 : i32
    %add3A_422 = vector.broadcast %add3A_421 : i32 to vector<16xi32>
    %add3A_423 = arith.addi %select_n3A_243, %add3A_422 : vector<16xi32>
    %add3A_424 = arith.constant 0 : i32
    %add3A_425 = vector.broadcast %add3A_424 : i32 to vector<16xi32>
    %add3A_426 = arith.addi %select_n3A_268, %add3A_425 : vector<16xi32>
    %add3A_427 = arith.constant 0 : i32
    %add3A_428 = vector.broadcast %add3A_427 : i32 to vector<16xi32>
    %add3A_429 = arith.addi %select_n3A_293, %add3A_428 : vector<16xi32>
    %add3A_430 = arith.constant 0 : i32
    %add3A_431 = vector.broadcast %add3A_430 : i32 to vector<16xi32>
    %add3A_432 = arith.addi %select_n3A_318, %add3A_431 : vector<16xi32>
    %add3A_433 = arith.constant 0 : i32
    %add3A_434 = vector.broadcast %add3A_433 : i32 to vector<16xi32>
    %add3A_435 = arith.addi %select_n3A_343, %add3A_434 : vector<16xi32>
    %add3A_436 = arith.constant 0 : i32
    %add3A_437 = vector.broadcast %add3A_436 : i32 to vector<16xi32>
    %add3A_438 = arith.addi %select_n3A_368, %add3A_437 : vector<16xi32>
    %add3A_439 = arith.constant 0 : i32
    %add3A_440 = vector.broadcast %add3A_439 : i32 to vector<16xi32>
    %add3A_441 = arith.addi %select_n3A_393, %add3A_440 : vector<16xi32>
    %add3A_442 = arith.constant 16 : i32
    %add3A_443 = vector.broadcast %add3A_442 : i32 to vector<16xi32>
    %add3A_444 = arith.addi %select_n3A_18, %add3A_443 : vector<16xi32>
    %add3A_445 = arith.constant 16 : i32
    %add3A_446 = vector.broadcast %add3A_445 : i32 to vector<16xi32>
    %add3A_447 = arith.addi %select_n3A_43, %add3A_446 : vector<16xi32>
    %add3A_448 = arith.constant 16 : i32
    %add3A_449 = vector.broadcast %add3A_448 : i32 to vector<16xi32>
    %add3A_450 = arith.addi %select_n3A_68, %add3A_449 : vector<16xi32>
    %add3A_451 = arith.constant 16 : i32
    %add3A_452 = vector.broadcast %add3A_451 : i32 to vector<16xi32>
    %add3A_453 = arith.addi %select_n3A_93, %add3A_452 : vector<16xi32>
    %add3A_454 = arith.constant 16 : i32
    %add3A_455 = vector.broadcast %add3A_454 : i32 to vector<16xi32>
    %add3A_456 = arith.addi %select_n3A_118, %add3A_455 : vector<16xi32>
    %add3A_457 = arith.constant 16 : i32
    %add3A_458 = vector.broadcast %add3A_457 : i32 to vector<16xi32>
    %add3A_459 = arith.addi %select_n3A_143, %add3A_458 : vector<16xi32>
    %add3A_460 = arith.constant 16 : i32
    %add3A_461 = vector.broadcast %add3A_460 : i32 to vector<16xi32>
    %add3A_462 = arith.addi %select_n3A_168, %add3A_461 : vector<16xi32>
    %add3A_463 = arith.constant 16 : i32
    %add3A_464 = vector.broadcast %add3A_463 : i32 to vector<16xi32>
    %add3A_465 = arith.addi %select_n3A_193, %add3A_464 : vector<16xi32>
    %add3A_466 = arith.constant 16 : i32
    %add3A_467 = vector.broadcast %add3A_466 : i32 to vector<16xi32>
    %add3A_468 = arith.addi %select_n3A_218, %add3A_467 : vector<16xi32>
    %add3A_469 = arith.constant 16 : i32
    %add3A_470 = vector.broadcast %add3A_469 : i32 to vector<16xi32>
    %add3A_471 = arith.addi %select_n3A_243, %add3A_470 : vector<16xi32>
    %add3A_472 = arith.constant 16 : i32
    %add3A_473 = vector.broadcast %add3A_472 : i32 to vector<16xi32>
    %add3A_474 = arith.addi %select_n3A_268, %add3A_473 : vector<16xi32>
    %add3A_475 = arith.constant 16 : i32
    %add3A_476 = vector.broadcast %add3A_475 : i32 to vector<16xi32>
    %add3A_477 = arith.addi %select_n3A_293, %add3A_476 : vector<16xi32>
    %add3A_478 = arith.constant 16 : i32
    %add3A_479 = vector.broadcast %add3A_478 : i32 to vector<16xi32>
    %add3A_480 = arith.addi %select_n3A_318, %add3A_479 : vector<16xi32>
    %add3A_481 = arith.constant 16 : i32
    %add3A_482 = vector.broadcast %add3A_481 : i32 to vector<16xi32>
    %add3A_483 = arith.addi %select_n3A_343, %add3A_482 : vector<16xi32>
    %add3A_484 = arith.constant 16 : i32
    %add3A_485 = vector.broadcast %add3A_484 : i32 to vector<16xi32>
    %add3A_486 = arith.addi %select_n3A_368, %add3A_485 : vector<16xi32>
    %add3A_487 = arith.constant 16 : i32
    %add3A_488 = vector.broadcast %add3A_487 : i32 to vector<16xi32>
    %add3A_489 = arith.addi %select_n3A_393, %add3A_488 : vector<16xi32>
    %add3A_490 = arith.constant 0 : i32
    %add3A_491 = arith.addi %add3A, %add3A_490 : i32
    %min3A = arith.constant 3906 : i32
    %min3A_492 = arith.minsi %add3A_491, %min3A : i32
    %mul3A_493 = arith.constant 256 : i32
    %mul3A_494 = arith.muli %min3A_492, %mul3A_493 : i32
    %multiple_of3A = tpu.assume_multiple %mul3A_494, 256 : i32
    %dma_start3A = arith.constant 0 : i32
    %dma_start3A_495 = tpu.memref_slice %arg2[%dma_start3A, %multiple_of3A] : memref<32x1000000xf32, #tpu.memory_space<hbm>> -> memref<32x256xf32, #tpu.memory_space<hbm>>
    %dma_start3A_496 = arith.constant 0 : i32
    %dma_start3A_497 = tpu.memref_slice %arg2[%dma_start3A_496, %multiple_of3A] : memref<32x1000000xf32, #tpu.memory_space<hbm>> -> memref<32x256xf32, #tpu.memory_space<hbm>>
    tpu.enqueue_dma source(%dma_start3A_497 : memref<32x256xf32, #tpu.memory_space<hbm>>) target(%arg4 : memref<32x256xf32, #tpu.memory_space<vmem>>) target_semaphore(%arg8 : memref<!tpu.dma_semaphore, #tpu.memory_space<semaphore_mem>>)
    %scan3A = arith.constant 0 : i32
    %scan3A_498 = arith.constant 0 : i32
    %scan3A_499 = arith.constant 62 : i32
    %scan3A_500 = arith.addi %scan3A_498, %scan3A_499 : i32
    %scan3A_501 = arith.constant 1 : i32
    scf.for %scan3A_516 = %scan3A_498 to %scan3A_500 step %scan3A_501  : i32 {
      %mul3A_517 = arith.constant 2 : i32
      %mul3A_518 = arith.muli %mul3A_517, %scan3A_516 : i32
      %add3A_519 = arith.constant 0 : i32
      %add3A_520 = arith.addi %mul3A_518, %add3A_519 : i32
      %dma_wait3A_521 = arith.constant 0 : i32
      %dma_wait3A_522 = arith.constant 0 : i32
      %dma_wait3A_523 = tpu.memref_slice %arg2[%dma_wait3A_521, %dma_wait3A_522] : memref<32x1000000xf32, #tpu.memory_space<hbm>> -> memref<32x256xf32, #tpu.memory_space<hbm>>
      %dma_wait3A_524 = arith.constant 0 : i32
      %dma_wait3A_525 = arith.constant 0 : i32
      %dma_wait3A_526 = tpu.memref_slice %arg2[%dma_wait3A_524, %dma_wait3A_525] : memref<32x1000000xf32, #tpu.memory_space<hbm>> -> memref<32x256xf32, #tpu.memory_space<hbm>>
      tpu.wait_dma2 semaphore(%arg8 : memref<!tpu.dma_semaphore, #tpu.memory_space<semaphore_mem>>) src(%dma_wait3A_526 : memref<32x256xf32, #tpu.memory_space<hbm>>) dst(%arg4 : memref<32x256xf32, #tpu.memory_space<vmem>>)
      %add3A_527 = arith.constant 1 : i32
      %add3A_528 = arith.addi %add3A_520, %add3A_527 : i32
      %mul3A_529 = arith.constant 32 : i32
      %mul3A_530 = arith.muli %add3A_528, %mul3A_529 : i32
      %add3A_531 = arith.addi %add3A, %mul3A_530 : i32
      %min3A_532 = arith.constant 3906 : i32
      %min3A_533 = arith.minsi %add3A_531, %min3A_532 : i32
      %mul3A_534 = arith.constant 256 : i32
      %mul3A_535 = arith.muli %min3A_533, %mul3A_534 : i32
      %multiple_of3A_536 = tpu.assume_multiple %mul3A_535, 256 : i32
      %dma_start3A_537 = arith.constant 0 : i32
      %dma_start3A_538 = tpu.memref_slice %arg2[%dma_start3A_537, %multiple_of3A_536] : memref<32x1000000xf32, #tpu.memory_space<hbm>> -> memref<32x256xf32, #tpu.memory_space<hbm>>
      %dma_start3A_539 = arith.constant 0 : i32
      %dma_start3A_540 = tpu.memref_slice %arg2[%dma_start3A_539, %multiple_of3A_536] : memref<32x1000000xf32, #tpu.memory_space<hbm>> -> memref<32x256xf32, #tpu.memory_space<hbm>>
      tpu.enqueue_dma source(%dma_start3A_540 : memref<32x256xf32, #tpu.memory_space<hbm>>) target(%arg5 : memref<32x256xf32, #tpu.memory_space<vmem>>) target_semaphore(%arg9 : memref<!tpu.dma_semaphore, #tpu.memory_space<semaphore_mem>>)
      %ge3A = arith.constant 1 : i32
      %ge3A_541 = arith.cmpi sge, %scan3A_516, %ge3A : i32
      %convert_element_type3A = arith.extui %ge3A_541 : i1 to i32
      %cond3A = arith.constant 0 : i32
      %cond3A_542 = arith.cmpi ne, %convert_element_type3A, %cond3A : i32
      scf.if %cond3A_542 {
        %dma_wait3A_608 = arith.constant 0 : i32
        %dma_wait3A_609 = tpu.memref_slice %arg3[%dma_wait3A_608] : memref<32006144xf32, #tpu.memory_space<hbm>> -> memref<8192xf32, #tpu.memory_space<hbm>>
        %dma_wait3A_610 = arith.constant 0 : i32
        %dma_wait3A_611 = tpu.memref_slice %arg3[%dma_wait3A_610] : memref<32006144xf32, #tpu.memory_space<hbm>> -> memref<8192xf32, #tpu.memory_space<hbm>>
        tpu.wait_dma2 semaphore(%arg10 : memref<!tpu.dma_semaphore, #tpu.memory_space<semaphore_mem>>) src(%arg6 : memref<8192xf32, #tpu.memory_space<vmem>>) dst(%dma_wait3A_611 : memref<8192xf32, #tpu.memory_space<hbm>>)
      } else {
      }
      %scan3A_543 = arith.constant 0 : i32
      %scan3A_544 = arith.constant 0 : i32
      %scan3A_545 = arith.constant 16 : i32
      %scan3A_546 = arith.addi %scan3A_544, %scan3A_545 : i32
      %scan3A_547 = arith.constant 1 : i32
      scf.for %scan3A_608 = %scan3A_544 to %scan3A_546 step %scan3A_547  : i32 {
        %mul3A_609 = arith.constant 16 : i32
        %mul3A_610 = arith.muli %scan3A_608, %mul3A_609 : i32
        %add3A_611 = vector.broadcast %mul3A_610 : i32 to vector<16xi32>
        %add3A_612 = arith.addi %add3A_611, %iota3A : vector<16xi32>
        %mul3A_613 = arith.constant 32 : i32
        %mul3A_614 = vector.broadcast %mul3A_613 : i32 to vector<16xi32>
        %mul3A_615 = arith.muli %add3A_612, %mul3A_614 : vector<16xi32>
        %add3A_616 = arith.constant 0 : i32
        %add3A_617 = vector.broadcast %add3A_616 : i32 to vector<16xi32>
        %add3A_618 = arith.addi %mul3A_615, %add3A_617 : vector<16xi32>
        %gather3A = tpu.vector_load_idx %arg4[%add3A_396, %add3A_612] : memref<32x256xf32, #tpu.memory_space<vmem>>[vector<16xi32>, vector<16xi32>], vector<16xf32>,
        %add3A_619 = arith.addi %add3A_618, %select_n3A_18 : vector<16xi32>
        tpu.vector_store_idx %arg6[%add3A_619], %gather3A : memref<8192xf32, #tpu.memory_space<vmem>>[vector<16xi32>], vector<16xf32>,
        %gather3A_620 = tpu.vector_load_idx %arg4[%add3A_399, %add3A_612] : memref<32x256xf32, #tpu.memory_space<vmem>>[vector<16xi32>, vector<16xi32>], vector<16xf32>,
        %add3A_621 = arith.addi %add3A_618, %select_n3A_43 : vector<16xi32>
        tpu.vector_store_idx %arg6[%add3A_621], %gather3A_620 : memref<8192xf32, #tpu.memory_space<vmem>>[vector<16xi32>], vector<16xf32>,
        %gather3A_622 = tpu.vector_load_idx %arg4[%add3A_402, %add3A_612] : memref<32x256xf32, #tpu.memory_space<vmem>>[vector<16xi32>, vector<16xi32>], vector<16xf32>,
        %add3A_623 = arith.addi %add3A_618, %select_n3A_68 : vector<16xi32>
        tpu.vector_store_idx %arg6[%add3A_623], %gather3A_622 : memref<8192xf32, #tpu.memory_space<vmem>>[vector<16xi32>], vector<16xf32>,
        %gather3A_624 = tpu.vector_load_idx %arg4[%add3A_405, %add3A_612] : memref<32x256xf32, #tpu.memory_space<vmem>>[vector<16xi32>, vector<16xi32>], vector<16xf32>,
        %add3A_625 = arith.addi %add3A_618, %select_n3A_93 : vector<16xi32>
        tpu.vector_store_idx %arg6[%add3A_625], %gather3A_624 : memref<8192xf32, #tpu.memory_space<vmem>>[vector<16xi32>], vector<16xf32>,
        %gather3A_626 = tpu.vector_load_idx %arg4[%add3A_408, %add3A_612] : memref<32x256xf32, #tpu.memory_space<vmem>>[vector<16xi32>, vector<16xi32>], vector<16xf32>,
        %add3A_627 = arith.addi %add3A_618, %select_n3A_118 : vector<16xi32>
        tpu.vector_store_idx %arg6[%add3A_627], %gather3A_626 : memref<8192xf32, #tpu.memory_space<vmem>>[vector<16xi32>], vector<16xf32>,
        %gather3A_628 = tpu.vector_load_idx %arg4[%add3A_411, %add3A_612] : memref<32x256xf32, #tpu.memory_space<vmem>>[vector<16xi32>, vector<16xi32>], vector<16xf32>,
        %add3A_629 = arith.addi %add3A_618, %select_n3A_143 : vector<16xi32>
        tpu.vector_store_idx %arg6[%add3A_629], %gather3A_628 : memref<8192xf32, #tpu.memory_space<vmem>>[vector<16xi32>], vector<16xf32>,
        %gather3A_630 = tpu.vector_load_idx %arg4[%add3A_414, %add3A_612] : memref<32x256xf32, #tpu.memory_space<vmem>>[vector<16xi32>, vector<16xi32>], vector<16xf32>,
        %add3A_631 = arith.addi %add3A_618, %select_n3A_168 : vector<16xi32>
        tpu.vector_store_idx %arg6[%add3A_631], %gather3A_630 : memref<8192xf32, #tpu.memory_space<vmem>>[vector<16xi32>], vector<16xf32>,
        %gather3A_632 = tpu.vector_load_idx %arg4[%add3A_417, %add3A_612] : memref<32x256xf32, #tpu.memory_space<vmem>>[vector<16xi32>, vector<16xi32>], vector<16xf32>,
        %add3A_633 = arith.addi %add3A_618, %select_n3A_193 : vector<16xi32>
        tpu.vector_store_idx %arg6[%add3A_633], %gather3A_632 : memref<8192xf32, #tpu.memory_space<vmem>>[vector<16xi32>], vector<16xf32>,
        %gather3A_634 = tpu.vector_load_idx %arg4[%add3A_420, %add3A_612] : memref<32x256xf32, #tpu.memory_space<vmem>>[vector<16xi32>, vector<16xi32>], vector<16xf32>,
        %add3A_635 = arith.addi %add3A_618, %select_n3A_218 : vector<16xi32>
        tpu.vector_store_idx %arg6[%add3A_635], %gather3A_634 : memref<8192xf32, #tpu.memory_space<vmem>>[vector<16xi32>], vector<16xf32>,
        %gather3A_636 = tpu.vector_load_idx %arg4[%add3A_423, %add3A_612] : memref<32x256xf32, #tpu.memory_space<vmem>>[vector<16xi32>, vector<16xi32>], vector<16xf32>,
        %add3A_637 = arith.addi %add3A_618, %select_n3A_243 : vector<16xi32>
        tpu.vector_store_idx %arg6[%add3A_637], %gather3A_636 : memref<8192xf32, #tpu.memory_space<vmem>>[vector<16xi32>], vector<16xf32>,
        %gather3A_638 = tpu.vector_load_idx %arg4[%add3A_426, %add3A_612] : memref<32x256xf32, #tpu.memory_space<vmem>>[vector<16xi32>, vector<16xi32>], vector<16xf32>,
        %add3A_639 = arith.addi %add3A_618, %select_n3A_268 : vector<16xi32>
        tpu.vector_store_idx %arg6[%add3A_639], %gather3A_638 : memref<8192xf32, #tpu.memory_space<vmem>>[vector<16xi32>], vector<16xf32>,
        %gather3A_640 = tpu.vector_load_idx %arg4[%add3A_429, %add3A_612] : memref<32x256xf32, #tpu.memory_space<vmem>>[vector<16xi32>, vector<16xi32>], vector<16xf32>,
        %add3A_641 = arith.addi %add3A_618, %select_n3A_293 : vector<16xi32>
        tpu.vector_store_idx %arg6[%add3A_641], %gather3A_640 : memref<8192xf32, #tpu.memory_space<vmem>>[vector<16xi32>], vector<16xf32>,
        %gather3A_642 = tpu.vector_load_idx %arg4[%add3A_432, %add3A_612] : memref<32x256xf32, #tpu.memory_space<vmem>>[vector<16xi32>, vector<16xi32>], vector<16xf32>,
        %add3A_643 = arith.addi %add3A_618, %select_n3A_318 : vector<16xi32>
        tpu.vector_store_idx %arg6[%add3A_643], %gather3A_642 : memref<8192xf32, #tpu.memory_space<vmem>>[vector<16xi32>], vector<16xf32>,
        %gather3A_644 = tpu.vector_load_idx %arg4[%add3A_435, %add3A_612] : memref<32x256xf32, #tpu.memory_space<vmem>>[vector<16xi32>, vector<16xi32>], vector<16xf32>,
        %add3A_645 = arith.addi %add3A_618, %select_n3A_343 : vector<16xi32>
        tpu.vector_store_idx %arg6[%add3A_645], %gather3A_644 : memref<8192xf32, #tpu.memory_space<vmem>>[vector<16xi32>], vector<16xf32>,
        %gather3A_646 = tpu.vector_load_idx %arg4[%add3A_438, %add3A_612] : memref<32x256xf32, #tpu.memory_space<vmem>>[vector<16xi32>, vector<16xi32>], vector<16xf32>,
        %add3A_647 = arith.addi %add3A_618, %select_n3A_368 : vector<16xi32>
        tpu.vector_store_idx %arg6[%add3A_647], %gather3A_646 : memref<8192xf32, #tpu.memory_space<vmem>>[vector<16xi32>], vector<16xf32>,
        %gather3A_648 = tpu.vector_load_idx %arg4[%add3A_441, %add3A_612] : memref<32x256xf32, #tpu.memory_space<vmem>>[vector<16xi32>, vector<16xi32>], vector<16xf32>,
        %add3A_649 = arith.addi %add3A_618, %select_n3A_393 : vector<16xi32>
        tpu.vector_store_idx %arg6[%add3A_649], %gather3A_648 : memref<8192xf32, #tpu.memory_space<vmem>>[vector<16xi32>], vector<16xf32>,
        %mul3A_650 = arith.constant 32 : i32
        %mul3A_651 = vector.broadcast %mul3A_650 : i32 to vector<16xi32>
        %mul3A_652 = arith.muli %add3A_612, %mul3A_651 : vector<16xi32>
        %add3A_653 = arith.constant 16 : i32
        %add3A_654 = vector.broadcast %add3A_653 : i32 to vector<16xi32>
        %add3A_655 = arith.addi %mul3A_652, %add3A_654 : vector<16xi32>
        %gather3A_656 = tpu.vector_load_idx %arg4[%add3A_444, %add3A_612] : memref<32x256xf32, #tpu.memory_space<vmem>>[vector<16xi32>, vector<16xi32>], vector<16xf32>,
        %add3A_657 = arith.addi %add3A_655, %select_n3A_18 : vector<16xi32>
        tpu.vector_store_idx %arg6[%add3A_657], %gather3A_656 : memref<8192xf32, #tpu.memory_space<vmem>>[vector<16xi32>], vector<16xf32>,
        %gather3A_658 = tpu.vector_load_idx %arg4[%add3A_447, %add3A_612] : memref<32x256xf32, #tpu.memory_space<vmem>>[vector<16xi32>, vector<16xi32>], vector<16xf32>,
        %add3A_659 = arith.addi %add3A_655, %select_n3A_43 : vector<16xi32>
        tpu.vector_store_idx %arg6[%add3A_659], %gather3A_658 : memref<8192xf32, #tpu.memory_space<vmem>>[vector<16xi32>], vector<16xf32>,
        %gather3A_660 = tpu.vector_load_idx %arg4[%add3A_450, %add3A_612] : memref<32x256xf32, #tpu.memory_space<vmem>>[vector<16xi32>, vector<16xi32>], vector<16xf32>,
        %add3A_661 = arith.addi %add3A_655, %select_n3A_68 : vector<16xi32>
        tpu.vector_store_idx %arg6[%add3A_661], %gather3A_660 : memref<8192xf32, #tpu.memory_space<vmem>>[vector<16xi32>], vector<16xf32>,
        %gather3A_662 = tpu.vector_load_idx %arg4[%add3A_453, %add3A_612] : memref<32x256xf32, #tpu.memory_space<vmem>>[vector<16xi32>, vector<16xi32>], vector<16xf32>,
        %add3A_663 = arith.addi %add3A_655, %select_n3A_93 : vector<16xi32>
        tpu.vector_store_idx %arg6[%add3A_663], %gather3A_662 : memref<8192xf32, #tpu.memory_space<vmem>>[vector<16xi32>], vector<16xf32>,
        %gather3A_664 = tpu.vector_load_idx %arg4[%add3A_456, %add3A_612] : memref<32x256xf32, #tpu.memory_space<vmem>>[vector<16xi32>, vector<16xi32>], vector<16xf32>,
        %add3A_665 = arith.addi %add3A_655, %select_n3A_118 : vector<16xi32>
        tpu.vector_store_idx %arg6[%add3A_665], %gather3A_664 : memref<8192xf32, #tpu.memory_space<vmem>>[vector<16xi32>], vector<16xf32>,
        %gather3A_666 = tpu.vector_load_idx %arg4[%add3A_459, %add3A_612] : memref<32x256xf32, #tpu.memory_space<vmem>>[vector<16xi32>, vector<16xi32>], vector<16xf32>,
        %add3A_667 = arith.addi %add3A_655, %select_n3A_143 : vector<16xi32>
        tpu.vector_store_idx %arg6[%add3A_667], %gather3A_666 : memref<8192xf32, #tpu.memory_space<vmem>>[vector<16xi32>], vector<16xf32>,
        %gather3A_668 = tpu.vector_load_idx %arg4[%add3A_462, %add3A_612] : memref<32x256xf32, #tpu.memory_space<vmem>>[vector<16xi32>, vector<16xi32>], vector<16xf32>,
        %add3A_669 = arith.addi %add3A_655, %select_n3A_168 : vector<16xi32>
        tpu.vector_store_idx %arg6[%add3A_669], %gather3A_668 : memref<8192xf32, #tpu.memory_space<vmem>>[vector<16xi32>], vector<16xf32>,
        %gather3A_670 = tpu.vector_load_idx %arg4[%add3A_465, %add3A_612] : memref<32x256xf32, #tpu.memory_space<vmem>>[vector<16xi32>, vector<16xi32>], vector<16xf32>,
        %add3A_671 = arith.addi %add3A_655, %select_n3A_193 : vector<16xi32>
        tpu.vector_store_idx %arg6[%add3A_671], %gather3A_670 : memref<8192xf32, #tpu.memory_space<vmem>>[vector<16xi32>], vector<16xf32>,
        %gather3A_672 = tpu.vector_load_idx %arg4[%add3A_468, %add3A_612] : memref<32x256xf32, #tpu.memory_space<vmem>>[vector<16xi32>, vector<16xi32>], vector<16xf32>,
        %add3A_673 = arith.addi %add3A_655, %select_n3A_218 : vector<16xi32>
        tpu.vector_store_idx %arg6[%add3A_673], %gather3A_672 : memref<8192xf32, #tpu.memory_space<vmem>>[vector<16xi32>], vector<16xf32>,
        %gather3A_674 = tpu.vector_load_idx %arg4[%add3A_471, %add3A_612] : memref<32x256xf32, #tpu.memory_space<vmem>>[vector<16xi32>, vector<16xi32>], vector<16xf32>,
        %add3A_675 = arith.addi %add3A_655, %select_n3A_243 : vector<16xi32>
        tpu.vector_store_idx %arg6[%add3A_675], %gather3A_674 : memref<8192xf32, #tpu.memory_space<vmem>>[vector<16xi32>], vector<16xf32>,
        %gather3A_676 = tpu.vector_load_idx %arg4[%add3A_474, %add3A_612] : memref<32x256xf32, #tpu.memory_space<vmem>>[vector<16xi32>, vector<16xi32>], vector<16xf32>,
        %add3A_677 = arith.addi %add3A_655, %select_n3A_268 : vector<16xi32>
        tpu.vector_store_idx %arg6[%add3A_677], %gather3A_676 : memref<8192xf32, #tpu.memory_space<vmem>>[vector<16xi32>], vector<16xf32>,
        %gather3A_678 = tpu.vector_load_idx %arg4[%add3A_477, %add3A_612] : memref<32x256xf32, #tpu.memory_space<vmem>>[vector<16xi32>, vector<16xi32>], vector<16xf32>,
        %add3A_679 = arith.addi %add3A_655, %select_n3A_293 : vector<16xi32>
        tpu.vector_store_idx %arg6[%add3A_679], %gather3A_678 : memref<8192xf32, #tpu.memory_space<vmem>>[vector<16xi32>], vector<16xf32>,
        %gather3A_680 = tpu.vector_load_idx %arg4[%add3A_480, %add3A_612] : memref<32x256xf32, #tpu.memory_space<vmem>>[vector<16xi32>, vector<16xi32>], vector<16xf32>,
        %add3A_681 = arith.addi %add3A_655, %select_n3A_318 : vector<16xi32>
        tpu.vector_store_idx %arg6[%add3A_681], %gather3A_680 : memref<8192xf32, #tpu.memory_space<vmem>>[vector<16xi32>], vector<16xf32>,
        %gather3A_682 = tpu.vector_load_idx %arg4[%add3A_483, %add3A_612] : memref<32x256xf32, #tpu.memory_space<vmem>>[vector<16xi32>, vector<16xi32>], vector<16xf32>,
        %add3A_683 = arith.addi %add3A_655, %select_n3A_343 : vector<16xi32>
        tpu.vector_store_idx %arg6[%add3A_683], %gather3A_682 : memref<8192xf32, #tpu.memory_space<vmem>>[vector<16xi32>], vector<16xf32>,
        %gather3A_684 = tpu.vector_load_idx %arg4[%add3A_486, %add3A_612] : memref<32x256xf32, #tpu.memory_space<vmem>>[vector<16xi32>, vector<16xi32>], vector<16xf32>,
        %add3A_685 = arith.addi %add3A_655, %select_n3A_368 : vector<16xi32>
        tpu.vector_store_idx %arg6[%add3A_685], %gather3A_684 : memref<8192xf32, #tpu.memory_space<vmem>>[vector<16xi32>], vector<16xf32>,
        %gather3A_686 = tpu.vector_load_idx %arg4[%add3A_489, %add3A_612] : memref<32x256xf32, #tpu.memory_space<vmem>>[vector<16xi32>, vector<16xi32>], vector<16xf32>,
        %add3A_687 = arith.addi %add3A_655, %select_n3A_393 : vector<16xi32>
        tpu.vector_store_idx %arg6[%add3A_687], %gather3A_686 : memref<8192xf32, #tpu.memory_space<vmem>>[vector<16xi32>], vector<16xf32>,
      }
      %scan3A_548 = arith.constant 16 : i32
      %mul3A_549 = arith.constant 32 : i32
      %mul3A_550 = arith.muli %add3A_520, %mul3A_549 : i32
      %add3A_551 = arith.addi %add3A, %mul3A_550 : i32
      %min3A_552 = arith.constant 3906 : i32
      %min3A_553 = arith.minsi %add3A_551, %min3A_552 : i32
      %mul3A_554 = arith.constant 256 : i32
      %mul3A_555 = arith.muli %min3A_553, %mul3A_554 : i32
      %multiple_of3A_556 = tpu.assume_multiple %mul3A_555, 256 : i32
      %mul3A_557 = arith.constant 32 : i32
      %mul3A_558 = arith.muli %multiple_of3A_556, %mul3A_557 : i32
      %dma_start3A_559 = tpu.memref_slice %arg3[%mul3A_558] : memref<32006144xf32, #tpu.memory_space<hbm>> -> memref<8192xf32, #tpu.memory_space<hbm>>
      %dma_start3A_560 = tpu.memref_slice %arg3[%mul3A_558] : memref<32006144xf32, #tpu.memory_space<hbm>> -> memref<8192xf32, #tpu.memory_space<hbm>>
      tpu.enqueue_dma source(%arg6 : memref<8192xf32, #tpu.memory_space<vmem>>) target(%dma_start3A_560 : memref<8192xf32, #tpu.memory_space<hbm>>) target_semaphore(%arg10 : memref<!tpu.dma_semaphore, #tpu.memory_space<semaphore_mem>>)
      %mul3A_561 = arith.constant 2 : i32
      %mul3A_562 = arith.muli %mul3A_561, %scan3A_516 : i32
      %add3A_563 = arith.constant 1 : i32
      %add3A_564 = arith.addi %mul3A_562, %add3A_563 : i32
      %dma_wait3A_565 = arith.constant 0 : i32
      %dma_wait3A_566 = arith.constant 0 : i32
      %dma_wait3A_567 = tpu.memref_slice %arg2[%dma_wait3A_565, %dma_wait3A_566] : memref<32x1000000xf32, #tpu.memory_space<hbm>> -> memref<32x256xf32, #tpu.memory_space<hbm>>
      %dma_wait3A_568 = arith.constant 0 : i32
      %dma_wait3A_569 = arith.constant 0 : i32
      %dma_wait3A_570 = tpu.memref_slice %arg2[%dma_wait3A_568, %dma_wait3A_569] : memref<32x1000000xf32, #tpu.memory_space<hbm>> -> memref<32x256xf32, #tpu.memory_space<hbm>>
      tpu.wait_dma2 semaphore(%arg9 : memref<!tpu.dma_semaphore, #tpu.memory_space<semaphore_mem>>) src(%dma_wait3A_570 : memref<32x256xf32, #tpu.memory_space<hbm>>) dst(%arg5 : memref<32x256xf32, #tpu.memory_space<vmem>>)
      %add3A_571 = arith.constant 1 : i32
      %add3A_572 = arith.addi %add3A_564, %add3A_571 : i32
      %mul3A_573 = arith.constant 32 : i32
      %mul3A_574 = arith.muli %add3A_572, %mul3A_573 : i32
      %add3A_575 = arith.addi %add3A, %mul3A_574 : i32
      %min3A_576 = arith.constant 3906 : i32
      %min3A_577 = arith.minsi %add3A_575, %min3A_576 : i32
      %mul3A_578 = arith.constant 256 : i32
      %mul3A_579 = arith.muli %min3A_577, %mul3A_578 : i32
      %multiple_of3A_580 = tpu.assume_multiple %mul3A_579, 256 : i32
      %dma_start3A_581 = arith.constant 0 : i32
      %dma_start3A_582 = tpu.memref_slice %arg2[%dma_start3A_581, %multiple_of3A_580] : memref<32x1000000xf32, #tpu.memory_space<hbm>> -> memref<32x256xf32, #tpu.memory_space<hbm>>
      %dma_start3A_583 = arith.constant 0 : i32
      %dma_start3A_584 = tpu.memref_slice %arg2[%dma_start3A_583, %multiple_of3A_580] : memref<32x1000000xf32, #tpu.memory_space<hbm>> -> memref<32x256xf32, #tpu.memory_space<hbm>>
      tpu.enqueue_dma source(%dma_start3A_584 : memref<32x256xf32, #tpu.memory_space<hbm>>) target(%arg4 : memref<32x256xf32, #tpu.memory_space<vmem>>) target_semaphore(%arg8 : memref<!tpu.dma_semaphore, #tpu.memory_space<semaphore_mem>>)
      %ge3A_585 = arith.constant 1 : i32
      %ge3A_586 = arith.cmpi sge, %scan3A_516, %ge3A_585 : i32
      %convert_element_type3A_587 = arith.extui %ge3A_586 : i1 to i32
      %cond3A_588 = arith.constant 0 : i32
      %cond3A_589 = arith.cmpi ne, %convert_element_type3A_587, %cond3A_588 : i32
      scf.if %cond3A_589 {
        %dma_wait3A_608 = arith.constant 0 : i32
        %dma_wait3A_609 = tpu.memref_slice %arg3[%dma_wait3A_608] : memref<32006144xf32, #tpu.memory_space<hbm>> -> memref<8192xf32, #tpu.memory_space<hbm>>
        %dma_wait3A_610 = arith.constant 0 : i32
        %dma_wait3A_611 = tpu.memref_slice %arg3[%dma_wait3A_610] : memref<32006144xf32, #tpu.memory_space<hbm>> -> memref<8192xf32, #tpu.memory_space<hbm>>
        tpu.wait_dma2 semaphore(%arg11 : memref<!tpu.dma_semaphore, #tpu.memory_space<semaphore_mem>>) src(%arg7 : memref<8192xf32, #tpu.memory_space<vmem>>) dst(%dma_wait3A_611 : memref<8192xf32, #tpu.memory_space<hbm>>)
      } else {
      }
      %scan3A_590 = arith.constant 0 : i32
      %scan3A_591 = arith.constant 0 : i32
      %scan3A_592 = arith.constant 16 : i32
      %scan3A_593 = arith.addi %scan3A_591, %scan3A_592 : i32
      %scan3A_594 = arith.constant 1 : i32
      scf.for %scan3A_608 = %scan3A_591 to %scan3A_593 step %scan3A_594  : i32 {
        %mul3A_609 = arith.constant 16 : i32
        %mul3A_610 = arith.muli %scan3A_608, %mul3A_609 : i32
        %add3A_611 = vector.broadcast %mul3A_610 : i32 to vector<16xi32>
        %add3A_612 = arith.addi %add3A_611, %iota3A : vector<16xi32>
        %mul3A_613 = arith.constant 32 : i32
        %mul3A_614 = vector.broadcast %mul3A_613 : i32 to vector<16xi32>
        %mul3A_615 = arith.muli %add3A_612, %mul3A_614 : vector<16xi32>
        %add3A_616 = arith.constant 0 : i32
        %add3A_617 = vector.broadcast %add3A_616 : i32 to vector<16xi32>
        %add3A_618 = arith.addi %mul3A_615, %add3A_617 : vector<16xi32>
        %gather3A = tpu.vector_load_idx %arg5[%add3A_396, %add3A_612] : memref<32x256xf32, #tpu.memory_space<vmem>>[vector<16xi32>, vector<16xi32>], vector<16xf32>,
        %add3A_619 = arith.addi %add3A_618, %select_n3A_18 : vector<16xi32>
        tpu.vector_store_idx %arg7[%add3A_619], %gather3A : memref<8192xf32, #tpu.memory_space<vmem>>[vector<16xi32>], vector<16xf32>,
        %gather3A_620 = tpu.vector_load_idx %arg5[%add3A_399, %add3A_612] : memref<32x256xf32, #tpu.memory_space<vmem>>[vector<16xi32>, vector<16xi32>], vector<16xf32>,
        %add3A_621 = arith.addi %add3A_618, %select_n3A_43 : vector<16xi32>
        tpu.vector_store_idx %arg7[%add3A_621], %gather3A_620 : memref<8192xf32, #tpu.memory_space<vmem>>[vector<16xi32>], vector<16xf32>,
        %gather3A_622 = tpu.vector_load_idx %arg5[%add3A_402, %add3A_612] : memref<32x256xf32, #tpu.memory_space<vmem>>[vector<16xi32>, vector<16xi32>], vector<16xf32>,
        %add3A_623 = arith.addi %add3A_618, %select_n3A_68 : vector<16xi32>
        tpu.vector_store_idx %arg7[%add3A_623], %gather3A_622 : memref<8192xf32, #tpu.memory_space<vmem>>[vector<16xi32>], vector<16xf32>,
        %gather3A_624 = tpu.vector_load_idx %arg5[%add3A_405, %add3A_612] : memref<32x256xf32, #tpu.memory_space<vmem>>[vector<16xi32>, vector<16xi32>], vector<16xf32>,
        %add3A_625 = arith.addi %add3A_618, %select_n3A_93 : vector<16xi32>
        tpu.vector_store_idx %arg7[%add3A_625], %gather3A_624 : memref<8192xf32, #tpu.memory_space<vmem>>[vector<16xi32>], vector<16xf32>,
        %gather3A_626 = tpu.vector_load_idx %arg5[%add3A_408, %add3A_612] : memref<32x256xf32, #tpu.memory_space<vmem>>[vector<16xi32>, vector<16xi32>], vector<16xf32>,
        %add3A_627 = arith.addi %add3A_618, %select_n3A_118 : vector<16xi32>
        tpu.vector_store_idx %arg7[%add3A_627], %gather3A_626 : memref<8192xf32, #tpu.memory_space<vmem>>[vector<16xi32>], vector<16xf32>,
        %gather3A_628 = tpu.vector_load_idx %arg5[%add3A_411, %add3A_612] : memref<32x256xf32, #tpu.memory_space<vmem>>[vector<16xi32>, vector<16xi32>], vector<16xf32>,
        %add3A_629 = arith.addi %add3A_618, %select_n3A_143 : vector<16xi32>
        tpu.vector_store_idx %arg7[%add3A_629], %gather3A_628 : memref<8192xf32, #tpu.memory_space<vmem>>[vector<16xi32>], vector<16xf32>,
        %gather3A_630 = tpu.vector_load_idx %arg5[%add3A_414, %add3A_612] : memref<32x256xf32, #tpu.memory_space<vmem>>[vector<16xi32>, vector<16xi32>], vector<16xf32>,
        %add3A_631 = arith.addi %add3A_618, %select_n3A_168 : vector<16xi32>
        tpu.vector_store_idx %arg7[%add3A_631], %gather3A_630 : memref<8192xf32, #tpu.memory_space<vmem>>[vector<16xi32>], vector<16xf32>,
        %gather3A_632 = tpu.vector_load_idx %arg5[%add3A_417, %add3A_612] : memref<32x256xf32, #tpu.memory_space<vmem>>[vector<16xi32>, vector<16xi32>], vector<16xf32>,
        %add3A_633 = arith.addi %add3A_618, %select_n3A_193 : vector<16xi32>
        tpu.vector_store_idx %arg7[%add3A_633], %gather3A_632 : memref<8192xf32, #tpu.memory_space<vmem>>[vector<16xi32>], vector<16xf32>,
        %gather3A_634 = tpu.vector_load_idx %arg5[%add3A_420, %add3A_612] : memref<32x256xf32, #tpu.memory_space<vmem>>[vector<16xi32>, vector<16xi32>], vector<16xf32>,
        %add3A_635 = arith.addi %add3A_618, %select_n3A_218 : vector<16xi32>
        tpu.vector_store_idx %arg7[%add3A_635], %gather3A_634 : memref<8192xf32, #tpu.memory_space<vmem>>[vector<16xi32>], vector<16xf32>,
        %gather3A_636 = tpu.vector_load_idx %arg5[%add3A_423, %add3A_612] : memref<32x256xf32, #tpu.memory_space<vmem>>[vector<16xi32>, vector<16xi32>], vector<16xf32>,
        %add3A_637 = arith.addi %add3A_618, %select_n3A_243 : vector<16xi32>
        tpu.vector_store_idx %arg7[%add3A_637], %gather3A_636 : memref<8192xf32, #tpu.memory_space<vmem>>[vector<16xi32>], vector<16xf32>,
        %gather3A_638 = tpu.vector_load_idx %arg5[%add3A_426, %add3A_612] : memref<32x256xf32, #tpu.memory_space<vmem>>[vector<16xi32>, vector<16xi32>], vector<16xf32>,
        %add3A_639 = arith.addi %add3A_618, %select_n3A_268 : vector<16xi32>
        tpu.vector_store_idx %arg7[%add3A_639], %gather3A_638 : memref<8192xf32, #tpu.memory_space<vmem>>[vector<16xi32>], vector<16xf32>,
        %gather3A_640 = tpu.vector_load_idx %arg5[%add3A_429, %add3A_612] : memref<32x256xf32, #tpu.memory_space<vmem>>[vector<16xi32>, vector<16xi32>], vector<16xf32>,
        %add3A_641 = arith.addi %add3A_618, %select_n3A_293 : vector<16xi32>
        tpu.vector_store_idx %arg7[%add3A_641], %gather3A_640 : memref<8192xf32, #tpu.memory_space<vmem>>[vector<16xi32>], vector<16xf32>,
        %gather3A_642 = tpu.vector_load_idx %arg5[%add3A_432, %add3A_612] : memref<32x256xf32, #tpu.memory_space<vmem>>[vector<16xi32>, vector<16xi32>], vector<16xf32>,
        %add3A_643 = arith.addi %add3A_618, %select_n3A_318 : vector<16xi32>
        tpu.vector_store_idx %arg7[%add3A_643], %gather3A_642 : memref<8192xf32, #tpu.memory_space<vmem>>[vector<16xi32>], vector<16xf32>,
        %gather3A_644 = tpu.vector_load_idx %arg5[%add3A_435, %add3A_612] : memref<32x256xf32, #tpu.memory_space<vmem>>[vector<16xi32>, vector<16xi32>], vector<16xf32>,
        %add3A_645 = arith.addi %add3A_618, %select_n3A_343 : vector<16xi32>
        tpu.vector_store_idx %arg7[%add3A_645], %gather3A_644 : memref<8192xf32, #tpu.memory_space<vmem>>[vector<16xi32>], vector<16xf32>,
        %gather3A_646 = tpu.vector_load_idx %arg5[%add3A_438, %add3A_612] : memref<32x256xf32, #tpu.memory_space<vmem>>[vector<16xi32>, vector<16xi32>], vector<16xf32>,
        %add3A_647 = arith.addi %add3A_618, %select_n3A_368 : vector<16xi32>
        tpu.vector_store_idx %arg7[%add3A_647], %gather3A_646 : memref<8192xf32, #tpu.memory_space<vmem>>[vector<16xi32>], vector<16xf32>,
        %gather3A_648 = tpu.vector_load_idx %arg5[%add3A_441, %add3A_612] : memref<32x256xf32, #tpu.memory_space<vmem>>[vector<16xi32>, vector<16xi32>], vector<16xf32>,
        %add3A_649 = arith.addi %add3A_618, %select_n3A_393 : vector<16xi32>
        tpu.vector_store_idx %arg7[%add3A_649], %gather3A_648 : memref<8192xf32, #tpu.memory_space<vmem>>[vector<16xi32>], vector<16xf32>,
        %mul3A_650 = arith.constant 32 : i32
        %mul3A_651 = vector.broadcast %mul3A_650 : i32 to vector<16xi32>
        %mul3A_652 = arith.muli %add3A_612, %mul3A_651 : vector<16xi32>
        %add3A_653 = arith.constant 16 : i32
        %add3A_654 = vector.broadcast %add3A_653 : i32 to vector<16xi32>
        %add3A_655 = arith.addi %mul3A_652, %add3A_654 : vector<16xi32>
        %gather3A_656 = tpu.vector_load_idx %arg5[%add3A_444, %add3A_612] : memref<32x256xf32, #tpu.memory_space<vmem>>[vector<16xi32>, vector<16xi32>], vector<16xf32>,
        %add3A_657 = arith.addi %add3A_655, %select_n3A_18 : vector<16xi32>
        tpu.vector_store_idx %arg7[%add3A_657], %gather3A_656 : memref<8192xf32, #tpu.memory_space<vmem>>[vector<16xi32>], vector<16xf32>,
        %gather3A_658 = tpu.vector_load_idx %arg5[%add3A_447, %add3A_612] : memref<32x256xf32, #tpu.memory_space<vmem>>[vector<16xi32>, vector<16xi32>], vector<16xf32>,
        %add3A_659 = arith.addi %add3A_655, %select_n3A_43 : vector<16xi32>
        tpu.vector_store_idx %arg7[%add3A_659], %gather3A_658 : memref<8192xf32, #tpu.memory_space<vmem>>[vector<16xi32>], vector<16xf32>,
        %gather3A_660 = tpu.vector_load_idx %arg5[%add3A_450, %add3A_612] : memref<32x256xf32, #tpu.memory_space<vmem>>[vector<16xi32>, vector<16xi32>], vector<16xf32>,
        %add3A_661 = arith.addi %add3A_655, %select_n3A_68 : vector<16xi32>
        tpu.vector_store_idx %arg7[%add3A_661], %gather3A_660 : memref<8192xf32, #tpu.memory_space<vmem>>[vector<16xi32>], vector<16xf32>,
        %gather3A_662 = tpu.vector_load_idx %arg5[%add3A_453, %add3A_612] : memref<32x256xf32, #tpu.memory_space<vmem>>[vector<16xi32>, vector<16xi32>], vector<16xf32>,
        %add3A_663 = arith.addi %add3A_655, %select_n3A_93 : vector<16xi32>
        tpu.vector_store_idx %arg7[%add3A_663], %gather3A_662 : memref<8192xf32, #tpu.memory_space<vmem>>[vector<16xi32>], vector<16xf32>,
        %gather3A_664 = tpu.vector_load_idx %arg5[%add3A_456, %add3A_612] : memref<32x256xf32, #tpu.memory_space<vmem>>[vector<16xi32>, vector<16xi32>], vector<16xf32>,
        %add3A_665 = arith.addi %add3A_655, %select_n3A_118 : vector<16xi32>
        tpu.vector_store_idx %arg7[%add3A_665], %gather3A_664 : memref<8192xf32, #tpu.memory_space<vmem>>[vector<16xi32>], vector<16xf32>,
        %gather3A_666 = tpu.vector_load_idx %arg5[%add3A_459, %add3A_612] : memref<32x256xf32, #tpu.memory_space<vmem>>[vector<16xi32>, vector<16xi32>], vector<16xf32>,
        %add3A_667 = arith.addi %add3A_655, %select_n3A_143 : vector<16xi32>
        tpu.vector_store_idx %arg7[%add3A_667], %gather3A_666 : memref<8192xf32, #tpu.memory_space<vmem>>[vector<16xi32>], vector<16xf32>,
        %gather3A_668 = tpu.vector_load_idx %arg5[%add3A_462, %add3A_612] : memref<32x256xf32, #tpu.memory_space<vmem>>[vector<16xi32>, vector<16xi32>], vector<16xf32>,
        %add3A_669 = arith.addi %add3A_655, %select_n3A_168 : vector<16xi32>
        tpu.vector_store_idx %arg7[%add3A_669], %gather3A_668 : memref<8192xf32, #tpu.memory_space<vmem>>[vector<16xi32>], vector<16xf32>,
        %gather3A_670 = tpu.vector_load_idx %arg5[%add3A_465, %add3A_612] : memref<32x256xf32, #tpu.memory_space<vmem>>[vector<16xi32>, vector<16xi32>], vector<16xf32>,
        %add3A_671 = arith.addi %add3A_655, %select_n3A_193 : vector<16xi32>
        tpu.vector_store_idx %arg7[%add3A_671], %gather3A_670 : memref<8192xf32, #tpu.memory_space<vmem>>[vector<16xi32>], vector<16xf32>,
        %gather3A_672 = tpu.vector_load_idx %arg5[%add3A_468, %add3A_612] : memref<32x256xf32, #tpu.memory_space<vmem>>[vector<16xi32>, vector<16xi32>], vector<16xf32>,
        %add3A_673 = arith.addi %add3A_655, %select_n3A_218 : vector<16xi32>
        tpu.vector_store_idx %arg7[%add3A_673], %gather3A_672 : memref<8192xf32, #tpu.memory_space<vmem>>[vector<16xi32>], vector<16xf32>,
        %gather3A_674 = tpu.vector_load_idx %arg5[%add3A_471, %add3A_612] : memref<32x256xf32, #tpu.memory_space<vmem>>[vector<16xi32>, vector<16xi32>], vector<16xf32>,
        %add3A_675 = arith.addi %add3A_655, %select_n3A_243 : vector<16xi32>
        tpu.vector_store_idx %arg7[%add3A_675], %gather3A_674 : memref<8192xf32, #tpu.memory_space<vmem>>[vector<16xi32>], vector<16xf32>,
        %gather3A_676 = tpu.vector_load_idx %arg5[%add3A_474, %add3A_612] : memref<32x256xf32, #tpu.memory_space<vmem>>[vector<16xi32>, vector<16xi32>], vector<16xf32>,
        %add3A_677 = arith.addi %add3A_655, %select_n3A_268 : vector<16xi32>
        tpu.vector_store_idx %arg7[%add3A_677], %gather3A_676 : memref<8192xf32, #tpu.memory_space<vmem>>[vector<16xi32>], vector<16xf32>,
        %gather3A_678 = tpu.vector_load_idx %arg5[%add3A_477, %add3A_612] : memref<32x256xf32, #tpu.memory_space<vmem>>[vector<16xi32>, vector<16xi32>], vector<16xf32>,
        %add3A_679 = arith.addi %add3A_655, %select_n3A_293 : vector<16xi32>
        tpu.vector_store_idx %arg7[%add3A_679], %gather3A_678 : memref<8192xf32, #tpu.memory_space<vmem>>[vector<16xi32>], vector<16xf32>,
        %gather3A_680 = tpu.vector_load_idx %arg5[%add3A_480, %add3A_612] : memref<32x256xf32, #tpu.memory_space<vmem>>[vector<16xi32>, vector<16xi32>], vector<16xf32>,
        %add3A_681 = arith.addi %add3A_655, %select_n3A_318 : vector<16xi32>
        tpu.vector_store_idx %arg7[%add3A_681], %gather3A_680 : memref<8192xf32, #tpu.memory_space<vmem>>[vector<16xi32>], vector<16xf32>,
        %gather3A_682 = tpu.vector_load_idx %arg5[%add3A_483, %add3A_612] : memref<32x256xf32, #tpu.memory_space<vmem>>[vector<16xi32>, vector<16xi32>], vector<16xf32>,
        %add3A_683 = arith.addi %add3A_655, %select_n3A_343 : vector<16xi32>
        tpu.vector_store_idx %arg7[%add3A_683], %gather3A_682 : memref<8192xf32, #tpu.memory_space<vmem>>[vector<16xi32>], vector<16xf32>,
        %gather3A_684 = tpu.vector_load_idx %arg5[%add3A_486, %add3A_612] : memref<32x256xf32, #tpu.memory_space<vmem>>[vector<16xi32>, vector<16xi32>], vector<16xf32>,
        %add3A_685 = arith.addi %add3A_655, %select_n3A_368 : vector<16xi32>
        tpu.vector_store_idx %arg7[%add3A_685], %gather3A_684 : memref<8192xf32, #tpu.memory_space<vmem>>[vector<16xi32>], vector<16xf32>,
        %gather3A_686 = tpu.vector_load_idx %arg5[%add3A_489, %add3A_612] : memref<32x256xf32, #tpu.memory_space<vmem>>[vector<16xi32>, vector<16xi32>], vector<16xf32>,
        %add3A_687 = arith.addi %add3A_655, %select_n3A_393 : vector<16xi32>
        tpu.vector_store_idx %arg7[%add3A_687], %gather3A_686 : memref<8192xf32, #tpu.memory_space<vmem>>[vector<16xi32>], vector<16xf32>,
      }
      %scan3A_595 = arith.constant 16 : i32
      %mul3A_596 = arith.constant 32 : i32
      %mul3A_597 = arith.muli %add3A_564, %mul3A_596 : i32
      %add3A_598 = arith.addi %add3A, %mul3A_597 : i32
      %min3A_599 = arith.constant 3906 : i32
      %min3A_600 = arith.minsi %add3A_598, %min3A_599 : i32
      %mul3A_601 = arith.constant 256 : i32
      %mul3A_602 = arith.muli %min3A_600, %mul3A_601 : i32
      %multiple_of3A_603 = tpu.assume_multiple %mul3A_602, 256 : i32
      %mul3A_604 = arith.constant 32 : i32
      %mul3A_605 = arith.muli %multiple_of3A_603, %mul3A_604 : i32
      %dma_start3A_606 = tpu.memref_slice %arg3[%mul3A_605] : memref<32006144xf32, #tpu.memory_space<hbm>> -> memref<8192xf32, #tpu.memory_space<hbm>>
      %dma_start3A_607 = tpu.memref_slice %arg3[%mul3A_605] : memref<32006144xf32, #tpu.memory_space<hbm>> -> memref<8192xf32, #tpu.memory_space<hbm>>
      tpu.enqueue_dma source(%arg7 : memref<8192xf32, #tpu.memory_space<vmem>>) target(%dma_start3A_607 : memref<8192xf32, #tpu.memory_space<hbm>>) target_semaphore(%arg11 : memref<!tpu.dma_semaphore, #tpu.memory_space<semaphore_mem>>)
    }
    %scan3A_502 = arith.constant 62 : i32
    %dma_wait3A = arith.constant 0 : i32
    %dma_wait3A_503 = arith.constant 0 : i32
    %dma_wait3A_504 = tpu.memref_slice %arg2[%dma_wait3A, %dma_wait3A_503] : memref<32x1000000xf32, #tpu.memory_space<hbm>> -> memref<32x256xf32, #tpu.memory_space<hbm>>
    %dma_wait3A_505 = arith.constant 0 : i32
    %dma_wait3A_506 = arith.constant 0 : i32
    %dma_wait3A_507 = tpu.memref_slice %arg2[%dma_wait3A_505, %dma_wait3A_506] : memref<32x1000000xf32, #tpu.memory_space<hbm>> -> memref<32x256xf32, #tpu.memory_space<hbm>>
    tpu.wait_dma2 semaphore(%arg8 : memref<!tpu.dma_semaphore, #tpu.memory_space<semaphore_mem>>) src(%dma_wait3A_507 : memref<32x256xf32, #tpu.memory_space<hbm>>) dst(%arg4 : memref<32x256xf32, #tpu.memory_space<vmem>>)
    %dma_wait3A_508 = arith.constant 0 : i32
    %dma_wait3A_509 = tpu.memref_slice %arg3[%dma_wait3A_508] : memref<32006144xf32, #tpu.memory_space<hbm>> -> memref<8192xf32, #tpu.memory_space<hbm>>
    %dma_wait3A_510 = arith.constant 0 : i32
    %dma_wait3A_511 = tpu.memref_slice %arg3[%dma_wait3A_510] : memref<32006144xf32, #tpu.memory_space<hbm>> -> memref<8192xf32, #tpu.memory_space<hbm>>
    tpu.wait_dma2 semaphore(%arg10 : memref<!tpu.dma_semaphore, #tpu.memory_space<semaphore_mem>>) src(%arg6 : memref<8192xf32, #tpu.memory_space<vmem>>) dst(%dma_wait3A_511 : memref<8192xf32, #tpu.memory_space<hbm>>)
    %dma_wait3A_512 = arith.constant 0 : i32
    %dma_wait3A_513 = tpu.memref_slice %arg3[%dma_wait3A_512] : memref<32006144xf32, #tpu.memory_space<hbm>> -> memref<8192xf32, #tpu.memory_space<hbm>>
    %dma_wait3A_514 = arith.constant 0 : i32
    %dma_wait3A_515 = tpu.memref_slice %arg3[%dma_wait3A_514] : memref<32006144xf32, #tpu.memory_space<hbm>> -> memref<8192xf32, #tpu.memory_space<hbm>>
    tpu.wait_dma2 semaphore(%arg11 : memref<!tpu.dma_semaphore, #tpu.memory_space<semaphore_mem>>) src(%arg7 : memref<8192xf32, #tpu.memory_space<vmem>>) dst(%dma_wait3A_515 : memref<8192xf32, #tpu.memory_space<hbm>>)
    return
  }
}

#map = affine_map<(d0, d1) -> (0, 0)>
module attributes {stable_mosaic.version = 14 : i64} {
  func.func @gather_kernel(%arg0: i32, %arg1: i32, %arg2: memref<1000192x32xf32, #tpu.memory_space<hbm>>, %arg3: memref<16384x20xi32, #tpu.memory_space<hbm>>, %arg4: memref<327680x32xf32, #tpu.memory_space<hbm>>, %arg5: memref<512x20xi32, #tpu.memory_space<vmem>>, %arg6: memref<10240xi32, #tpu.memory_space<vmem>>, %arg7: memref<2x1280x32xf32, #tpu.memory_space<vmem>>, %arg8: memref<!tpu.dma_semaphore, #tpu.memory_space<semaphore_mem>>, %arg9: memref<!tpu.dma_semaphore, #tpu.memory_space<semaphore_mem>>, %arg10: memref<!tpu.dma_semaphore, #tpu.memory_space<semaphore_mem>>, %arg11: memref<!tpu.dma_semaphore, #tpu.memory_space<semaphore_mem>>) attributes {dimension_semantics = [#tpu.dimension_semantics<core_parallel>, #tpu.dimension_semantics<subcore_parallel>], iteration_bounds = array<i64: 2, 16>, scalar_prefetch = 0 : i64, scratch_operands = 7 : i64, tpu.core_type = #tpu.core_type<sc_vector_subcore>, window_params = [{transform_indices = #map}, {transform_indices = #map}, {transform_indices = #map}]} {
    %mul3A = arith.constant 2 : i32
    %mul3A_0 = arith.muli %arg1, %mul3A : i32
    %add3A = arith.addi %mul3A_0, %arg0 : i32
    %mul3A_1 = arith.constant 10240 : i32
    %mul3A_2 = arith.muli %add3A, %mul3A_1 : i32
    %mul3A_3 = arith.constant 512 : i32
    %mul3A_4 = arith.muli %add3A, %mul3A_3 : i32
    "tpu.region"() ({
      %run_scoped3A = tpu.sem_alloc : memref<!tpu.dma_semaphore, #tpu.memory_space<semaphore_mem>>
      %dma_start3A_392 = arith.constant 0 : i32
      %dma_start3A_393 = tpu.memref_slice %arg3[%mul3A_4, %dma_start3A_392] : memref<16384x20xi32, #tpu.memory_space<hbm>> -> memref<512x20xi32, #tpu.memory_space<hbm>>
      %dma_start3A_394 = arith.constant 0 : i32
      %dma_start3A_395 = tpu.memref_slice %arg3[%mul3A_4, %dma_start3A_394] : memref<16384x20xi32, #tpu.memory_space<hbm>> -> memref<512x20xi32, #tpu.memory_space<hbm>>
      tpu.enqueue_dma source(%dma_start3A_395 : memref<512x20xi32, #tpu.memory_space<hbm>>) target(%arg5 : memref<512x20xi32, #tpu.memory_space<vmem>>) target_semaphore(%run_scoped3A : memref<!tpu.dma_semaphore, #tpu.memory_space<semaphore_mem>>)
      %dma_wait3A_396 = arith.constant 0 : i32
      %dma_wait3A_397 = tpu.memref_slice %arg3[%mul3A_4, %dma_wait3A_396] : memref<16384x20xi32, #tpu.memory_space<hbm>> -> memref<512x20xi32, #tpu.memory_space<hbm>>
      %dma_wait3A_398 = arith.constant 0 : i32
      %dma_wait3A_399 = tpu.memref_slice %arg3[%mul3A_4, %dma_wait3A_398] : memref<16384x20xi32, #tpu.memory_space<hbm>> -> memref<512x20xi32, #tpu.memory_space<hbm>>
      tpu.wait_dma2 semaphore(%run_scoped3A : memref<!tpu.dma_semaphore, #tpu.memory_space<semaphore_mem>>) src(%dma_wait3A_399 : memref<512x20xi32, #tpu.memory_space<hbm>>) dst(%arg5 : memref<512x20xi32, #tpu.memory_space<vmem>>)
      tpu.yield
    }) : () -> ()
    %iota3A = tpu.iota {dimensions = array<i32: 0>} : vector<16xi32>
    %scan3A = arith.constant 0 : i32
    %scan3A_5 = arith.constant 0 : i32
    %scan3A_6 = arith.constant 640 : i32
    %scan3A_7 = arith.addi %scan3A_5, %scan3A_6 : i32
    %scan3A_8 = arith.constant 1 : i32
    scf.for %scan3A_392 = %scan3A_5 to %scan3A_7 step %scan3A_8  : i32 {
      %mul3A_393 = arith.constant 16 : i32
      %mul3A_394 = arith.muli %scan3A_392, %mul3A_393 : i32
      %add3A_395 = vector.broadcast %mul3A_394 : i32 to vector<16xi32>
      %add3A_396 = arith.addi %add3A_395, %iota3A : vector<16xi32>
      %jit3A = arith.constant 20 : i32
      %div3A = vector.broadcast %jit3A : i32 to vector<16xi32>
      %div3A_397 = arith.divsi %add3A_396, %div3A : vector<16xi32>
      %sign3A = arith.constant 0 : i32
      %sign3A_398 = vector.broadcast %sign3A : i32 to vector<16xi32>
      %sign3A_399 = arith.cmpi sgt, %add3A_396, %sign3A_398 : vector<16xi32>
      %sign3A_400 = arith.extui %sign3A_399 : vector<16xi1> to vector<16xi32>
      %sign3A_401 = arith.constant 0 : i32
      %sign3A_402 = vector.broadcast %sign3A_401 : i32 to vector<16xi32>
      %sign3A_403 = arith.cmpi slt, %add3A_396, %sign3A_402 : vector<16xi32>
      %sign3A_404 = arith.extui %sign3A_403 : vector<16xi1> to vector<16xi32>
      %sign3A_405 = arith.subi %sign3A_400, %sign3A_404 : vector<16xi32>
      %sign3A_406 = arith.constant 0 : i32
      %sign3A_407 = arith.cmpi sgt, %jit3A, %sign3A_406 : i32
      %sign3A_408 = arith.extui %sign3A_407 : i1 to i32
      %sign3A_409 = arith.constant 0 : i32
      %sign3A_410 = arith.cmpi slt, %jit3A, %sign3A_409 : i32
      %sign3A_411 = arith.extui %sign3A_410 : i1 to i32
      %sign3A_412 = arith.subi %sign3A_408, %sign3A_411 : i32
      %ne3A = vector.broadcast %sign3A_412 : i32 to vector<16xi32>
      %ne3A_413 = arith.cmpi ne, %sign3A_405, %ne3A : vector<16xi32>
      %rem3A = vector.broadcast %jit3A : i32 to vector<16xi32>
      %rem3A_414 = arith.remsi %add3A_396, %rem3A : vector<16xi32>
      %ne3A_415 = arith.constant 0 : i32
      %ne3A_416 = vector.broadcast %ne3A_415 : i32 to vector<16xi32>
      %ne3A_417 = arith.cmpi ne, %rem3A_414, %ne3A_416 : vector<16xi32>
      %and3A = arith.andi %ne3A_413, %ne3A_417 : vector<16xi1>
      %sub3A = arith.constant 1 : i32
      %sub3A_418 = vector.broadcast %sub3A : i32 to vector<16xi32>
      %sub3A_419 = arith.subi %div3A_397, %sub3A_418 : vector<16xi32>
      %select_n3A = arith.select %and3A, %sub3A_419, %div3A_397 : vector<16xi1>, vector<16xi32>
      %jit3A_420 = arith.constant 20 : i32
      %eq3A = arith.constant 0 : i32
      %eq3A_421 = arith.cmpi eq, %jit3A_420, %eq3A : i32
      %jit3A_422 = arith.constant 1 : i32
      %select_n3A_423 = arith.select %eq3A_421, %jit3A_422, %jit3A_420 : i32
      %rem3A_424 = vector.broadcast %select_n3A_423 : i32 to vector<16xi32>
      %rem3A_425 = arith.remsi %add3A_396, %rem3A_424 : vector<16xi32>
      %ne3A_426 = arith.constant 0 : i32
      %ne3A_427 = vector.broadcast %ne3A_426 : i32 to vector<16xi32>
      %ne3A_428 = arith.cmpi ne, %rem3A_425, %ne3A_427 : vector<16xi32>
      %lt3A = arith.constant 0 : i32
      %lt3A_429 = vector.broadcast %lt3A : i32 to vector<16xi32>
      %lt3A_430 = arith.cmpi slt, %rem3A_425, %lt3A_429 : vector<16xi32>
      %lt3A_431 = arith.constant 0 : i32
      %lt3A_432 = arith.cmpi slt, %select_n3A_423, %lt3A_431 : i32
      %ne3A_433 = vector.broadcast %lt3A_432 : i1 to vector<16xi1>
      %ne3A_434 = vector.broadcast %ne3A_433 : vector<16xi1> to vector<16xi1>
      %ne3A_435 = arith.xori %lt3A_430, %ne3A_434 : vector<16xi1>
      %and3A_436 = arith.andi %ne3A_435, %ne3A_428 : vector<16xi1>
      %add3A_437 = vector.broadcast %select_n3A_423 : i32 to vector<16xi32>
      %add3A_438 = arith.addi %rem3A_425, %add3A_437 : vector<16xi32>
      %select_n3A_439 = arith.select %and3A_436, %add3A_438, %rem3A_425 : vector<16xi1>, vector<16xi32>
      %gather3A = tpu.vector_load_idx %arg5[%select_n3A, %select_n3A_439] : memref<512x20xi32, #tpu.memory_space<vmem>>[vector<16xi32>, vector<16xi32>], vector<16xi32>,
      %mul3A_440 = arith.constant 16 : i32
      %mul3A_441 = arith.muli %scan3A_392, %mul3A_440 : i32
      %swap3A = arith.index_cast %mul3A_441 : i32 to index
      %swap3A_442 = tpu.vector_load %arg6[%swap3A] {strides = array<i32>} : memref<10240xi32, #tpu.memory_space<vmem>>, vector<16xi32>,
      tpu.vector_store %arg6[%swap3A], %gather3A {strides = array<i32>} : memref<10240xi32, #tpu.memory_space<vmem>>, vector<16xi32>,
    }
    %scan3A_9 = arith.constant 640 : i32
    %dma_start3A = arith.constant 0 : i32
    %dma_start3A_10 = arith.constant 0 : i32
    %dma_start3A_11 = arith.constant 0 : i32
    %dma_start3A_12 = tpu.memref_slice %arg7[%dma_start3A, %dma_start3A_10, %dma_start3A_11] : memref<2x1280x32xf32, #tpu.memory_space<vmem>> -> memref<1x1280x32xf32, #tpu.memory_space<vmem>>
    %dma_start3A_13 = tpu.memref_squeeze %dma_start3A_12 : memref<1x1280x32xf32, #tpu.memory_space<vmem>> -> memref<1280x32xf32, #tpu.memory_space<vmem>>
    %dma_start3A_14 = arith.constant 0 : i32
    %dma_start3A_15 = tpu.memref_slice %arg6[%dma_start3A_14] : memref<10240xi32, #tpu.memory_space<vmem>> -> memref<1280xi32, #tpu.memory_space<vmem>>
    %dma_start3A_16 = arith.constant 0 : i32
    %dma_start3A_17 = arith.constant 0 : i32
    %dma_start3A_18 = tpu.memref_slice %arg2[%dma_start3A_16, %dma_start3A_17] : memref<1000192x32xf32, #tpu.memory_space<hbm>> -> memref<1000192x32xf32, #tpu.memory_space<hbm>>
    tpu.enqueue_indirect_dma source(%dma_start3A_18 : memref<1000192x32xf32, #tpu.memory_space<hbm>>) target(%dma_start3A_13 : memref<1280x32xf32, #tpu.memory_space<vmem>>) offsets(%dma_start3A_15 : memref<1280xi32, #tpu.memory_space<vmem>>) semaphore(%arg8 : memref<!tpu.dma_semaphore, #tpu.memory_space<semaphore_mem>>)
    %dma_start3A_19 = arith.constant 1 : i32
    %dma_start3A_20 = arith.constant 0 : i32
    %dma_start3A_21 = arith.constant 0 : i32
    %dma_start3A_22 = tpu.memref_slice %arg7[%dma_start3A_19, %dma_start3A_20, %dma_start3A_21] : memref<2x1280x32xf32, #tpu.memory_space<vmem>> -> memref<1x1280x32xf32, #tpu.memory_space<vmem>>
    %dma_start3A_23 = tpu.memref_squeeze %dma_start3A_22 : memref<1x1280x32xf32, #tpu.memory_space<vmem>> -> memref<1280x32xf32, #tpu.memory_space<vmem>>
    %dma_start3A_24 = arith.constant 1280 : i32
    %dma_start3A_25 = tpu.memref_slice %arg6[%dma_start3A_24] : memref<10240xi32, #tpu.memory_space<vmem>> -> memref<1280xi32, #tpu.memory_space<vmem>>
    %dma_start3A_26 = arith.constant 0 : i32
    %dma_start3A_27 = arith.constant 0 : i32
    %dma_start3A_28 = tpu.memref_slice %arg2[%dma_start3A_26, %dma_start3A_27] : memref<1000192x32xf32, #tpu.memory_space<hbm>> -> memref<1000192x32xf32, #tpu.memory_space<hbm>>
    tpu.enqueue_indirect_dma source(%dma_start3A_28 : memref<1000192x32xf32, #tpu.memory_space<hbm>>) target(%dma_start3A_23 : memref<1280x32xf32, #tpu.memory_space<vmem>>) offsets(%dma_start3A_25 : memref<1280xi32, #tpu.memory_space<vmem>>) semaphore(%arg9 : memref<!tpu.dma_semaphore, #tpu.memory_space<semaphore_mem>>)
    %dma_wait3A = arith.constant 0 : i32
    %dma_wait3A_29 = arith.constant 0 : i32
    %dma_wait3A_30 = arith.constant 0 : i32
    %dma_wait3A_31 = tpu.memref_slice %arg7[%dma_wait3A, %dma_wait3A_29, %dma_wait3A_30] : memref<2x1280x32xf32, #tpu.memory_space<vmem>> -> memref<1x1280x32xf32, #tpu.memory_space<vmem>>
    %dma_wait3A_32 = tpu.memref_squeeze %dma_wait3A_31 : memref<1x1280x32xf32, #tpu.memory_space<vmem>> -> memref<1280x32xf32, #tpu.memory_space<vmem>>
    %dma_wait3A_33 = arith.constant 0 : i32
    %dma_wait3A_34 = tpu.memref_slice %arg6[%dma_wait3A_33] : memref<10240xi32, #tpu.memory_space<vmem>> -> memref<1280xi32, #tpu.memory_space<vmem>>
    %dma_wait3A_35 = arith.constant 0 : i32
    %dma_wait3A_36 = arith.constant 0 : i32
    %dma_wait3A_37 = tpu.memref_slice %arg2[%dma_wait3A_35, %dma_wait3A_36] : memref<1000192x32xf32, #tpu.memory_space<hbm>> -> memref<1000192x32xf32, #tpu.memory_space<hbm>>
    tpu.wait_indirect_dma semaphore(%arg8 : memref<!tpu.dma_semaphore, #tpu.memory_space<semaphore_mem>>) src(%dma_wait3A_37 : memref<1000192x32xf32, #tpu.memory_space<hbm>>) dst(%dma_wait3A_32 : memref<1280x32xf32, #tpu.memory_space<vmem>>)
    %add3A_38 = arith.constant 0 : i32
    %add3A_39 = arith.addi %mul3A_2, %add3A_38 : i32
    %dma_start3A_40 = arith.constant 0 : i32
    %dma_start3A_41 = arith.constant 0 : i32
    %dma_start3A_42 = arith.constant 0 : i32
    %dma_start3A_43 = tpu.memref_slice %arg7[%dma_start3A_40, %dma_start3A_41, %dma_start3A_42] : memref<2x1280x32xf32, #tpu.memory_space<vmem>> -> memref<1x1280x32xf32, #tpu.memory_space<vmem>>
    %dma_start3A_44 = tpu.memref_squeeze %dma_start3A_43 : memref<1x1280x32xf32, #tpu.memory_space<vmem>> -> memref<1280x32xf32, #tpu.memory_space<vmem>>
    %dma_start3A_45 = arith.constant 0 : i32
    %dma_start3A_46 = tpu.memref_slice %arg4[%add3A_39, %dma_start3A_45] : memref<327680x32xf32, #tpu.memory_space<hbm>> -> memref<1280x32xf32, #tpu.memory_space<hbm>>
    %dma_start3A_47 = arith.constant 0 : i32
    %dma_start3A_48 = tpu.memref_slice %arg4[%add3A_39, %dma_start3A_47] : memref<327680x32xf32, #tpu.memory_space<hbm>> -> memref<1280x32xf32, #tpu.memory_space<hbm>>
    %dma_start3A_49 = arith.constant 0 : i32
    %dma_start3A_50 = arith.constant 0 : i32
    %dma_start3A_51 = tpu.memref_slice %arg7[%dma_start3A_40, %dma_start3A_49, %dma_start3A_50] : memref<2x1280x32xf32, #tpu.memory_space<vmem>> -> memref<1x1280x32xf32, #tpu.memory_space<vmem>>
    %dma_start3A_52 = tpu.memref_squeeze %dma_start3A_51 : memref<1x1280x32xf32, #tpu.memory_space<vmem>> -> memref<1280x32xf32, #tpu.memory_space<vmem>>
    tpu.enqueue_dma source(%dma_start3A_52 : memref<1280x32xf32, #tpu.memory_space<vmem>>) target(%dma_start3A_48 : memref<1280x32xf32, #tpu.memory_space<hbm>>) target_semaphore(%arg10 : memref<!tpu.dma_semaphore, #tpu.memory_space<semaphore_mem>>)
    %dma_wait3A_53 = arith.constant 0 : i32
    %dma_wait3A_54 = arith.constant 0 : i32
    %dma_wait3A_55 = arith.constant 0 : i32
    %dma_wait3A_56 = tpu.memref_slice %arg7[%dma_wait3A_53, %dma_wait3A_54, %dma_wait3A_55] : memref<2x1280x32xf32, #tpu.memory_space<vmem>> -> memref<1x1280x32xf32, #tpu.memory_space<vmem>>
    %dma_wait3A_57 = tpu.memref_squeeze %dma_wait3A_56 : memref<1x1280x32xf32, #tpu.memory_space<vmem>> -> memref<1280x32xf32, #tpu.memory_space<vmem>>
    %dma_wait3A_58 = arith.constant 0 : i32
    %dma_wait3A_59 = tpu.memref_slice %arg4[%add3A_39, %dma_wait3A_58] : memref<327680x32xf32, #tpu.memory_space<hbm>> -> memref<1280x32xf32, #tpu.memory_space<hbm>>
    %dma_wait3A_60 = arith.constant 0 : i32
    %dma_wait3A_61 = tpu.memref_slice %arg4[%add3A_39, %dma_wait3A_60] : memref<327680x32xf32, #tpu.memory_space<hbm>> -> memref<1280x32xf32, #tpu.memory_space<hbm>>
    %dma_wait3A_62 = arith.constant 0 : i32
    %dma_wait3A_63 = arith.constant 0 : i32
    %dma_wait3A_64 = tpu.memref_slice %arg7[%dma_wait3A_53, %dma_wait3A_62, %dma_wait3A_63] : memref<2x1280x32xf32, #tpu.memory_space<vmem>> -> memref<1x1280x32xf32, #tpu.memory_space<vmem>>
    %dma_wait3A_65 = tpu.memref_squeeze %dma_wait3A_64 : memref<1x1280x32xf32, #tpu.memory_space<vmem>> -> memref<1280x32xf32, #tpu.memory_space<vmem>>
    tpu.wait_dma2 semaphore(%arg10 : memref<!tpu.dma_semaphore, #tpu.memory_space<semaphore_mem>>) src(%dma_wait3A_65 : memref<1280x32xf32, #tpu.memory_space<vmem>>) dst(%dma_wait3A_61 : memref<1280x32xf32, #tpu.memory_space<hbm>>)
    %dma_start3A_66 = arith.constant 0 : i32
    %dma_start3A_67 = arith.constant 0 : i32
    %dma_start3A_68 = arith.constant 0 : i32
    %dma_start3A_69 = tpu.memref_slice %arg7[%dma_start3A_66, %dma_start3A_67, %dma_start3A_68] : memref<2x1280x32xf32, #tpu.memory_space<vmem>> -> memref<1x1280x32xf32, #tpu.memory_space<vmem>>
    %dma_start3A_70 = tpu.memref_squeeze %dma_start3A_69 : memref<1x1280x32xf32, #tpu.memory_space<vmem>> -> memref<1280x32xf32, #tpu.memory_space<vmem>>
    %dma_start3A_71 = arith.constant 2560 : i32
    %dma_start3A_72 = tpu.memref_slice %arg6[%dma_start3A_71] : memref<10240xi32, #tpu.memory_space<vmem>> -> memref<1280xi32, #tpu.memory_space<vmem>>
    %dma_start3A_73 = arith.constant 0 : i32
    %dma_start3A_74 = arith.constant 0 : i32
    %dma_start3A_75 = tpu.memref_slice %arg2[%dma_start3A_73, %dma_start3A_74] : memref<1000192x32xf32, #tpu.memory_space<hbm>> -> memref<1000192x32xf32, #tpu.memory_space<hbm>>
    tpu.enqueue_indirect_dma source(%dma_start3A_75 : memref<1000192x32xf32, #tpu.memory_space<hbm>>) target(%dma_start3A_70 : memref<1280x32xf32, #tpu.memory_space<vmem>>) offsets(%dma_start3A_72 : memref<1280xi32, #tpu.memory_space<vmem>>) semaphore(%arg8 : memref<!tpu.dma_semaphore, #tpu.memory_space<semaphore_mem>>)
    %dma_wait3A_76 = arith.constant 1 : i32
    %dma_wait3A_77 = arith.constant 0 : i32
    %dma_wait3A_78 = arith.constant 0 : i32
    %dma_wait3A_79 = tpu.memref_slice %arg7[%dma_wait3A_76, %dma_wait3A_77, %dma_wait3A_78] : memref<2x1280x32xf32, #tpu.memory_space<vmem>> -> memref<1x1280x32xf32, #tpu.memory_space<vmem>>
    %dma_wait3A_80 = tpu.memref_squeeze %dma_wait3A_79 : memref<1x1280x32xf32, #tpu.memory_space<vmem>> -> memref<1280x32xf32, #tpu.memory_space<vmem>>
    %dma_wait3A_81 = arith.constant 1280 : i32
    %dma_wait3A_82 = tpu.memref_slice %arg6[%dma_wait3A_81] : memref<10240xi32, #tpu.memory_space<vmem>> -> memref<1280xi32, #tpu.memory_space<vmem>>
    %dma_wait3A_83 = arith.constant 0 : i32
    %dma_wait3A_84 = arith.constant 0 : i32
    %dma_wait3A_85 = tpu.memref_slice %arg2[%dma_wait3A_83, %dma_wait3A_84] : memref<1000192x32xf32, #tpu.memory_space<hbm>> -> memref<1000192x32xf32, #tpu.memory_space<hbm>>
    tpu.wait_indirect_dma semaphore(%arg9 : memref<!tpu.dma_semaphore, #tpu.memory_space<semaphore_mem>>) src(%dma_wait3A_85 : memref<1000192x32xf32, #tpu.memory_space<hbm>>) dst(%dma_wait3A_80 : memref<1280x32xf32, #tpu.memory_space<vmem>>)
    %add3A_86 = arith.constant 1280 : i32
    %add3A_87 = arith.addi %mul3A_2, %add3A_86 : i32
    %dma_start3A_88 = arith.constant 1 : i32
    %dma_start3A_89 = arith.constant 0 : i32
    %dma_start3A_90 = arith.constant 0 : i32
    %dma_start3A_91 = tpu.memref_slice %arg7[%dma_start3A_88, %dma_start3A_89, %dma_start3A_90] : memref<2x1280x32xf32, #tpu.memory_space<vmem>> -> memref<1x1280x32xf32, #tpu.memory_space<vmem>>
    %dma_start3A_92 = tpu.memref_squeeze %dma_start3A_91 : memref<1x1280x32xf32, #tpu.memory_space<vmem>> -> memref<1280x32xf32, #tpu.memory_space<vmem>>
    %dma_start3A_93 = arith.constant 0 : i32
    %dma_start3A_94 = tpu.memref_slice %arg4[%add3A_87, %dma_start3A_93] : memref<327680x32xf32, #tpu.memory_space<hbm>> -> memref<1280x32xf32, #tpu.memory_space<hbm>>
    %dma_start3A_95 = arith.constant 0 : i32
    %dma_start3A_96 = tpu.memref_slice %arg4[%add3A_87, %dma_start3A_95] : memref<327680x32xf32, #tpu.memory_space<hbm>> -> memref<1280x32xf32, #tpu.memory_space<hbm>>
    %dma_start3A_97 = arith.constant 0 : i32
    %dma_start3A_98 = arith.constant 0 : i32
    %dma_start3A_99 = tpu.memref_slice %arg7[%dma_start3A_88, %dma_start3A_97, %dma_start3A_98] : memref<2x1280x32xf32, #tpu.memory_space<vmem>> -> memref<1x1280x32xf32, #tpu.memory_space<vmem>>
    %dma_start3A_100 = tpu.memref_squeeze %dma_start3A_99 : memref<1x1280x32xf32, #tpu.memory_space<vmem>> -> memref<1280x32xf32, #tpu.memory_space<vmem>>
    tpu.enqueue_dma source(%dma_start3A_100 : memref<1280x32xf32, #tpu.memory_space<vmem>>) target(%dma_start3A_96 : memref<1280x32xf32, #tpu.memory_space<hbm>>) target_semaphore(%arg11 : memref<!tpu.dma_semaphore, #tpu.memory_space<semaphore_mem>>)
    %dma_wait3A_101 = arith.constant 1 : i32
    %dma_wait3A_102 = arith.constant 0 : i32
    %dma_wait3A_103 = arith.constant 0 : i32
    %dma_wait3A_104 = tpu.memref_slice %arg7[%dma_wait3A_101, %dma_wait3A_102, %dma_wait3A_103] : memref<2x1280x32xf32, #tpu.memory_space<vmem>> -> memref<1x1280x32xf32, #tpu.memory_space<vmem>>
    %dma_wait3A_105 = tpu.memref_squeeze %dma_wait3A_104 : memref<1x1280x32xf32, #tpu.memory_space<vmem>> -> memref<1280x32xf32, #tpu.memory_space<vmem>>
    %dma_wait3A_106 = arith.constant 0 : i32
    %dma_wait3A_107 = tpu.memref_slice %arg4[%add3A_87, %dma_wait3A_106] : memref<327680x32xf32, #tpu.memory_space<hbm>> -> memref<1280x32xf32, #tpu.memory_space<hbm>>
    %dma_wait3A_108 = arith.constant 0 : i32
    %dma_wait3A_109 = tpu.memref_slice %arg4[%add3A_87, %dma_wait3A_108] : memref<327680x32xf32, #tpu.memory_space<hbm>> -> memref<1280x32xf32, #tpu.memory_space<hbm>>
    %dma_wait3A_110 = arith.constant 0 : i32
    %dma_wait3A_111 = arith.constant 0 : i32
    %dma_wait3A_112 = tpu.memref_slice %arg7[%dma_wait3A_101, %dma_wait3A_110, %dma_wait3A_111] : memref<2x1280x32xf32, #tpu.memory_space<vmem>> -> memref<1x1280x32xf32, #tpu.memory_space<vmem>>
    %dma_wait3A_113 = tpu.memref_squeeze %dma_wait3A_112 : memref<1x1280x32xf32, #tpu.memory_space<vmem>> -> memref<1280x32xf32, #tpu.memory_space<vmem>>
    tpu.wait_dma2 semaphore(%arg11 : memref<!tpu.dma_semaphore, #tpu.memory_space<semaphore_mem>>) src(%dma_wait3A_113 : memref<1280x32xf32, #tpu.memory_space<vmem>>) dst(%dma_wait3A_109 : memref<1280x32xf32, #tpu.memory_space<hbm>>)
    %dma_start3A_114 = arith.constant 1 : i32
    %dma_start3A_115 = arith.constant 0 : i32
    %dma_start3A_116 = arith.constant 0 : i32
    %dma_start3A_117 = tpu.memref_slice %arg7[%dma_start3A_114, %dma_start3A_115, %dma_start3A_116] : memref<2x1280x32xf32, #tpu.memory_space<vmem>> -> memref<1x1280x32xf32, #tpu.memory_space<vmem>>
    %dma_start3A_118 = tpu.memref_squeeze %dma_start3A_117 : memref<1x1280x32xf32, #tpu.memory_space<vmem>> -> memref<1280x32xf32, #tpu.memory_space<vmem>>
    %dma_start3A_119 = arith.constant 3840 : i32
    %dma_start3A_120 = tpu.memref_slice %arg6[%dma_start3A_119] : memref<10240xi32, #tpu.memory_space<vmem>> -> memref<1280xi32, #tpu.memory_space<vmem>>
    %dma_start3A_121 = arith.constant 0 : i32
    %dma_start3A_122 = arith.constant 0 : i32
    %dma_start3A_123 = tpu.memref_slice %arg2[%dma_start3A_121, %dma_start3A_122] : memref<1000192x32xf32, #tpu.memory_space<hbm>> -> memref<1000192x32xf32, #tpu.memory_space<hbm>>
    tpu.enqueue_indirect_dma source(%dma_start3A_123 : memref<1000192x32xf32, #tpu.memory_space<hbm>>) target(%dma_start3A_118 : memref<1280x32xf32, #tpu.memory_space<vmem>>) offsets(%dma_start3A_120 : memref<1280xi32, #tpu.memory_space<vmem>>) semaphore(%arg9 : memref<!tpu.dma_semaphore, #tpu.memory_space<semaphore_mem>>)
    %dma_wait3A_124 = arith.constant 0 : i32
    %dma_wait3A_125 = arith.constant 0 : i32
    %dma_wait3A_126 = arith.constant 0 : i32
    %dma_wait3A_127 = tpu.memref_slice %arg7[%dma_wait3A_124, %dma_wait3A_125, %dma_wait3A_126] : memref<2x1280x32xf32, #tpu.memory_space<vmem>> -> memref<1x1280x32xf32, #tpu.memory_space<vmem>>
    %dma_wait3A_128 = tpu.memref_squeeze %dma_wait3A_127 : memref<1x1280x32xf32, #tpu.memory_space<vmem>> -> memref<1280x32xf32, #tpu.memory_space<vmem>>
    %dma_wait3A_129 = arith.constant 2560 : i32
    %dma_wait3A_130 = tpu.memref_slice %arg6[%dma_wait3A_129] : memref<10240xi32, #tpu.memory_space<vmem>> -> memref<1280xi32, #tpu.memory_space<vmem>>
    %dma_wait3A_131 = arith.constant 0 : i32
    %dma_wait3A_132 = arith.constant 0 : i32
    %dma_wait3A_133 = tpu.memref_slice %arg2[%dma_wait3A_131, %dma_wait3A_132] : memref<1000192x32xf32, #tpu.memory_space<hbm>> -> memref<1000192x32xf32, #tpu.memory_space<hbm>>
    tpu.wait_indirect_dma semaphore(%arg8 : memref<!tpu.dma_semaphore, #tpu.memory_space<semaphore_mem>>) src(%dma_wait3A_133 : memref<1000192x32xf32, #tpu.memory_space<hbm>>) dst(%dma_wait3A_128 : memref<1280x32xf32, #tpu.memory_space<vmem>>)
    %add3A_134 = arith.constant 2560 : i32
    %add3A_135 = arith.addi %mul3A_2, %add3A_134 : i32
    %dma_start3A_136 = arith.constant 0 : i32
    %dma_start3A_137 = arith.constant 0 : i32
    %dma_start3A_138 = arith.constant 0 : i32
    %dma_start3A_139 = tpu.memref_slice %arg7[%dma_start3A_136, %dma_start3A_137, %dma_start3A_138] : memref<2x1280x32xf32, #tpu.memory_space<vmem>> -> memref<1x1280x32xf32, #tpu.memory_space<vmem>>
    %dma_start3A_140 = tpu.memref_squeeze %dma_start3A_139 : memref<1x1280x32xf32, #tpu.memory_space<vmem>> -> memref<1280x32xf32, #tpu.memory_space<vmem>>
    %dma_start3A_141 = arith.constant 0 : i32
    %dma_start3A_142 = tpu.memref_slice %arg4[%add3A_135, %dma_start3A_141] : memref<327680x32xf32, #tpu.memory_space<hbm>> -> memref<1280x32xf32, #tpu.memory_space<hbm>>
    %dma_start3A_143 = arith.constant 0 : i32
    %dma_start3A_144 = tpu.memref_slice %arg4[%add3A_135, %dma_start3A_143] : memref<327680x32xf32, #tpu.memory_space<hbm>> -> memref<1280x32xf32, #tpu.memory_space<hbm>>
    %dma_start3A_145 = arith.constant 0 : i32
    %dma_start3A_146 = arith.constant 0 : i32
    %dma_start3A_147 = tpu.memref_slice %arg7[%dma_start3A_136, %dma_start3A_145, %dma_start3A_146] : memref<2x1280x32xf32, #tpu.memory_space<vmem>> -> memref<1x1280x32xf32, #tpu.memory_space<vmem>>
    %dma_start3A_148 = tpu.memref_squeeze %dma_start3A_147 : memref<1x1280x32xf32, #tpu.memory_space<vmem>> -> memref<1280x32xf32, #tpu.memory_space<vmem>>
    tpu.enqueue_dma source(%dma_start3A_148 : memref<1280x32xf32, #tpu.memory_space<vmem>>) target(%dma_start3A_144 : memref<1280x32xf32, #tpu.memory_space<hbm>>) target_semaphore(%arg10 : memref<!tpu.dma_semaphore, #tpu.memory_space<semaphore_mem>>)
    %dma_wait3A_149 = arith.constant 0 : i32
    %dma_wait3A_150 = arith.constant 0 : i32
    %dma_wait3A_151 = arith.constant 0 : i32
    %dma_wait3A_152 = tpu.memref_slice %arg7[%dma_wait3A_149, %dma_wait3A_150, %dma_wait3A_151] : memref<2x1280x32xf32, #tpu.memory_space<vmem>> -> memref<1x1280x32xf32, #tpu.memory_space<vmem>>
    %dma_wait3A_153 = tpu.memref_squeeze %dma_wait3A_152 : memref<1x1280x32xf32, #tpu.memory_space<vmem>> -> memref<1280x32xf32, #tpu.memory_space<vmem>>
    %dma_wait3A_154 = arith.constant 0 : i32
    %dma_wait3A_155 = tpu.memref_slice %arg4[%add3A_135, %dma_wait3A_154] : memref<327680x32xf32, #tpu.memory_space<hbm>> -> memref<1280x32xf32, #tpu.memory_space<hbm>>
    %dma_wait3A_156 = arith.constant 0 : i32
    %dma_wait3A_157 = tpu.memref_slice %arg4[%add3A_135, %dma_wait3A_156] : memref<327680x32xf32, #tpu.memory_space<hbm>> -> memref<1280x32xf32, #tpu.memory_space<hbm>>
    %dma_wait3A_158 = arith.constant 0 : i32
    %dma_wait3A_159 = arith.constant 0 : i32
    %dma_wait3A_160 = tpu.memref_slice %arg7[%dma_wait3A_149, %dma_wait3A_158, %dma_wait3A_159] : memref<2x1280x32xf32, #tpu.memory_space<vmem>> -> memref<1x1280x32xf32, #tpu.memory_space<vmem>>
    %dma_wait3A_161 = tpu.memref_squeeze %dma_wait3A_160 : memref<1x1280x32xf32, #tpu.memory_space<vmem>> -> memref<1280x32xf32, #tpu.memory_space<vmem>>
    tpu.wait_dma2 semaphore(%arg10 : memref<!tpu.dma_semaphore, #tpu.memory_space<semaphore_mem>>) src(%dma_wait3A_161 : memref<1280x32xf32, #tpu.memory_space<vmem>>) dst(%dma_wait3A_157 : memref<1280x32xf32, #tpu.memory_space<hbm>>)
    %dma_start3A_162 = arith.constant 0 : i32
    %dma_start3A_163 = arith.constant 0 : i32
    %dma_start3A_164 = arith.constant 0 : i32
    %dma_start3A_165 = tpu.memref_slice %arg7[%dma_start3A_162, %dma_start3A_163, %dma_start3A_164] : memref<2x1280x32xf32, #tpu.memory_space<vmem>> -> memref<1x1280x32xf32, #tpu.memory_space<vmem>>
    %dma_start3A_166 = tpu.memref_squeeze %dma_start3A_165 : memref<1x1280x32xf32, #tpu.memory_space<vmem>> -> memref<1280x32xf32, #tpu.memory_space<vmem>>
    %dma_start3A_167 = arith.constant 5120 : i32
    %dma_start3A_168 = tpu.memref_slice %arg6[%dma_start3A_167] : memref<10240xi32, #tpu.memory_space<vmem>> -> memref<1280xi32, #tpu.memory_space<vmem>>
    %dma_start3A_169 = arith.constant 0 : i32
    %dma_start3A_170 = arith.constant 0 : i32
    %dma_start3A_171 = tpu.memref_slice %arg2[%dma_start3A_169, %dma_start3A_170] : memref<1000192x32xf32, #tpu.memory_space<hbm>> -> memref<1000192x32xf32, #tpu.memory_space<hbm>>
    tpu.enqueue_indirect_dma source(%dma_start3A_171 : memref<1000192x32xf32, #tpu.memory_space<hbm>>) target(%dma_start3A_166 : memref<1280x32xf32, #tpu.memory_space<vmem>>) offsets(%dma_start3A_168 : memref<1280xi32, #tpu.memory_space<vmem>>) semaphore(%arg8 : memref<!tpu.dma_semaphore, #tpu.memory_space<semaphore_mem>>)
    %dma_wait3A_172 = arith.constant 1 : i32
    %dma_wait3A_173 = arith.constant 0 : i32
    %dma_wait3A_174 = arith.constant 0 : i32
    %dma_wait3A_175 = tpu.memref_slice %arg7[%dma_wait3A_172, %dma_wait3A_173, %dma_wait3A_174] : memref<2x1280x32xf32, #tpu.memory_space<vmem>> -> memref<1x1280x32xf32, #tpu.memory_space<vmem>>
    %dma_wait3A_176 = tpu.memref_squeeze %dma_wait3A_175 : memref<1x1280x32xf32, #tpu.memory_space<vmem>> -> memref<1280x32xf32, #tpu.memory_space<vmem>>
    %dma_wait3A_177 = arith.constant 3840 : i32
    %dma_wait3A_178 = tpu.memref_slice %arg6[%dma_wait3A_177] : memref<10240xi32, #tpu.memory_space<vmem>> -> memref<1280xi32, #tpu.memory_space<vmem>>
    %dma_wait3A_179 = arith.constant 0 : i32
    %dma_wait3A_180 = arith.constant 0 : i32
    %dma_wait3A_181 = tpu.memref_slice %arg2[%dma_wait3A_179, %dma_wait3A_180] : memref<1000192x32xf32, #tpu.memory_space<hbm>> -> memref<1000192x32xf32, #tpu.memory_space<hbm>>
    tpu.wait_indirect_dma semaphore(%arg9 : memref<!tpu.dma_semaphore, #tpu.memory_space<semaphore_mem>>) src(%dma_wait3A_181 : memref<1000192x32xf32, #tpu.memory_space<hbm>>) dst(%dma_wait3A_176 : memref<1280x32xf32, #tpu.memory_space<vmem>>)
    %add3A_182 = arith.constant 3840 : i32
    %add3A_183 = arith.addi %mul3A_2, %add3A_182 : i32
    %dma_start3A_184 = arith.constant 1 : i32
    %dma_start3A_185 = arith.constant 0 : i32
    %dma_start3A_186 = arith.constant 0 : i32
    %dma_start3A_187 = tpu.memref_slice %arg7[%dma_start3A_184, %dma_start3A_185, %dma_start3A_186] : memref<2x1280x32xf32, #tpu.memory_space<vmem>> -> memref<1x1280x32xf32, #tpu.memory_space<vmem>>
    %dma_start3A_188 = tpu.memref_squeeze %dma_start3A_187 : memref<1x1280x32xf32, #tpu.memory_space<vmem>> -> memref<1280x32xf32, #tpu.memory_space<vmem>>
    %dma_start3A_189 = arith.constant 0 : i32
    %dma_start3A_190 = tpu.memref_slice %arg4[%add3A_183, %dma_start3A_189] : memref<327680x32xf32, #tpu.memory_space<hbm>> -> memref<1280x32xf32, #tpu.memory_space<hbm>>
    %dma_start3A_191 = arith.constant 0 : i32
    %dma_start3A_192 = tpu.memref_slice %arg4[%add3A_183, %dma_start3A_191] : memref<327680x32xf32, #tpu.memory_space<hbm>> -> memref<1280x32xf32, #tpu.memory_space<hbm>>
    %dma_start3A_193 = arith.constant 0 : i32
    %dma_start3A_194 = arith.constant 0 : i32
    %dma_start3A_195 = tpu.memref_slice %arg7[%dma_start3A_184, %dma_start3A_193, %dma_start3A_194] : memref<2x1280x32xf32, #tpu.memory_space<vmem>> -> memref<1x1280x32xf32, #tpu.memory_space<vmem>>
    %dma_start3A_196 = tpu.memref_squeeze %dma_start3A_195 : memref<1x1280x32xf32, #tpu.memory_space<vmem>> -> memref<1280x32xf32, #tpu.memory_space<vmem>>
    tpu.enqueue_dma source(%dma_start3A_196 : memref<1280x32xf32, #tpu.memory_space<vmem>>) target(%dma_start3A_192 : memref<1280x32xf32, #tpu.memory_space<hbm>>) target_semaphore(%arg11 : memref<!tpu.dma_semaphore, #tpu.memory_space<semaphore_mem>>)
    %dma_wait3A_197 = arith.constant 1 : i32
    %dma_wait3A_198 = arith.constant 0 : i32
    %dma_wait3A_199 = arith.constant 0 : i32
    %dma_wait3A_200 = tpu.memref_slice %arg7[%dma_wait3A_197, %dma_wait3A_198, %dma_wait3A_199] : memref<2x1280x32xf32, #tpu.memory_space<vmem>> -> memref<1x1280x32xf32, #tpu.memory_space<vmem>>
    %dma_wait3A_201 = tpu.memref_squeeze %dma_wait3A_200 : memref<1x1280x32xf32, #tpu.memory_space<vmem>> -> memref<1280x32xf32, #tpu.memory_space<vmem>>
    %dma_wait3A_202 = arith.constant 0 : i32
    %dma_wait3A_203 = tpu.memref_slice %arg4[%add3A_183, %dma_wait3A_202] : memref<327680x32xf32, #tpu.memory_space<hbm>> -> memref<1280x32xf32, #tpu.memory_space<hbm>>
    %dma_wait3A_204 = arith.constant 0 : i32
    %dma_wait3A_205 = tpu.memref_slice %arg4[%add3A_183, %dma_wait3A_204] : memref<327680x32xf32, #tpu.memory_space<hbm>> -> memref<1280x32xf32, #tpu.memory_space<hbm>>
    %dma_wait3A_206 = arith.constant 0 : i32
    %dma_wait3A_207 = arith.constant 0 : i32
    %dma_wait3A_208 = tpu.memref_slice %arg7[%dma_wait3A_197, %dma_wait3A_206, %dma_wait3A_207] : memref<2x1280x32xf32, #tpu.memory_space<vmem>> -> memref<1x1280x32xf32, #tpu.memory_space<vmem>>
    %dma_wait3A_209 = tpu.memref_squeeze %dma_wait3A_208 : memref<1x1280x32xf32, #tpu.memory_space<vmem>> -> memref<1280x32xf32, #tpu.memory_space<vmem>>
    tpu.wait_dma2 semaphore(%arg11 : memref<!tpu.dma_semaphore, #tpu.memory_space<semaphore_mem>>) src(%dma_wait3A_209 : memref<1280x32xf32, #tpu.memory_space<vmem>>) dst(%dma_wait3A_205 : memref<1280x32xf32, #tpu.memory_space<hbm>>)
    %dma_start3A_210 = arith.constant 1 : i32
    %dma_start3A_211 = arith.constant 0 : i32
    %dma_start3A_212 = arith.constant 0 : i32
    %dma_start3A_213 = tpu.memref_slice %arg7[%dma_start3A_210, %dma_start3A_211, %dma_start3A_212] : memref<2x1280x32xf32, #tpu.memory_space<vmem>> -> memref<1x1280x32xf32, #tpu.memory_space<vmem>>
    %dma_start3A_214 = tpu.memref_squeeze %dma_start3A_213 : memref<1x1280x32xf32, #tpu.memory_space<vmem>> -> memref<1280x32xf32, #tpu.memory_space<vmem>>
    %dma_start3A_215 = arith.constant 6400 : i32
    %dma_start3A_216 = tpu.memref_slice %arg6[%dma_start3A_215] : memref<10240xi32, #tpu.memory_space<vmem>> -> memref<1280xi32, #tpu.memory_space<vmem>>
    %dma_start3A_217 = arith.constant 0 : i32
    %dma_start3A_218 = arith.constant 0 : i32
    %dma_start3A_219 = tpu.memref_slice %arg2[%dma_start3A_217, %dma_start3A_218] : memref<1000192x32xf32, #tpu.memory_space<hbm>> -> memref<1000192x32xf32, #tpu.memory_space<hbm>>
    tpu.enqueue_indirect_dma source(%dma_start3A_219 : memref<1000192x32xf32, #tpu.memory_space<hbm>>) target(%dma_start3A_214 : memref<1280x32xf32, #tpu.memory_space<vmem>>) offsets(%dma_start3A_216 : memref<1280xi32, #tpu.memory_space<vmem>>) semaphore(%arg9 : memref<!tpu.dma_semaphore, #tpu.memory_space<semaphore_mem>>)
    %dma_wait3A_220 = arith.constant 0 : i32
    %dma_wait3A_221 = arith.constant 0 : i32
    %dma_wait3A_222 = arith.constant 0 : i32
    %dma_wait3A_223 = tpu.memref_slice %arg7[%dma_wait3A_220, %dma_wait3A_221, %dma_wait3A_222] : memref<2x1280x32xf32, #tpu.memory_space<vmem>> -> memref<1x1280x32xf32, #tpu.memory_space<vmem>>
    %dma_wait3A_224 = tpu.memref_squeeze %dma_wait3A_223 : memref<1x1280x32xf32, #tpu.memory_space<vmem>> -> memref<1280x32xf32, #tpu.memory_space<vmem>>
    %dma_wait3A_225 = arith.constant 5120 : i32
    %dma_wait3A_226 = tpu.memref_slice %arg6[%dma_wait3A_225] : memref<10240xi32, #tpu.memory_space<vmem>> -> memref<1280xi32, #tpu.memory_space<vmem>>
    %dma_wait3A_227 = arith.constant 0 : i32
    %dma_wait3A_228 = arith.constant 0 : i32
    %dma_wait3A_229 = tpu.memref_slice %arg2[%dma_wait3A_227, %dma_wait3A_228] : memref<1000192x32xf32, #tpu.memory_space<hbm>> -> memref<1000192x32xf32, #tpu.memory_space<hbm>>
    tpu.wait_indirect_dma semaphore(%arg8 : memref<!tpu.dma_semaphore, #tpu.memory_space<semaphore_mem>>) src(%dma_wait3A_229 : memref<1000192x32xf32, #tpu.memory_space<hbm>>) dst(%dma_wait3A_224 : memref<1280x32xf32, #tpu.memory_space<vmem>>)
    %add3A_230 = arith.constant 5120 : i32
    %add3A_231 = arith.addi %mul3A_2, %add3A_230 : i32
    %dma_start3A_232 = arith.constant 0 : i32
    %dma_start3A_233 = arith.constant 0 : i32
    %dma_start3A_234 = arith.constant 0 : i32
    %dma_start3A_235 = tpu.memref_slice %arg7[%dma_start3A_232, %dma_start3A_233, %dma_start3A_234] : memref<2x1280x32xf32, #tpu.memory_space<vmem>> -> memref<1x1280x32xf32, #tpu.memory_space<vmem>>
    %dma_start3A_236 = tpu.memref_squeeze %dma_start3A_235 : memref<1x1280x32xf32, #tpu.memory_space<vmem>> -> memref<1280x32xf32, #tpu.memory_space<vmem>>
    %dma_start3A_237 = arith.constant 0 : i32
    %dma_start3A_238 = tpu.memref_slice %arg4[%add3A_231, %dma_start3A_237] : memref<327680x32xf32, #tpu.memory_space<hbm>> -> memref<1280x32xf32, #tpu.memory_space<hbm>>
    %dma_start3A_239 = arith.constant 0 : i32
    %dma_start3A_240 = tpu.memref_slice %arg4[%add3A_231, %dma_start3A_239] : memref<327680x32xf32, #tpu.memory_space<hbm>> -> memref<1280x32xf32, #tpu.memory_space<hbm>>
    %dma_start3A_241 = arith.constant 0 : i32
    %dma_start3A_242 = arith.constant 0 : i32
    %dma_start3A_243 = tpu.memref_slice %arg7[%dma_start3A_232, %dma_start3A_241, %dma_start3A_242] : memref<2x1280x32xf32, #tpu.memory_space<vmem>> -> memref<1x1280x32xf32, #tpu.memory_space<vmem>>
    %dma_start3A_244 = tpu.memref_squeeze %dma_start3A_243 : memref<1x1280x32xf32, #tpu.memory_space<vmem>> -> memref<1280x32xf32, #tpu.memory_space<vmem>>
    tpu.enqueue_dma source(%dma_start3A_244 : memref<1280x32xf32, #tpu.memory_space<vmem>>) target(%dma_start3A_240 : memref<1280x32xf32, #tpu.memory_space<hbm>>) target_semaphore(%arg10 : memref<!tpu.dma_semaphore, #tpu.memory_space<semaphore_mem>>)
    %dma_wait3A_245 = arith.constant 0 : i32
    %dma_wait3A_246 = arith.constant 0 : i32
    %dma_wait3A_247 = arith.constant 0 : i32
    %dma_wait3A_248 = tpu.memref_slice %arg7[%dma_wait3A_245, %dma_wait3A_246, %dma_wait3A_247] : memref<2x1280x32xf32, #tpu.memory_space<vmem>> -> memref<1x1280x32xf32, #tpu.memory_space<vmem>>
    %dma_wait3A_249 = tpu.memref_squeeze %dma_wait3A_248 : memref<1x1280x32xf32, #tpu.memory_space<vmem>> -> memref<1280x32xf32, #tpu.memory_space<vmem>>
    %dma_wait3A_250 = arith.constant 0 : i32
    %dma_wait3A_251 = tpu.memref_slice %arg4[%add3A_231, %dma_wait3A_250] : memref<327680x32xf32, #tpu.memory_space<hbm>> -> memref<1280x32xf32, #tpu.memory_space<hbm>>
    %dma_wait3A_252 = arith.constant 0 : i32
    %dma_wait3A_253 = tpu.memref_slice %arg4[%add3A_231, %dma_wait3A_252] : memref<327680x32xf32, #tpu.memory_space<hbm>> -> memref<1280x32xf32, #tpu.memory_space<hbm>>
    %dma_wait3A_254 = arith.constant 0 : i32
    %dma_wait3A_255 = arith.constant 0 : i32
    %dma_wait3A_256 = tpu.memref_slice %arg7[%dma_wait3A_245, %dma_wait3A_254, %dma_wait3A_255] : memref<2x1280x32xf32, #tpu.memory_space<vmem>> -> memref<1x1280x32xf32, #tpu.memory_space<vmem>>
    %dma_wait3A_257 = tpu.memref_squeeze %dma_wait3A_256 : memref<1x1280x32xf32, #tpu.memory_space<vmem>> -> memref<1280x32xf32, #tpu.memory_space<vmem>>
    tpu.wait_dma2 semaphore(%arg10 : memref<!tpu.dma_semaphore, #tpu.memory_space<semaphore_mem>>) src(%dma_wait3A_257 : memref<1280x32xf32, #tpu.memory_space<vmem>>) dst(%dma_wait3A_253 : memref<1280x32xf32, #tpu.memory_space<hbm>>)
    %dma_start3A_258 = arith.constant 0 : i32
    %dma_start3A_259 = arith.constant 0 : i32
    %dma_start3A_260 = arith.constant 0 : i32
    %dma_start3A_261 = tpu.memref_slice %arg7[%dma_start3A_258, %dma_start3A_259, %dma_start3A_260] : memref<2x1280x32xf32, #tpu.memory_space<vmem>> -> memref<1x1280x32xf32, #tpu.memory_space<vmem>>
    %dma_start3A_262 = tpu.memref_squeeze %dma_start3A_261 : memref<1x1280x32xf32, #tpu.memory_space<vmem>> -> memref<1280x32xf32, #tpu.memory_space<vmem>>
    %dma_start3A_263 = arith.constant 7680 : i32
    %dma_start3A_264 = tpu.memref_slice %arg6[%dma_start3A_263] : memref<10240xi32, #tpu.memory_space<vmem>> -> memref<1280xi32, #tpu.memory_space<vmem>>
    %dma_start3A_265 = arith.constant 0 : i32
    %dma_start3A_266 = arith.constant 0 : i32
    %dma_start3A_267 = tpu.memref_slice %arg2[%dma_start3A_265, %dma_start3A_266] : memref<1000192x32xf32, #tpu.memory_space<hbm>> -> memref<1000192x32xf32, #tpu.memory_space<hbm>>
    tpu.enqueue_indirect_dma source(%dma_start3A_267 : memref<1000192x32xf32, #tpu.memory_space<hbm>>) target(%dma_start3A_262 : memref<1280x32xf32, #tpu.memory_space<vmem>>) offsets(%dma_start3A_264 : memref<1280xi32, #tpu.memory_space<vmem>>) semaphore(%arg8 : memref<!tpu.dma_semaphore, #tpu.memory_space<semaphore_mem>>)
    %dma_wait3A_268 = arith.constant 1 : i32
    %dma_wait3A_269 = arith.constant 0 : i32
    %dma_wait3A_270 = arith.constant 0 : i32
    %dma_wait3A_271 = tpu.memref_slice %arg7[%dma_wait3A_268, %dma_wait3A_269, %dma_wait3A_270] : memref<2x1280x32xf32, #tpu.memory_space<vmem>> -> memref<1x1280x32xf32, #tpu.memory_space<vmem>>
    %dma_wait3A_272 = tpu.memref_squeeze %dma_wait3A_271 : memref<1x1280x32xf32, #tpu.memory_space<vmem>> -> memref<1280x32xf32, #tpu.memory_space<vmem>>
    %dma_wait3A_273 = arith.constant 6400 : i32
    %dma_wait3A_274 = tpu.memref_slice %arg6[%dma_wait3A_273] : memref<10240xi32, #tpu.memory_space<vmem>> -> memref<1280xi32, #tpu.memory_space<vmem>>
    %dma_wait3A_275 = arith.constant 0 : i32
    %dma_wait3A_276 = arith.constant 0 : i32
    %dma_wait3A_277 = tpu.memref_slice %arg2[%dma_wait3A_275, %dma_wait3A_276] : memref<1000192x32xf32, #tpu.memory_space<hbm>> -> memref<1000192x32xf32, #tpu.memory_space<hbm>>
    tpu.wait_indirect_dma semaphore(%arg9 : memref<!tpu.dma_semaphore, #tpu.memory_space<semaphore_mem>>) src(%dma_wait3A_277 : memref<1000192x32xf32, #tpu.memory_space<hbm>>) dst(%dma_wait3A_272 : memref<1280x32xf32, #tpu.memory_space<vmem>>)
    %add3A_278 = arith.constant 6400 : i32
    %add3A_279 = arith.addi %mul3A_2, %add3A_278 : i32
    %dma_start3A_280 = arith.constant 1 : i32
    %dma_start3A_281 = arith.constant 0 : i32
    %dma_start3A_282 = arith.constant 0 : i32
    %dma_start3A_283 = tpu.memref_slice %arg7[%dma_start3A_280, %dma_start3A_281, %dma_start3A_282] : memref<2x1280x32xf32, #tpu.memory_space<vmem>> -> memref<1x1280x32xf32, #tpu.memory_space<vmem>>
    %dma_start3A_284 = tpu.memref_squeeze %dma_start3A_283 : memref<1x1280x32xf32, #tpu.memory_space<vmem>> -> memref<1280x32xf32, #tpu.memory_space<vmem>>
    %dma_start3A_285 = arith.constant 0 : i32
    %dma_start3A_286 = tpu.memref_slice %arg4[%add3A_279, %dma_start3A_285] : memref<327680x32xf32, #tpu.memory_space<hbm>> -> memref<1280x32xf32, #tpu.memory_space<hbm>>
    %dma_start3A_287 = arith.constant 0 : i32
    %dma_start3A_288 = tpu.memref_slice %arg4[%add3A_279, %dma_start3A_287] : memref<327680x32xf32, #tpu.memory_space<hbm>> -> memref<1280x32xf32, #tpu.memory_space<hbm>>
    %dma_start3A_289 = arith.constant 0 : i32
    %dma_start3A_290 = arith.constant 0 : i32
    %dma_start3A_291 = tpu.memref_slice %arg7[%dma_start3A_280, %dma_start3A_289, %dma_start3A_290] : memref<2x1280x32xf32, #tpu.memory_space<vmem>> -> memref<1x1280x32xf32, #tpu.memory_space<vmem>>
    %dma_start3A_292 = tpu.memref_squeeze %dma_start3A_291 : memref<1x1280x32xf32, #tpu.memory_space<vmem>> -> memref<1280x32xf32, #tpu.memory_space<vmem>>
    tpu.enqueue_dma source(%dma_start3A_292 : memref<1280x32xf32, #tpu.memory_space<vmem>>) target(%dma_start3A_288 : memref<1280x32xf32, #tpu.memory_space<hbm>>) target_semaphore(%arg11 : memref<!tpu.dma_semaphore, #tpu.memory_space<semaphore_mem>>)
    %dma_wait3A_293 = arith.constant 1 : i32
    %dma_wait3A_294 = arith.constant 0 : i32
    %dma_wait3A_295 = arith.constant 0 : i32
    %dma_wait3A_296 = tpu.memref_slice %arg7[%dma_wait3A_293, %dma_wait3A_294, %dma_wait3A_295] : memref<2x1280x32xf32, #tpu.memory_space<vmem>> -> memref<1x1280x32xf32, #tpu.memory_space<vmem>>
    %dma_wait3A_297 = tpu.memref_squeeze %dma_wait3A_296 : memref<1x1280x32xf32, #tpu.memory_space<vmem>> -> memref<1280x32xf32, #tpu.memory_space<vmem>>
    %dma_wait3A_298 = arith.constant 0 : i32
    %dma_wait3A_299 = tpu.memref_slice %arg4[%add3A_279, %dma_wait3A_298] : memref<327680x32xf32, #tpu.memory_space<hbm>> -> memref<1280x32xf32, #tpu.memory_space<hbm>>
    %dma_wait3A_300 = arith.constant 0 : i32
    %dma_wait3A_301 = tpu.memref_slice %arg4[%add3A_279, %dma_wait3A_300] : memref<327680x32xf32, #tpu.memory_space<hbm>> -> memref<1280x32xf32, #tpu.memory_space<hbm>>
    %dma_wait3A_302 = arith.constant 0 : i32
    %dma_wait3A_303 = arith.constant 0 : i32
    %dma_wait3A_304 = tpu.memref_slice %arg7[%dma_wait3A_293, %dma_wait3A_302, %dma_wait3A_303] : memref<2x1280x32xf32, #tpu.memory_space<vmem>> -> memref<1x1280x32xf32, #tpu.memory_space<vmem>>
    %dma_wait3A_305 = tpu.memref_squeeze %dma_wait3A_304 : memref<1x1280x32xf32, #tpu.memory_space<vmem>> -> memref<1280x32xf32, #tpu.memory_space<vmem>>
    tpu.wait_dma2 semaphore(%arg11 : memref<!tpu.dma_semaphore, #tpu.memory_space<semaphore_mem>>) src(%dma_wait3A_305 : memref<1280x32xf32, #tpu.memory_space<vmem>>) dst(%dma_wait3A_301 : memref<1280x32xf32, #tpu.memory_space<hbm>>)
    %dma_start3A_306 = arith.constant 1 : i32
    %dma_start3A_307 = arith.constant 0 : i32
    %dma_start3A_308 = arith.constant 0 : i32
    %dma_start3A_309 = tpu.memref_slice %arg7[%dma_start3A_306, %dma_start3A_307, %dma_start3A_308] : memref<2x1280x32xf32, #tpu.memory_space<vmem>> -> memref<1x1280x32xf32, #tpu.memory_space<vmem>>
    %dma_start3A_310 = tpu.memref_squeeze %dma_start3A_309 : memref<1x1280x32xf32, #tpu.memory_space<vmem>> -> memref<1280x32xf32, #tpu.memory_space<vmem>>
    %dma_start3A_311 = arith.constant 8960 : i32
    %dma_start3A_312 = tpu.memref_slice %arg6[%dma_start3A_311] : memref<10240xi32, #tpu.memory_space<vmem>> -> memref<1280xi32, #tpu.memory_space<vmem>>
    %dma_start3A_313 = arith.constant 0 : i32
    %dma_start3A_314 = arith.constant 0 : i32
    %dma_start3A_315 = tpu.memref_slice %arg2[%dma_start3A_313, %dma_start3A_314] : memref<1000192x32xf32, #tpu.memory_space<hbm>> -> memref<1000192x32xf32, #tpu.memory_space<hbm>>
    tpu.enqueue_indirect_dma source(%dma_start3A_315 : memref<1000192x32xf32, #tpu.memory_space<hbm>>) target(%dma_start3A_310 : memref<1280x32xf32, #tpu.memory_space<vmem>>) offsets(%dma_start3A_312 : memref<1280xi32, #tpu.memory_space<vmem>>) semaphore(%arg9 : memref<!tpu.dma_semaphore, #tpu.memory_space<semaphore_mem>>)
    %dma_wait3A_316 = arith.constant 0 : i32
    %dma_wait3A_317 = arith.constant 0 : i32
    %dma_wait3A_318 = arith.constant 0 : i32
    %dma_wait3A_319 = tpu.memref_slice %arg7[%dma_wait3A_316, %dma_wait3A_317, %dma_wait3A_318] : memref<2x1280x32xf32, #tpu.memory_space<vmem>> -> memref<1x1280x32xf32, #tpu.memory_space<vmem>>
    %dma_wait3A_320 = tpu.memref_squeeze %dma_wait3A_319 : memref<1x1280x32xf32, #tpu.memory_space<vmem>> -> memref<1280x32xf32, #tpu.memory_space<vmem>>
    %dma_wait3A_321 = arith.constant 7680 : i32
    %dma_wait3A_322 = tpu.memref_slice %arg6[%dma_wait3A_321] : memref<10240xi32, #tpu.memory_space<vmem>> -> memref<1280xi32, #tpu.memory_space<vmem>>
    %dma_wait3A_323 = arith.constant 0 : i32
    %dma_wait3A_324 = arith.constant 0 : i32
    %dma_wait3A_325 = tpu.memref_slice %arg2[%dma_wait3A_323, %dma_wait3A_324] : memref<1000192x32xf32, #tpu.memory_space<hbm>> -> memref<1000192x32xf32, #tpu.memory_space<hbm>>
    tpu.wait_indirect_dma semaphore(%arg8 : memref<!tpu.dma_semaphore, #tpu.memory_space<semaphore_mem>>) src(%dma_wait3A_325 : memref<1000192x32xf32, #tpu.memory_space<hbm>>) dst(%dma_wait3A_320 : memref<1280x32xf32, #tpu.memory_space<vmem>>)
    %add3A_326 = arith.constant 7680 : i32
    %add3A_327 = arith.addi %mul3A_2, %add3A_326 : i32
    %dma_start3A_328 = arith.constant 0 : i32
    %dma_start3A_329 = arith.constant 0 : i32
    %dma_start3A_330 = arith.constant 0 : i32
    %dma_start3A_331 = tpu.memref_slice %arg7[%dma_start3A_328, %dma_start3A_329, %dma_start3A_330] : memref<2x1280x32xf32, #tpu.memory_space<vmem>> -> memref<1x1280x32xf32, #tpu.memory_space<vmem>>
    %dma_start3A_332 = tpu.memref_squeeze %dma_start3A_331 : memref<1x1280x32xf32, #tpu.memory_space<vmem>> -> memref<1280x32xf32, #tpu.memory_space<vmem>>
    %dma_start3A_333 = arith.constant 0 : i32
    %dma_start3A_334 = tpu.memref_slice %arg4[%add3A_327, %dma_start3A_333] : memref<327680x32xf32, #tpu.memory_space<hbm>> -> memref<1280x32xf32, #tpu.memory_space<hbm>>
    %dma_start3A_335 = arith.constant 0 : i32
    %dma_start3A_336 = tpu.memref_slice %arg4[%add3A_327, %dma_start3A_335] : memref<327680x32xf32, #tpu.memory_space<hbm>> -> memref<1280x32xf32, #tpu.memory_space<hbm>>
    %dma_start3A_337 = arith.constant 0 : i32
    %dma_start3A_338 = arith.constant 0 : i32
    %dma_start3A_339 = tpu.memref_slice %arg7[%dma_start3A_328, %dma_start3A_337, %dma_start3A_338] : memref<2x1280x32xf32, #tpu.memory_space<vmem>> -> memref<1x1280x32xf32, #tpu.memory_space<vmem>>
    %dma_start3A_340 = tpu.memref_squeeze %dma_start3A_339 : memref<1x1280x32xf32, #tpu.memory_space<vmem>> -> memref<1280x32xf32, #tpu.memory_space<vmem>>
    tpu.enqueue_dma source(%dma_start3A_340 : memref<1280x32xf32, #tpu.memory_space<vmem>>) target(%dma_start3A_336 : memref<1280x32xf32, #tpu.memory_space<hbm>>) target_semaphore(%arg10 : memref<!tpu.dma_semaphore, #tpu.memory_space<semaphore_mem>>)
    %dma_wait3A_341 = arith.constant 1 : i32
    %dma_wait3A_342 = arith.constant 0 : i32
    %dma_wait3A_343 = arith.constant 0 : i32
    %dma_wait3A_344 = tpu.memref_slice %arg7[%dma_wait3A_341, %dma_wait3A_342, %dma_wait3A_343] : memref<2x1280x32xf32, #tpu.memory_space<vmem>> -> memref<1x1280x32xf32, #tpu.memory_space<vmem>>
    %dma_wait3A_345 = tpu.memref_squeeze %dma_wait3A_344 : memref<1x1280x32xf32, #tpu.memory_space<vmem>> -> memref<1280x32xf32, #tpu.memory_space<vmem>>
    %dma_wait3A_346 = arith.constant 8960 : i32
    %dma_wait3A_347 = tpu.memref_slice %arg6[%dma_wait3A_346] : memref<10240xi32, #tpu.memory_space<vmem>> -> memref<1280xi32, #tpu.memory_space<vmem>>
    %dma_wait3A_348 = arith.constant 0 : i32
    %dma_wait3A_349 = arith.constant 0 : i32
    %dma_wait3A_350 = tpu.memref_slice %arg2[%dma_wait3A_348, %dma_wait3A_349] : memref<1000192x32xf32, #tpu.memory_space<hbm>> -> memref<1000192x32xf32, #tpu.memory_space<hbm>>
    tpu.wait_indirect_dma semaphore(%arg9 : memref<!tpu.dma_semaphore, #tpu.memory_space<semaphore_mem>>) src(%dma_wait3A_350 : memref<1000192x32xf32, #tpu.memory_space<hbm>>) dst(%dma_wait3A_345 : memref<1280x32xf32, #tpu.memory_space<vmem>>)
    %add3A_351 = arith.constant 8960 : i32
    %add3A_352 = arith.addi %mul3A_2, %add3A_351 : i32
    %dma_start3A_353 = arith.constant 1 : i32
    %dma_start3A_354 = arith.constant 0 : i32
    %dma_start3A_355 = arith.constant 0 : i32
    %dma_start3A_356 = tpu.memref_slice %arg7[%dma_start3A_353, %dma_start3A_354, %dma_start3A_355] : memref<2x1280x32xf32, #tpu.memory_space<vmem>> -> memref<1x1280x32xf32, #tpu.memory_space<vmem>>
    %dma_start3A_357 = tpu.memref_squeeze %dma_start3A_356 : memref<1x1280x32xf32, #tpu.memory_space<vmem>> -> memref<1280x32xf32, #tpu.memory_space<vmem>>
    %dma_start3A_358 = arith.constant 0 : i32
    %dma_start3A_359 = tpu.memref_slice %arg4[%add3A_352, %dma_start3A_358] : memref<327680x32xf32, #tpu.memory_space<hbm>> -> memref<1280x32xf32, #tpu.memory_space<hbm>>
    %dma_start3A_360 = arith.constant 0 : i32
    %dma_start3A_361 = tpu.memref_slice %arg4[%add3A_352, %dma_start3A_360] : memref<327680x32xf32, #tpu.memory_space<hbm>> -> memref<1280x32xf32, #tpu.memory_space<hbm>>
    %dma_start3A_362 = arith.constant 0 : i32
    %dma_start3A_363 = arith.constant 0 : i32
    %dma_start3A_364 = tpu.memref_slice %arg7[%dma_start3A_353, %dma_start3A_362, %dma_start3A_363] : memref<2x1280x32xf32, #tpu.memory_space<vmem>> -> memref<1x1280x32xf32, #tpu.memory_space<vmem>>
    %dma_start3A_365 = tpu.memref_squeeze %dma_start3A_364 : memref<1x1280x32xf32, #tpu.memory_space<vmem>> -> memref<1280x32xf32, #tpu.memory_space<vmem>>
    tpu.enqueue_dma source(%dma_start3A_365 : memref<1280x32xf32, #tpu.memory_space<vmem>>) target(%dma_start3A_361 : memref<1280x32xf32, #tpu.memory_space<hbm>>) target_semaphore(%arg11 : memref<!tpu.dma_semaphore, #tpu.memory_space<semaphore_mem>>)
    %dma_wait3A_366 = arith.constant 1 : i32
    %dma_wait3A_367 = arith.constant 0 : i32
    %dma_wait3A_368 = arith.constant 0 : i32
    %dma_wait3A_369 = tpu.memref_slice %arg7[%dma_wait3A_366, %dma_wait3A_367, %dma_wait3A_368] : memref<2x1280x32xf32, #tpu.memory_space<vmem>> -> memref<1x1280x32xf32, #tpu.memory_space<vmem>>
    %dma_wait3A_370 = tpu.memref_squeeze %dma_wait3A_369 : memref<1x1280x32xf32, #tpu.memory_space<vmem>> -> memref<1280x32xf32, #tpu.memory_space<vmem>>
    %dma_wait3A_371 = arith.constant 0 : i32
    %dma_wait3A_372 = tpu.memref_slice %arg4[%add3A_352, %dma_wait3A_371] : memref<327680x32xf32, #tpu.memory_space<hbm>> -> memref<1280x32xf32, #tpu.memory_space<hbm>>
    %dma_wait3A_373 = arith.constant 0 : i32
    %dma_wait3A_374 = tpu.memref_slice %arg4[%add3A_352, %dma_wait3A_373] : memref<327680x32xf32, #tpu.memory_space<hbm>> -> memref<1280x32xf32, #tpu.memory_space<hbm>>
    %dma_wait3A_375 = arith.constant 0 : i32
    %dma_wait3A_376 = arith.constant 0 : i32
    %dma_wait3A_377 = tpu.memref_slice %arg7[%dma_wait3A_366, %dma_wait3A_375, %dma_wait3A_376] : memref<2x1280x32xf32, #tpu.memory_space<vmem>> -> memref<1x1280x32xf32, #tpu.memory_space<vmem>>
    %dma_wait3A_378 = tpu.memref_squeeze %dma_wait3A_377 : memref<1x1280x32xf32, #tpu.memory_space<vmem>> -> memref<1280x32xf32, #tpu.memory_space<vmem>>
    tpu.wait_dma2 semaphore(%arg11 : memref<!tpu.dma_semaphore, #tpu.memory_space<semaphore_mem>>) src(%dma_wait3A_378 : memref<1280x32xf32, #tpu.memory_space<vmem>>) dst(%dma_wait3A_374 : memref<1280x32xf32, #tpu.memory_space<hbm>>)
    %dma_wait3A_379 = arith.constant 0 : i32
    %dma_wait3A_380 = arith.constant 0 : i32
    %dma_wait3A_381 = arith.constant 0 : i32
    %dma_wait3A_382 = tpu.memref_slice %arg7[%dma_wait3A_379, %dma_wait3A_380, %dma_wait3A_381] : memref<2x1280x32xf32, #tpu.memory_space<vmem>> -> memref<1x1280x32xf32, #tpu.memory_space<vmem>>
    %dma_wait3A_383 = tpu.memref_squeeze %dma_wait3A_382 : memref<1x1280x32xf32, #tpu.memory_space<vmem>> -> memref<1280x32xf32, #tpu.memory_space<vmem>>
    %dma_wait3A_384 = arith.constant 0 : i32
    %dma_wait3A_385 = tpu.memref_slice %arg4[%add3A_327, %dma_wait3A_384] : memref<327680x32xf32, #tpu.memory_space<hbm>> -> memref<1280x32xf32, #tpu.memory_space<hbm>>
    %dma_wait3A_386 = arith.constant 0 : i32
    %dma_wait3A_387 = tpu.memref_slice %arg4[%add3A_327, %dma_wait3A_386] : memref<327680x32xf32, #tpu.memory_space<hbm>> -> memref<1280x32xf32, #tpu.memory_space<hbm>>
    %dma_wait3A_388 = arith.constant 0 : i32
    %dma_wait3A_389 = arith.constant 0 : i32
    %dma_wait3A_390 = tpu.memref_slice %arg7[%dma_wait3A_379, %dma_wait3A_388, %dma_wait3A_389] : memref<2x1280x32xf32, #tpu.memory_space<vmem>> -> memref<1x1280x32xf32, #tpu.memory_space<vmem>>
    %dma_wait3A_391 = tpu.memref_squeeze %dma_wait3A_390 : memref<1x1280x32xf32, #tpu.memory_space<vmem>> -> memref<1280x32xf32, #tpu.memory_space<vmem>>
    tpu.wait_dma2 semaphore(%arg10 : memref<!tpu.dma_semaphore, #tpu.memory_space<semaphore_mem>>) src(%dma_wait3A_391 : memref<1280x32xf32, #tpu.memory_space<vmem>>) dst(%dma_wait3A_387 : memref<1280x32xf32, #tpu.memory_space<hbm>>)
    return
  }
}

</mosaic_0001>

<sc_bundles>
// kernel: kernel.4.cloned.1.call-start
scs
__scs_entry_jumppad:
0x0: {  	(pc) =	sbr.rel $0x88, $3  }
0x1: {  	(tag) =	ssettag $0x0;
	lr =	simm.s32 $0x1  }
0x2: {  	[smem:$0x3F9F] =	sst lr;
	_ =	strace $0xD0000000  }
0x3: {  	_ = 	snop  }
0x4: {  	_ = 	snop  }
0x5: {  	_ = 	snop  }
0x6: {  	_ = 	snop  }
0x7: {  	_ = 	snop  }
__scs_overlays_trampoline_lowered:
0x8: {  	[smem:$0x3FAE] =	sst s0  }
0x9: {  	[smem:$0x3FAF] =	sst s1  }
0xa: {  	[smem:$0x3FB0] =	sst s2  }
0xb: {  	[smem:$0x3FB1] =	sst s3  }
0xc: {  	[smem:$0x3FB2] =	sst s4  }
0xd: {  	[smem:$0x3FB3] =	sst s5  }
0xe: {  	[smem:$0x3FB4] =	sst s6  }
0xf: {  	[smem:$0x3FB5] =	sst s7  }
0x10: {  	[smem:$0x3FB6] =	sst s8  }
0x11: {  	[smem:$0x3FB7] =	sst s9;
	s0 =	simm.s32 @!p0 $0x0  }
0x12: {  	s1 =	sld [smem:$0x3F9D];
	s0 =	simm.s32 @p0 $0x1  }
0x13: {  	[smem:$0x3FB8] =	sst s0;
	s0 =	simm.s32 @!p1 $0x0  }
0x14: {  	s2 =	sld [smem:$0x3F9C];
	s0 =	simm.s32 @p1 $0x1  }
0x15: {  	[smem:$0x3FB9] =	sst s0;
	s0 =	simm.s32 @!p2 $0x0  }
0x16: {  	s3 =	sld [smem:$0x3FDB];
	s0 =	simm.s32 @p2 $0x1  }
0x17: {  	s4 =	simm.s32 $0x1BF5;
	[smem:$0x3FBB] =	sst s0  }
0x18: {  	s0 =	sld [smem:$0x3F9E];
	_ =	swait.ge [sflag:s4], $0x0  }
0x19: {  	s7 =	sld [smem:$0x3F9F]  }
0x1a: {  	s8 =	sadd.s32 $0xFFFFE003, lr  }
0x1b: {  	s9 =	sadd.s32 $0xFFFFFEF7, lr;
	s5 =	simm.s32 $0xFFFFFFFF;
	p2 =	slt.u32 s8, $0xFFFFF086  }
0x1c: {  	p1 =	slt.u32 s9, $0xF7A;
	s5 =	simm.s32 @!p2 $0x0  }
0x1d: {  	s5 =	simm.s32 @p1 $0x1;
	p0 =	seq.s32 s7, s2  }
0x1e: {  	s7 =	smul.u32 @!p0 $0xF7A, s2;
	p2 =	seq.s32 @!p0 s5, $0x0  }
0x1f: {  	s9 =	smul.u32 $0xF7A, s1;
	s8 =	simm.s32 @!p0 $0x1BF5;
	p2 =	por !p2, p0  }
0x20: {  	[sflag:s8] =	ssyncset.s32 @!p0 $0xFFFFF086;
	s6 =	sadd.s32 @!p0 s3, s7;
	s7 =	simm.s32 @!p0 $0x108  }
0x21: {  	s3 =	sadd.s32 s3, s9;
	s6 =	sadd.s32 @!p0 $0x88, s6;
	s7 =	simm.s32 @p2 $0x1082  }
0x22: {  	[simem:s7], [sflag:s8] =	dma.local @!p0 [hbm:s6], $0xF7A  }
0x23: {  	s9 =	sor.u32 $0xD0000000, s2;
	s6 =	simm.s32 $0x108;
	_ =	swait.ge @!p0 [sflag:s8], $0x0  }
0x24: {  	s3 =	sadd.s32 $0x88, s3;
	s6 =	simm.s32 @!p1 $0x1082;
	[sflag:s4] =	ssyncset.s32 $0xFFFFF086  }
0x25: {  	[simem:s6], [sflag:s4] =	dma.local [hbm:s3], $0xF7A  }
0x26: {  	[smem:$0x3F9F] =	sst s1;
	(tag) =	ssettag s2;
	_ =	strace s9  }
0x27: {  	s1 =	sld [smem:$0x3FAF]  }
0x28: {  	s2 =	sld [smem:$0x3FB0]  }
0x29: {  	s4 =	sld [smem:$0x3FB2]  }
0x2a: {  	p0 =	seq.s32 s5, $0x0;
	s5 =	sld [smem:$0x3FB3]  }
0x2b: {  	s6 =	sld [smem:$0x3FB4]  }
0x2c: {  	s7 =	sld [smem:$0x3FB5]  }
0x2d: {  	s3 =	simm.s32 $0x108;
	s8 =	sld [smem:$0x3FB6]  }
0x2e: {  	s3 =	simm.s32 @!p0 $0x1082;
	s9 =	sld [smem:$0x3FB7]  }
0x2f: {  	lr =	sadd.s32 s0, s3;
	s0 =	sld [smem:$0x3FAE]  }
0x30: {  	s3 =	sld [smem:$0x3FB1]  }
0x31: {  	[smem:$0x3FBA] =	sst s10  }
0x32: {  	s10 =	sld [smem:$0x3FB8];
	_ =	sdelay $0x3  }
0x33: {  	p0 =	seq.s32 s10, $0x1;
	s10 =	sld [smem:$0x3FBA];
	_ =	sdelay $0x3  }
0x34: {  	[smem:$0x3FBA] =	sst s10  }
0x35: {  	s10 =	sld [smem:$0x3FB9];
	_ =	sdelay $0x3  }
0x36: {  	p1 =	seq.s32 s10, $0x1;
	s10 =	sld [smem:$0x3FBA];
	_ =	sdelay $0x3  }
0x37: {  	[smem:$0x3FBA] =	sst s10  }
0x38: {  	s10 =	sld [smem:$0x3FBB]  }
0x39: {  	_ = 	snop;
	(pc) =	sbr.ind lr, $3  }
0x3a: {  	_ = 	snop  }
0x3b: {  	_ = 	snop  }
0x3c: {  	p2 =	seq.s32 s10, $0x1;
	s10 =	sld [smem:$0x3FBA]  }
0x3d: {  	_ =	shalt  }
0x3e: {  	_ =	shalt  }
0x3f: {  	_ =	shalt  }
0x40: {  	_ =	shalt  }
0x41: {  	_ =	shalt  }
0x42: {  	_ =	shalt  }
0x43: {  	_ =	shalt  }
0x44: {  	_ =	shalt  }
0x45: {  	_ =	shalt  }
0x46: {  	_ =	shalt  }
0x47: {  	_ =	shalt  }
0x48: {  	_ =	shalt  }
0x49: {  	_ =	shalt  }
0x4a: {  	_ =	shalt  }
0x4b: {  	_ =	shalt  }
0x4c: {  	_ =	shalt  }
0x4d: {  	_ =	shalt  }
0x4e: {  	_ =	shalt  }
0x4f: {  	_ =	shalt  }
0x50: {  	_ =	shalt  }
0x51: {  	_ =	shalt  }
0x52: {  	_ =	shalt  }
0x53: {  	_ =	shalt  }
0x54: {  	_ =	shalt  }
0x55: {  	_ =	shalt  }
0x56: {  	_ =	shalt  }
0x57: {  	_ =	shalt  }
0x58: {  	_ =	shalt  }
0x59: {  	_ =	shalt  }
0x5a: {  	_ =	shalt  }
0x5b: {  	_ =	shalt  }
0x5c: {  	_ =	shalt  }
0x5d: {  	_ =	shalt  }
0x5e: {  	_ =	shalt  }
0x5f: {  	_ =	shalt  }
0x60: {  	_ =	shalt  }
0x61: {  	_ =	shalt  }
0x62: {  	_ =	shalt  }
0x63: {  	_ =	shalt  }
0x64: {  	_ =	shalt  }
0x65: {  	_ =	shalt  }
0x66: {  	_ =	shalt  }
0x67: {  	_ =	shalt  }
0x68: {  	_ =	shalt  }
0x69: {  	_ =	shalt  }
0x6a: {  	_ =	shalt  }
0x6b: {  	_ =	shalt  }
0x6c: {  	_ =	shalt  }
0x6d: {  	_ =	shalt  }
0x6e: {  	_ =	shalt  }
0x6f: {  	_ =	shalt  }
0x70: {  	_ =	shalt  }
0x71: {  	_ =	shalt  }
0x72: {  	_ =	shalt  }
0x73: {  	_ =	shalt  }
0x74: {  	_ =	shalt  }
0x75: {  	_ =	shalt  }
0x76: {  	_ =	shalt  }
0x77: {  	_ =	shalt  }
0x78: {  	_ =	shalt  }
0x79: {  	_ =	shalt  }
0x7a: {  	_ =	shalt  }
0x7b: {  	_ =	shalt  }
0x7c: {  	_ =	shalt  }
0x7d: {  	_ =	shalt  }
0x7e: {  	_ =	shalt  }
0x7f: {  	_ =	shalt  }
0x80: {  	_ =	shalt  }
0x81: {  	_ =	shalt  }
0x82: {  	_ =	shalt  }
0x83: {  	_ =	shalt  }
0x84: {  	_ =	shalt  }
0x85: {  	_ =	shalt  }
0x86: {  	_ =	shalt  }
0x87: {  	_ =	shalt  }
.Lfunc_end0:
.L_simem_size_0:
called_computation.1_lowered:
.L_overlay_start_0:
0x88: {  	s2 =	sld [smem:$0x3FD9]  }
0x89: {  	s3 =	sld [smem:$0x3FFE];
	_ =	sdelay $0x1  }
0x8a: {  	s1 =	srdreg.scid  }
0x8b: {  	s0 =	sand.u32 $0x1, s1  }
0x8c: {  	s17 =	sshll.u32 s0, $0xA;
	s2 =	sadd.s32 s3, s2  }
0x8d: {  	s2 =	sadd.s32 s2, s17  }
0x8e: {  	[smem:$0x3FC6] =	sst s2  }
0x8f: {  	_ = 	snop  }
0x90: {  	s2 =	sld [smem:$0x3FC8];
	(tm) =	ssettm $0x1  }
0x91: {  	s18 =	sld [smem:$0x3FFB];
	_ =	sdelay $0x3  }
0x92: {  	_ =	strace s18  }
0x93: {  	s3 =	sld [smem:$0x3FFC];
	_ =	sdelay $0x3  }
0x94: {  	_ =	strace s3  }
0x95: {  	s3 =	sld [smem:$0x3FFD];
	_ =	sdelay $0x3  }
0x96: {  	_ =	strace s3  }
0x97: {  	_ =	strace $0x8FFFFFFF  }
0x98: {  	s19 =	sld [smem:$0x3FDB];
	_ =	sdelay $0x1  }
0x99: {  	s4 =	simm.s32 $_scs_section_size  }
0x9a: {  	s5 =	simm.s32 $_size__tile_overlayer_lowered;
	s6 =	simm.s32 $_tile_overlayer_lowered  }
0x9b: {  	s22 =	simm.s32 $0x1BFF;
	s21 =	sshll.u32 s6, $0x1;
	s3 =	sadd.s32 s4, s19  }
0x9c: {  	s7 =	simm.s32 $0x0;
	s20 =	sshll.u32 s5, $0x1;
	s5 =	sadd.s32 s21, s3  }
0x9d: {  	[timem:s7], [sflag:s22] =	dma.local [hbm:s5], s20  }
0x9e: {  	_ =	swait.ge [sflag:s22], s20  }
0x9f: {  	s4 =	ssub.s32 $0x0, s20;
	[sflag:s22] =	ssyncset.done $0x0  }
0xa0: {  	[sflag:s22] =	ssyncadd.s32 s4;
	_ =	sdelay $0x1  }
0xa1: {  	s23 =	simm.s32 $0x1B8B  }
0xa2: {  	_ =	swait.ge [sflag:s23], $0x1  }
0xa3: {  	[sflag:s23] =	ssyncset.done $0x0  }
0xa4: {  	s25 =	simm.s32 $0x1B8E;
	s24 =	sld [smem:$0x3FFE];
	[sflag:s23] =	ssyncadd.s32 $0xFFFFFFFF  }
0xa5: {  	s26 =	simm.s32 $execute0_lowered;
	[smem:$0x3FD2] =	sst s25  }
0xa6: {  	s5 =	sshll.u32 s26, $0x1;
	_ =	strace $0x80000046;
	[dreg:$0x1] =	wrdreg $0xFFFFFFFF  }
0xa7: {  	s28 =	simm.s32 $_size_execute0_lowered;
	s3 =	sadd.s32 s3, s5;
	[dreg:$0x0] =	wrdreg $0x0  }
0xa8: {  	s5 =	sshll.u32 s28, $0x1;
	[dreg:$0x2] =	wrdreg s3  }
0xa9: {  	[dreg:$0x3] =	wrdreg s5  }
0xaa: {  	[dreg:$0x4] =	wrdreg $0xC0  }
0xab: {  	_ =	task [dreg:s7], $0x5FFFF  }
0xac: {  	[dreg:$0x1] =	wrdreg $0xFFFFFFFF  }
0xad: {  	[dreg:$0x0] =	wrdreg $0x60  }
0xae: {  	[dreg:$0x2] =	wrdreg s2  }
0xaf: {  	[dreg:$0x3] =	wrdreg s24  }
0xb0: {  	[dreg:$0x4] =	wrdreg $0x9  }
0xb1: {  	_ =	task.clear_ibuf [dreg:s7], $0x5FFFF;
	_ =	strace $0x90000046  }
0xb2: {  	s29 =	simm.s32 $0x9;
	_ =	strace $0x80000048  }
0xb3: {  	_ =	swait.ge [sflag:s29], $0x1  }
0xb4: {  	[sflag:s29] =	ssyncadd.s32 $0xFFFFFFFF  }
0xb5: {  	_ =	strace $0x90000048  }
0xb6: {  	_ =	sfence  }
0xb7: {  	s30 =	sld [smem:$0x0];
	_ =	sdelay $0x2  }
0xb8: {  	s31 =	sshll.u32 s1, $0xD;
	s1 =	sshrl.u32 s1, $0x2  }
0xb9: {  	s3 =	sand.u32 $0x4000, s31;
	s1 =	sadd.s32 s1, s30  }
0xba: {  	s0 =	sor.u32 s3, s0;
	s1 =	sshll.u32 s1, $0x11  }
0xbb: {  	s0 =	sor.u32 s1, s0  }
0xbc: {  	s0 =	sadd.s32 $0x8F2B, s0  }
0xbd: {  	[sflag:s0] =	ssyncadd.remote.s32 $0x1  }
0xbe: {  	_ =	sfence.sel $0xFFFF  }
0xbf: {  	[dreg:$0x0] =	wrdreg $0xFFFFFFFF;
	(pc) =	sbr.abs _section_cstart, $3  }
0xc0: {  	[dreg:$0x1] =	wrdreg $0xFFFFFFFF  }
0xc1: {  	_ =	task.clear_ibuf [dreg:s7], $0x2FFFF;
	_ =	strace $0x9FFFFFFF  }
0xc2: {  	(tm) =	ssettm $0x7FFFFFFF  }
0xc3: {  	_ =	shalt  }
tec
execute0_lowered:
.L_overlay_start_1:
0x0: {  	(tag) =	ssettag $0x1  }
0x1: {  	vm14 =	vcmask $0x300  }
0x2: {  	v0 =	vimm.s32 $0xB80;
	vm15 =	vcmask $0x704;
	vm13 =	vcmask $0xB08  }
0x3: {  	vm12 =	vcmask $0xF0C;
	vm11 =	vcmask $0x1310;
	vm10 =	vcmask $0x1714  }
0x4: {  	vm9 =	vcmask $0x1B18;
	v1 =	vimm.s32 $0x0;
	vm8 =	vcmask $0x1F1C  }
0x5: {  	vm7 =	vcmask $0x2320;
	vm6 =	vcmask $0x2724;
	vm5 =	vcmask $0x2B28  }
0x6: {  	vm4 =	vcmask $0x2F2C;
	vm2 =	vcmask $0x3330;
	v2 =	vimm.s32 $0x80  }
0x7: {  	vm1 =	vcmask $0x3734;
	vm3 =	vcmask $0x3B38;
	v50 =	vimm.s32 $0xFEDCBA9  }
0x8: {  	v3 =	vimm.s32 $0x87654321;
	v5 =	vimm.s32 $0x100;
	v54 =	vimm.s32 $0x10FEDCBA  }
0x9: {  	v6 =	vimm.s32 $0x180;
	v7 =	vimm.s32 $0xA9876543;
	v8 =	vimm.s32 $0xBA987654  }
0xa: {  	v9 =	vimm.s32 $0x280;
	v61 =	vimm.s32 $0xA00;
	v36 =	vimm.s32 $0xB00  }
0xb: {  	v42 =	vimm.s32 $0x1B80;
	v46 =	vimm.s32 $0x1000;
	vm0 =	vcmask $0x1F10  }
0xc: {  	v0 =	vsel vm14, $0x0, v0;
	v1 =	vsel vm14, $0x80, v1;
	v2 =	vsel vm14, $0x100, v2  }
0xd: {  	v3 =	vunpack.c.l.s4.s8 v3;
	v6 =	vsel vm14, $0x200, v6;
	v7 =	vunpack.c.l.s4.s8 v7  }
0xe: {  	v8 =	vunpack.c.l.s4.s8 v8;
	v0 =	vsel vm15, $0x80, v0;
	v1 =	vsel vm15, $0x100, v1  }
0xf: {  	v2 =	vsel vm15, $0x180, v2;
	v0 =	vsel vm13, $0x100, v0;
	v1 =	vsel vm13, $0x180, v1  }
0x10: {  	v2 =	vsel vm13, $0x200, v2;
	v53 =	vunpack.c.0.s8.s32 v3;
	v3 =	vsel vm14, $0x180, v5  }
0x11: {  	v23 =	vunpack.c.0.s8.s32 v7;
	v0 =	vsel vm12, $0x180, v0;
	v1 =	vsel vm12, $0x200, v1  }
0x12: {  	v49 =	vsel vm12, $0x280, v2;
	v2 =	vunpack.c.l.s4.s8 v50;
	v3 =	vsel vm15, $0x200, v3  }
0x13: {  	v0 =	vsel vm11, $0x200, v0;
	v1 =	vsel vm11, $0x280, v1;
	v3 =	vsel vm13, $0x280, v3  }
0x14: {  	v0 =	vsel vm10, $0x280, v0;
	v1 =	vsel vm10, $0x300, v1;
	v51 =	vunpack.c.0.s8.s32 v2  }
0x15: {  	v3 =	vsel vm12, $0x300, v3;
	v0 =	vsel vm9, $0x300, v0;
	v1 =	vsel vm9, $0x380, v1  }
0x16: {  	v3 =	vsel vm11, $0x380, v3;
	v0 =	vsel vm8, $0x380, v0;
	v1 =	vsel vm8, $0x800, v1  }
0x17: {  	v5 =	vcombine.low v53, v51;
	v3 =	vsel vm10, $0x800, v3;
	v0 =	vsel vm7, $0x800, v0  }
0x18: {  	v1 =	vsel vm7, $0x880, v1;
	v3 =	vsel vm9, $0x880, v3;
	v0 =	vsel vm6, $0x880, v0  }
0x19: {  	v1 =	vsel vm6, $0x900, v1;
	v11 =	vand.u32 $0xF, v5;
	v5 =	vimm.s32 $0x98765432  }
0x1a: {  	v3 =	vsel vm8, $0x900, v3;
	v48 =	vsel vm5, $0x980, v1;
	v1 =	vsel vm11, $0x300, v49  }
0x1b: {  	v0 =	vsel vm5, $0x900, v0;
	v5 =	vunpack.c.l.s4.s8 v5;
	v1 =	vsel vm10, $0x380, v1  }
0x1c: {  	v3 =	vsel vm7, $0x980, v3;
	v0 =	vsel vm4, $0x980, v0;
	v1 =	vsel vm9, $0x800, v1  }
0x1d: {  	v3 =	vsel vm6, $0xA00, v3;
	v0 =	vsel vm2, $0xA00, v0;
	v52 =	vsel vm8, $0x880, v1  }
0x1e: {  	v20 =	vunpack.c.0.s8.s32 v5;
	v5 =	vsel vm15, $0x280, v6;
	v2 =	vsel vm7, $0x900, v52  }
0x1f: {  	v3 =	vsel vm5, $0xA80, v3;
	v0 =	vsel vm1, $0xA80, v0;
	v2 =	vsel vm6, $0x980, v2  }
0x20: {  	v45 =	vsel vm3, $0xB00, v0;
	v0 =	vsel vm4, $0xA00, v48;
	v2 =	vsel vm5, $0xA00, v2  }
0x21: {  	v6 =	vimm.s32 $0x210FEDCB;
	v4 =	vsel vm2, $0xA80, v0;
	v2 =	vsel vm4, $0xA80, v2  }
0x22: {  	v3 =	vsel vm4, $0xB00, v3;
	v4 =	vsel vm1, $0xB00, v4;
	v2 =	vsel vm2, $0xB00, v2  }
0x23: {  	v6 =	vunpack.c.l.s4.s8 v6;
	v10 =	vsel vm3, $0xB80, v4;
	v4 =	vsel vm1, $0xB80, v2  }
0x24: {  	v2 =	vunpack.c.l.s4.s8 v54;
	v12 =	vsel vm3, $0x0, v4;
	v4 =	vsel vm13, $0x300, v5  }
0x25: {  	v25 =	vunpack.c.0.s8.s32 v8;
	v3 =	vsel vm2, $0xB80, v3;
	v4 =	vsel vm12, $0x380, v4  }
0x26: {  	v22 =	vunpack.c.0.s8.s32 v6;
	v2 =	vunpack.c.0.s8.s32 v2;
	v4 =	vsel vm11, $0x800, v4  }
0x27: {  	v6 =	vlaneseq.u32;
	v3 =	vsel vm1, $0x0, v3;
	v4 =	vsel vm10, $0x880, v4  }
0x28: {  	v0 =	vcombine.low v51, v53;
	v5 =	vcombine.low v20, v2;
	v4 =	vsel vm9, $0x900, v4  }
0x29: {  	v7 =	vcombine.low v23, v22;
	v8 =	vmovc v10;
	v10 =	vimm.s32 $0xCBA98765;
	v4 =	vsel vm8, $0x980, v4  }
0x2a: {  	v13 =	vand.u32 $0xF, v5;
	v5 =	vimm.s32 $0x200;
	v4 =	vsel vm7, $0xA00, v4  }
0x2b: {  	v10 =	vunpack.c.l.s4.s8 v10;
	v5 =	vsel vm14, $0x280, v5;
	v4 =	vsel vm6, $0xA80, v4  }
0x2c: {  	v44 =	vsel vm3, $0x80, v3;
	v3 =	vsel vm5, $0xB00, v4;
	v4 =	vsel vm15, $0x300, v5  }
0x2d: {  	v51 =	vimm.s32 $0x1080;
	v15 =	vand.u32 $0xF, v7;
	v4 =	vsel vm13, $0x380, v4  }
0x2e: {  	v28 =	vunpack.c.0.s8.s32 v10;
	v5 =	vimm.s32 $0x3210FEDC;
	v4 =	vsel vm12, $0x800, v4  }
0x2f: {  	v10 =	vmovc v12;
	v12 =	vmovc v15;
	v15 =	vimm.s32 $0x800;
	v5 =	vunpack.c.l.s4.s8 v5;
	v4 =	vsel vm11, $0x880, v4  }
0x30: {  	v2 =	vcombine.low v2, v20;
	v3 =	vsel vm4, $0xB80, v3;
	v4 =	vsel vm10, $0x900, v4  }
0x31: {  	v24 =	vunpack.c.0.s8.s32 v5;
	v5 =	vsel vm14, $0x300, v9;
	v4 =	vsel vm9, $0x980, v4  }
0x32: {  	v3 =	vsel vm2, $0x0, v3;
	v5 =	vsel vm15, $0x380, v5;
	v4 =	vsel vm8, $0xA00, v4  }
0x33: {  	v3 =	vsel vm1, $0x80, v3;
	v5 =	vsel vm13, $0x800, v5;
	v4 =	vsel vm7, $0xA80, v4  }
0x34: {  	v9 =	vcombine.low v25, v24;
	v5 =	vsel vm12, $0x880, v5;
	v4 =	vsel vm6, $0xB00, v4  }
0x35: {  	v16 =	vsel vm3, $0x100, v3;
	v3 =	vsel vm5, $0xB80, v4;
	v4 =	vsel vm11, $0x900, v5  }
0x36: {  	v17 =	vand.u32 $0xF, v9;
	v5 =	vimm.s32 $0x43210FED;
	v4 =	vsel vm10, $0x980, v4  }
0x37: {  	v3 =	vsel vm4, $0x0, v3;
	v5 =	vunpack.c.l.s4.s8 v5;
	v4 =	vsel vm9, $0xA00, v4  }
0x38: {  	v9 =	vmovc v11;
	v11 =	vimm.s32 $0x300;
	v3 =	vsel vm2, $0x80, v3;
	v4 =	vsel vm8, $0xA80, v4  }
0x39: {  	v27 =	vunpack.c.0.s8.s32 v5;
	v5 =	vsel vm14, $0x380, v11;
	v4 =	vsel vm7, $0xB00, v4  }
0x3a: {  	v3 =	vsel vm1, $0x100, v3;
	v5 =	vsel vm15, $0x800, v5;
	v4 =	vsel vm6, $0xB80, v4  }
0x3b: {  	v18 =	vsel vm3, $0x180, v3;
	v11 =	vcombine.low v28, v27;
	v4 =	vsel vm5, $0x0, v4  }
0x3c: {  	v5 =	vsel vm13, $0x880, v5;
	v39 =	vcombine.low v27, v28;
	v4 =	vsel vm4, $0x80, v4  }
0x3d: {  	v5 =	vsel vm12, $0x900, v5;
	v19 =	vand.u32 $0xF, v11;
	v4 =	vsel vm2, $0x100, v4  }
0x3e: {  	v3 =	vsel vm1, $0x180, v4;
	v4 =	vsel vm11, $0x980, v5;
	v5 =	vimm.s32 $0x380  }
0x3f: {  	v11 =	vmovc v13;
	v13 =	vimm.s32 $0xDCBA9876;
	v21 =	vsel vm3, $0x200, v3;
	v3 =	vsel vm10, $0xA00, v4  }
0x40: {  	v4 =	vimm.s32 $0x543210FE;
	v5 =	vsel vm14, $0x800, v5;
	v13 =	vunpack.c.l.s4.s8 v13  }
0x41: {  	v3 =	vsel vm9, $0xA80, v3;
	v4 =	vunpack.c.l.s4.s8 v4;
	v5 =	vsel vm15, $0x880, v5  }
0x42: {  	v3 =	vsel vm8, $0xB00, v3;
	v5 =	vsel vm13, $0x900, v5;
	v32 =	vunpack.c.0.s8.s32 v13  }
0x43: {  	v13 =	vimm.s32 $0xEDCBA987;
	v29 =	vunpack.c.0.s8.s32 v4;
	v4 =	vsel vm12, $0x980, v5  }
0x44: {  	v3 =	vsel vm7, $0xB80, v3;
	v5 =	vimm.s32 $0x6543210F;
	v4 =	vsel vm11, $0xA00, v4  }
0x45: {  	v13 =	vunpack.c.l.s4.s8 v13;
	v3 =	vsel vm6, $0x0, v3;
	v4 =	vsel vm10, $0xA80, v4  }
0x46: {  	v5 =	vunpack.c.l.s4.s8 v5;
	v3 =	vsel vm5, $0x80, v3;
	v4 =	vsel vm9, $0xB00, v4  }
0x47: {  	v14 =	vcombine.low v32, v29;
	v31 =	vunpack.c.0.s8.s32 v13;
	v4 =	vsel vm8, $0xB80, v4  }
0x48: {  	v3 =	vsel vm4, $0x100, v3;
	v30 =	vunpack.c.0.s8.s32 v5;
	v4 =	vsel vm7, $0x0, v4  }
0x49: {  	v3 =	vsel vm2, $0x180, v3;
	v26 =	vand.u32 $0xF, v14;
	v4 =	vsel vm6, $0x80, v4  }
0x4a: {  	v3 =	vsel vm1, $0x200, v3;
	v5 =	vcombine.low v31, v30;
	v4 =	vsel vm5, $0x100, v4  }
0x4b: {  	v33 =	vsel vm3, $0x280, v3;
	v3 =	vsel vm4, $0x180, v4;
	v4 =	vsel vm14, $0x880, v15  }
0x4c: {  	v34 =	vand.u32 $0xF, v5;
	v5 =	vimm.s32 $0xFEDCBA98;
	v4 =	vsel vm15, $0x900, v4  }
0x4d: {  	v15 =	vmovc v17;
	v17 =	vimm.s32 $0x76543210;
	v3 =	vsel vm2, $0x200, v3;
	v4 =	vsel vm13, $0x980, v4  }
0x4e: {  	v5 =	vunpack.c.l.s4.s8 v5;
	v3 =	vsel vm1, $0x280, v3;
	v4 =	vsel vm12, $0xA00, v4  }
0x4f: {  	v35 =	vsel vm3, $0x300, v3;
	v3 =	vunpack.c.l.s4.s8 v17;
	v4 =	vsel vm11, $0xA80, v4  }
0x50: {  	v5 =	vunpack.c.0.s8.s32 v5;
	v17 =	vimm.s32 $0x880;
	v4 =	vsel vm10, $0xB00, v4  }
0x51: {  	v17 =	vsel vm14, $0x900, v17;
	v3 =	vunpack.c.0.s8.s32 v3;
	v4 =	vsel vm9, $0xB80, v4  }
0x52: {  	v14 =	vmovc v18;
	v5 =	vand.u32 $0xF, v5;
	v18 =	vsel vm15, $0x980, v17;
	v4 =	vsel vm8, $0x0, v4  }
0x53: {  	v40 =	vcombine.low v5, v3;
	v3 =	vsel vm7, $0x80, v4;
	v4 =	vsel vm13, $0xA00, v18  }
0x54: {  	v20 =	vmovc v33;
	v33 =	vimm.s32 $0xA80;
	v5 =	vimm.s32 $0x900;
	v4 =	vsel vm12, $0xA80, v4  }
0x55: {  	v5 =	vsel vm14, $0x980, v5;
	v3 =	vsel vm6, $0x100, v3;
	v4 =	vsel vm11, $0xB00, v4  }
0x56: {  	v5 =	vsel vm15, $0xA00, v5;
	v3 =	vsel vm5, $0x180, v3;
	v4 =	vsel vm10, $0xB80, v4  }
0x57: {  	v5 =	vsel vm13, $0xA80, v5;
	v3 =	vsel vm4, $0x200, v3;
	v4 =	vsel vm9, $0x0, v4  }
0x58: {  	v5 =	vsel vm12, $0xB00, v5;
	v3 =	vsel vm2, $0x280, v3;
	v4 =	vsel vm8, $0x80, v4  }
0x59: {  	v3 =	vsel vm1, $0x300, v3;
	v55 =	vsel vm7, $0x100, v4;
	v4 =	vsel vm11, $0xB80, v5  }
0x5a: {  	v5 =	vsel vm3, $0x380, v3;
	v1 =	vsel vm6, $0x180, v55;
	v3 =	vsel vm10, $0x0, v4  }
0x5b: {  	v4 =	vand.u32 $0xF, v0;
	v55 =	vand.u32 $0xF, v2;
	v2 =	vsel vm14, $0xA80, v61  }
0x5c: {  	v61 =	vimm.s32 $0x18171615;
	v56 =	vsel vm5, $0x200, v1;
	v57 =	vsel vm9, $0x80, v3  }
0x5d: {  	v3 =	vimm.s32 $0x980;
	v63 =	vsel vm15, $0xB00, v2;
	v2 =	vsel vm14, $0xB00, v33  }
0x5e: {  	v0 =	vsel vm4, $0x280, v56;
	v1 =	vsel vm8, $0x100, v57;
	v3 =	vsel vm14, $0xA00, v3  }
0x5f: {  	v2 =	vsel vm15, $0xB80, v2;
	v56 =	vimm.s32 $0x1100;
	v57 =	vimm.s32 $0x1C1B1A19  }
0x60: {  	v0 =	vsel vm2, $0x300, v0;
	v1 =	vsel vm7, $0x180, v1;
	v3 =	vsel vm15, $0xA80, v3  }
0x61: {  	v2 =	vsel vm13, $0x0, v2;
	v0 =	vsel vm1, $0x380, v0;
	v1 =	vsel vm6, $0x200, v1  }
0x62: {  	v3 =	vsel vm13, $0xB00, v3;
	v2 =	vsel vm12, $0x80, v2;
	v1 =	vsel vm5, $0x280, v1  }
0x63: {  	v58 =	vsel vm3, $0x800, v0;
	v60 =	vsel vm12, $0xB80, v3;
	v3 =	vcombine.low v22, v23  }
0x64: {  	v2 =	vsel vm11, $0x100, v2;
	v59 =	vsel vm4, $0x300, v1;
	v1 =	vsel vm11, $0x0, v60  }
0x65: {  	v18 =	vmovc v21;
	v21 =	vmovc v35;
	v35 =	vsel vm10, $0x180, v2;
	v2 =	vsel vm14, $0xB80, v36;
	v60 =	vimm.s32 $0x14131211  }
0x66: {  	v36 =	vimm.s32 $0x1180;
	v0 =	vsel vm2, $0x380, v59;
	v1 =	vsel vm10, $0x80, v1  }
0x67: {  	v47 =	vand.u32 $0xF, v3;
	v3 =	vcombine.low v24, v25;
	v2 =	vsel vm15, $0x0, v2  }
0x68: {  	v59 =	vimm.s32 $0x101F1E1D;
	v25 =	vunpack.c.0.s8.s32 v61;
	v0 =	vsel vm1, $0x800, v0  }
0x69: {  	v1 =	vsel vm9, $0x100, v1;
	v38 =	vsel vm13, $0x80, v2;
	v2 =	vsel vm14, $0x1080, v46  }
0x6a: {  	v17 =	vmovc v26;
	v46 =	vimm.s32 $0x1E1D1C1B;
	v26 =	vsel vm3, $0x880, v0;
	v62 =	vsel vm8, $0x180, v1  }
0x6b: {  	v23 =	vmovc v5;
	v1 =	vsel vm13, $0xB80, v63;
	v5 =	vand.u32 $0xF, v3;
	v3 =	vcombine.low v29, v32  }
0x6c: {  	v2 =	vsel vm15, $0x1100, v2;
	v63 =	vimm.s32 $0x11101F1E;
	v0 =	vsel vm7, $0x200, v62  }
0x6d: {  	v1 =	vsel vm12, $0x0, v1;
	v2 =	vsel vm13, $0x1180, v2;
	v32 =	vmovc v5;
	v5 =	vunpack.c.0.s8.s32 v60  }
0x6e: {  	v62 =	vimm.s32 $0x1D1C1B1A;
	v60 =	vimm.s32 $0x1280;
	v0 =	vsel vm6, $0x280, v0  }
0x6f: {  	v1 =	vsel vm11, $0x80, v1;
	v48 =	vand.u32 $0xF, v3;
	v2 =	vsel vm12, $0x1200, v2  }
0x70: {  	v3 =	vcombine.low v30, v31;
	v28 =	vunpack.c.0.s8.s32 v62;
	v0 =	vsel vm5, $0x300, v0  }
0x71: {  	v1 =	vsel vm10, $0x100, v1;
	v2 =	vsel vm11, $0x1280, v2;
	v0 =	vsel vm4, $0x380, v0  }
0x72: {  	v1 =	vsel vm9, $0x180, v1;
	v2 =	vsel vm10, $0x1300, v2;
	v52 =	vand.u32 $0xF, v3  }
0x73: {  	v3 =	vunpack.c.0.s8.s32 v57;
	v0 =	vsel vm2, $0x800, v0;
	v1 =	vsel vm8, $0x200, v1  }
0x74: {  	v2 =	vsel vm9, $0x1380, v2;
	v0 =	vsel vm1, $0x880, v0;
	v1 =	vsel vm7, $0x280, v1  }
0x75: {  	v13 =	vmovc v16;
	v16 =	vmovc v19;
	v50 =	vsel vm8, $0x1800, v2;
	v2 =	vsel vm14, $0x1100, v51;
	v51 =	vimm.s32 $0x16151413  }
0x76: {  	v19 =	vmovc v34;
	v24 =	vmovc v4;
	v4 =	vsel vm3, $0x900, v0;
	v34 =	vsel vm6, $0x300, v1;
	v1 =	vsel vm9, $0x200, v35  }
0x77: {  	v2 =	vsel vm15, $0x1180, v2;
	v0 =	vsel vm5, $0x380, v34;
	v1 =	vsel vm8, $0x280, v1  }
0x78: {  	v31 =	vmovc v4;
	v2 =	vsel vm13, $0x1200, v2;
	v4 =	vunpack.c.0.s8.s32 v59;
	v59 =	vimm.s32 $0x1200  }
0x79: {  	v0 =	vsel vm4, $0x800, v0;
	v1 =	vsel vm7, $0x300, v1;
	v2 =	vsel vm12, $0x1280, v2  }
0x7a: {  	v0 =	vsel vm2, $0x880, v0;
	v1 =	vsel vm6, $0x380, v1;
	v54 =	vsel vm11, $0x1300, v2  }
0x7b: {  	v0 =	vsel vm1, $0x900, v0;
	v37 =	vsel vm5, $0x800, v1;
	v1 =	vsel vm12, $0x100, v38  }
0x7c: {  	v33 =	vsel vm3, $0x980, v0;
	v0 =	vsel vm4, $0x880, v37;
	v1 =	vsel vm11, $0x180, v1  }
0x7d: {  	v2 =	vsel vm14, $0x1300, v60;
	v0 =	vsel vm2, $0x900, v0;
	v1 =	vsel vm10, $0x200, v1  }
0x7e: {  	v0 =	vsel vm1, $0x980, v0;
	v41 =	vsel vm9, $0x280, v1;
	v1 =	vsel vm14, $0x1000, v42  }
0x7f: {  	v43 =	vsel vm3, $0xA00, v0;
	v0 =	vsel vm8, $0x300, v41;
	v1 =	vsel vm15, $0x1080, v1  }
0x80: {  	v60 =	vimm.s32 $0x1900;
	v0 =	vsel vm7, $0x380, v0;
	v1 =	vsel vm13, $0x1100, v1  }
0x81: {  	v38 =	vand.u32 $0xF, v39;
	v0 =	vsel vm6, $0x800, v0;
	v1 =	vsel vm12, $0x1180, v1  }
0x82: {  	v39 =	vimm.s32 $0x19181716;
	v0 =	vsel vm5, $0x880, v0;
	v1 =	vsel vm11, $0x1200, v1  }
0x83: {  	v2 =	vsel vm15, $0x1380, v2;
	v0 =	vsel vm4, $0x900, v0;
	v1 =	vsel vm10, $0x1280, v1  }
0x84: {  	v37 =	vimm.s32 $0x15141312;
	v0 =	vsel vm2, $0x980, v0;
	v1 =	vsel vm9, $0x1300, v1  }
0x85: {  	v0 =	vsel vm1, $0xA00, v0;
	v49 =	vsel vm8, $0x1380, v1;
	v1 =	vsel vm7, $0x1880, v50  }
0x86: {  	v53 =	vsel vm3, $0xA80, v0;
	v0 =	vsel vm7, $0x1800, v49;
	v1 =	vsel vm6, $0x1900, v1  }
0x87: {  	v39 =	vunpack.c.0.s8.s32 v39;
	v0 =	vsel vm6, $0x1880, v0;
	v1 =	vsel vm5, $0x1980, v1  }
0x88: {  	v2 =	vsel vm13, $0x1800, v2;
	v0 =	vsel vm5, $0x1900, v0;
	v1 =	vsel vm4, $0x1A00, v1  }
0x89: {  	v29 =	vunpack.c.0.s8.s32 v37;
	v0 =	vsel vm4, $0x1980, v0;
	v1 =	vsel vm2, $0x1A80, v1  }
0x8a: {  	v2 =	vsel vm12, $0x1880, v2;
	v0 =	vsel vm2, $0x1A00, v0;
	v1 =	vsel vm1, $0x1B00, v1  }
0x8b: {  	v22 =	vmovc v58;
	v0 =	vsel vm1, $0x1A80, v0;
	v58 =	vsel vm3, $0x1B80, v1;
	v1 =	vsel vm14, $0x1180, v56  }
0x8c: {  	v42 =	vsel vm3, $0x1B00, v0;
	v0 =	vsel vm10, $0x1380, v54;
	v1 =	vsel vm15, $0x1200, v1  }
0x8d: {  	v37 =	vimm.s32 $0x17161514;
	v0 =	vsel vm9, $0x1800, v0;
	v1 =	vsel vm13, $0x1280, v1  }
0x8e: {  	v2 =	vsel vm11, $0x1900, v2;
	v0 =	vsel vm8, $0x1880, v0;
	v1 =	vsel vm12, $0x1300, v1  }
0x8f: {  	v62 =	vsel vm10, $0x1980, v2;
	v0 =	vsel vm7, $0x1900, v0;
	v1 =	vsel vm11, $0x1380, v1  }
0x90: {  	v49 =	vimm.s32 $0x1211101F;
	v0 =	vsel vm6, $0x1980, v0;
	v1 =	vsel vm10, $0x1800, v1  }
0x91: {  	v50 =	vunpack.c.0.s8.s32 v49;
	v0 =	vsel vm5, $0x1A00, v0;
	v1 =	vsel vm9, $0x1880, v1  }
0x92: {  	v49 =	vimm.s32 $0x1380;
	v0 =	vsel vm4, $0x1A80, v0;
	v1 =	vsel vm8, $0x1900, v1  }
0x93: {  	v56 =	vimm.s32 $0x1A191817;
	v0 =	vsel vm2, $0x1B00, v0;
	v1 =	vsel vm7, $0x1980, v1  }
0x94: {  	v54 =	vunpack.c.0.s8.s32 v63;
	v0 =	vsel vm1, $0x1B80, v0;
	v1 =	vsel vm6, $0x1A00, v1  }
0x95: {  	v35 =	vsel vm3, $0x1000, v0;
	v34 =	vsel vm5, $0x1A80, v1;
	v1 =	vsel vm14, $0x1200, v36  }
0x96: {  	v36 =	vimm.s32 $0x13121110;
	v0 =	vsel vm4, $0x1B00, v34;
	v1 =	vsel vm15, $0x1280, v1  }
0x97: {  	v34 =	vimm.s32 $0x1F1E1D1C;
	v0 =	vsel vm2, $0x1B80, v0;
	v1 =	vsel vm13, $0x1300, v1  }
0x98: {  	v2 =	vunpack.c.0.s8.s32 v34;
	v0 =	vsel vm1, $0x1000, v0;
	v41 =	vsel vm12, $0x1380, v1  }
0x99: {  	v1 =	vunpack.c.0.s8.s32 v46;
	v63 =	vsel vm3, $0x1080, v0;
	v0 =	vsel vm11, $0x1800, v41  }
0x9a: {  	v57 =	vunpack.c.0.s8.s32 v56;
	[tilespmem:$0x1FD20] =	vst v2;
	v2 =	vunpack.c.0.s8.s32 v36;
	v0 =	vsel vm10, $0x1880, v0  }
0x9b: {  	v46 =	vimm.s32 $0x1300;
	[tilespmem:$0x1FCE0] =	vst v1;
	v1 =	vunpack.c.0.s8.s32 v51;
	v0 =	vsel vm9, $0x1900, v0  }
0x9c: {  	v41 =	vimm.s32 $0x1B1A1918;
	[tilespmem:$0x1FD30] =	vst v2;
	v2 =	vunpack.c.0.s8.s32 v37;
	v0 =	vsel vm8, $0x1980, v0  }
0x9d: {  	v51 =	vimm.s32 $0x1800;
	[tilespmem:$0x1FD00] =	vst v1;
	v1 =	vsel vm14, $0x1280, v59;
	v0 =	vsel vm7, $0x1A00, v0  }
0x9e: {  	v1 =	vsel vm15, $0x1300, v1;
	[tilespmem:$0x1FD40] =	vst v2;
	v2 =	vunpack.c.0.s8.s32 v41;
	v0 =	vsel vm6, $0x1A80, v0  }
0x9f: {  	v59 =	vimm.s32 $0x1880;
	v1 =	vsel vm13, $0x1380, v1;
	v0 =	vsel vm5, $0x1B00, v0  }
0xa0: {  	v1 =	vsel vm12, $0x1800, v1;
	[tilespmem:$0x1FD50] =	vst v2;
	v2 =	vsel vm14, $0x1880, v51;
	v0 =	vsel vm4, $0x1B80, v0  }
0xa1: {  	v1 =	vsel vm11, $0x1880, v1;
	v2 =	vsel vm15, $0x1900, v2;
	v0 =	vsel vm2, $0x1000, v0  }
0xa2: {  	v61 =	vsel vm10, $0x1900, v1;
	v1 =	vsel vm9, $0x1A00, v62;
	v2 =	vsel vm13, $0x1980, v2  }
0xa3: {  	v0 =	vsel vm1, $0x1080, v0;
	v1 =	vsel vm8, $0x1A80, v1;
	v2 =	vsel vm12, $0x1A00, v2  }
0xa4: {  	v7 =	vsel vm3, $0x1100, v0;
	v0 =	vsel vm9, $0x1980, v61;
	v1 =	vsel vm7, $0x1B00, v1  }
0xa5: {  	v2 =	vsel vm11, $0x1A80, v2;
	v61 =	vimm.s32 $0x1980;
	v0 =	vsel vm8, $0x1A00, v0  }
0xa6: {  	v1 =	vsel vm6, $0x1B80, v1;
	v2 =	vsel vm10, $0x1B00, v2;
	v0 =	vsel vm7, $0x1A80, v0  }
0xa7: {  	v1 =	vsel vm5, $0x1000, v1;
	v2 =	vsel vm9, $0x1B80, v2;
	v0 =	vsel vm6, $0x1B00, v0  }
0xa8: {  	v1 =	vsel vm4, $0x1080, v1;
	v2 =	vsel vm8, $0x1000, v2;
	v0 =	vsel vm5, $0x1B80, v0  }
0xa9: {  	v1 =	vsel vm2, $0x1100, v1;
	v2 =	vsel vm7, $0x1080, v2;
	v0 =	vsel vm4, $0x1000, v0  }
0xaa: {  	v1 =	vsel vm1, $0x1180, v1;
	v2 =	vsel vm6, $0x1100, v2;
	v0 =	vsel vm2, $0x1080, v0  }
0xab: {  	[tilespmem:$0x1FCF0] =	vst v50;
	v50 =	vsel vm3, $0x1200, v1;
	v1 =	vsel vm14, $0x1800, v49;
	v2 =	vsel vm5, $0x1180, v2  }
0xac: {  	v0 =	vsel vm1, $0x1100, v0;
	v1 =	vsel vm15, $0x1880, v1;
	v2 =	vsel vm4, $0x1200, v2  }
0xad: {  	v41 =	vsel vm3, $0x1180, v0;
	v0 =	vsel vm14, $0x1380, v46;
	v1 =	vsel vm13, $0x1900, v1  }
0xae: {  	v2 =	vsel vm2, $0x1280, v2;
	v46 =	vimm.s32 $0x1A00;
	v0 =	vsel vm15, $0x1800, v0  }
0xaf: {  	[tilespmem:$0x1FD10] =	vst v57;
	v1 =	vsel vm12, $0x1980, v1;
	v57 =	vsel vm1, $0x1300, v2;
	v2 =	vsel vm14, $0x1A00, v61  }
0xb0: {  	v0 =	vsel vm13, $0x1880, v0;
	v1 =	vsel vm11, $0x1A00, v1;
	v62 =	vsel vm3, $0x1380, v57  }
0xb1: {  	v2 =	vsel vm15, $0x1A80, v2;
	v57 =	vimm.s32 $0x1B00;
	v0 =	vsel vm12, $0x1900, v0  }
0xb2: {  	s0 =	rddreg [dreg:$0x0];
	v1 =	vsel vm10, $0x1A80, v1;
	v2 =	vsel vm13, $0x1B00, v2;
	v0 =	vsel vm11, $0x1980, v0  }
0xb3: {  	s5 =	rddreg [dreg:$0x1];
	s3 =	simm.s32 $0x0;
	v1 =	vsel vm9, $0x1B00, v1;
	v2 =	vsel vm12, $0x1B80, v2;
	v0 =	vsel vm10, $0x1A00, v0  }
0xb4: {  	[smem:$0x7FF] =	sst s3;
	v1 =	vsel vm8, $0x1B80, v1;
	v2 =	vsel vm11, $0x1000, v2;
	v0 =	vsel vm9, $0x1A80, v0  }
0xb5: {  	s1 =	rddreg [dreg:$0x2];
	_ =	strace $0x80000047;
	[tilespmem:$0x1FD70] =	vst v3;
	v1 =	vsel vm7, $0x1000, v1;
	v2 =	vsel vm10, $0x1080, v2;
	v0 =	vsel vm8, $0x1B00, v0  }
0xb6: {  	[tilespmem:$0x1FD80] =	vst v4;
	v1 =	vsel vm6, $0x1080, v1;
	v2 =	vsel vm9, $0x1100, v2;
	v0 =	vsel vm7, $0x1B80, v0  }
0xb7: {  	[tilespmem:$0x1FD90] =	vst v5;
	v1 =	vsel vm5, $0x1100, v1;
	v2 =	vsel vm8, $0x1180, v2;
	v0 =	vsel vm6, $0x1000, v0  }
0xb8: {  	[tilespmem:$0x1FDA0] =	vst v25;
	v1 =	vsel vm4, $0x1180, v1;
	v2 =	vsel vm7, $0x1200, v2;
	v0 =	vsel vm5, $0x1080, v0  }
0xb9: {  	[tilespmem:$0x1FDB0] =	vst v28;
	v1 =	vsel vm2, $0x1200, v1;
	v2 =	vsel vm6, $0x1280, v2;
	v0 =	vsel vm4, $0x1100, v0  }
0xba: {  	[tilespmem:$0x1FDC0] =	vst v54;
	v56 =	vsel vm1, $0x1280, v1;
	v1 =	vsel vm14, $0x1980, v60;
	v0 =	vsel vm2, $0x1180, v0  }
0xbb: {  	[tilespmem:$0x1FDD0] =	vst v29;
	v2 =	vsel vm5, $0x1300, v2;
	v51 =	vsel vm3, $0x1300, v56;
	v0 =	vsel vm1, $0x1200, v0  }
0xbc: {  	[tilespmem:$0x1FDE0] =	vst v39;
	v1 =	vsel vm15, $0x1A00, v1;
	v49 =	vsel vm3, $0x1280, v0;
	v0 =	vsel vm14, $0x1900, v59  }
0xbd: {  	[tilespmem:$0x1FE70] =	vst v45;
	v2 =	vsel vm4, $0x1380, v2;
	v56 =	vimm.s32 $0x1A80;
	v0 =	vsel vm15, $0x1980, v0  }
0xbe: {  	[tilespmem:$0x1FE80] =	vst v8;
	v1 =	vsel vm13, $0x1A80, v1;
	v2 =	vsel vm2, $0x1800, v2;
	v0 =	vsel vm13, $0x1A00, v0  }
0xbf: {  	[tilespmem:$0x1FF20] =	vst v55;
	v1 =	vsel vm12, $0x1B00, v1;
	v37 =	vsel vm1, $0x1880, v2;
	v0 =	vsel vm12, $0x1A80, v0  }
0xc0: {  	[tilespmem:$0x1FF30] =	vst v47;
	v2 =	vsel vm14, $0x1B80, v57;
	v1 =	vsel vm11, $0x1B80, v1;
	v0 =	vsel vm11, $0x1B00, v0  }
0xc1: {  	[tilespmem:$0x1FF40] =	vst v48;
	v2 =	vsel vm15, $0x1000, v2;
	v1 =	vsel vm10, $0x1000, v1;
	v0 =	vsel vm10, $0x1B80, v0  }
0xc2: {  	v27 =	vmovc v22;
	[tilespmem:$0x1FF60] =	vst v44;
	v2 =	vsel vm13, $0x1080, v2;
	v1 =	vsel vm9, $0x1080, v1;
	v0 =	vsel vm9, $0x1000, v0  }
0xc3: {  	[tilespmem:$0x1FF70] =	vst v27;
	v2 =	vsel vm12, $0x1100, v2;
	v1 =	vsel vm8, $0x1100, v1;
	v0 =	vsel vm8, $0x1080, v0  }
0xc4: {  	[tilespmem:$0x1FF80] =	vst v26;
	v2 =	vsel vm11, $0x1180, v2;
	v1 =	vsel vm7, $0x1180, v1;
	v0 =	vsel vm7, $0x1100, v0  }
0xc5: {  	[tilespmem:$0x1FF90] =	vst v31;
	v2 =	vsel vm10, $0x1200, v2;
	v1 =	vsel vm6, $0x1200, v1;
	v0 =	vsel vm6, $0x1180, v0  }
0xc6: {  	v22 =	vmovc v19;
	[tilespmem:$0x1FFA0] =	vst v43;
	v2 =	vsel vm9, $0x1280, v2;
	v1 =	vsel vm5, $0x1280, v1;
	v0 =	vsel vm5, $0x1200, v0  }
0xc7: {  	v19 =	vmovc v18;
	v18 =	vmovc v16;
	[tilespmem:$0x1FFB0] =	vst v53;
	v2 =	vsel vm8, $0x1300, v2;
	v1 =	vsel vm4, $0x1300, v1;
	v0 =	vsel vm4, $0x1280, v0  }
0xc8: {  	v16 =	vmovc v15;
	v15 =	vmovc v13;
	[tilespmem:$0x1FFC0] =	vst v32;
	v2 =	vsel vm7, $0x1380, v2;
	v1 =	vsel vm2, $0x1380, v1;
	v0 =	vsel vm2, $0x1300, v0  }
0xc9: {  	[tilespmem:$0x1FFF0] =	vst v15;
	v2 =	vsel vm6, $0x1800, v2;
	v34 =	vsel vm1, $0x1800, v1;
	v0 =	vsel vm1, $0x1380, v0  }
0xca: {  	[tilespmem:$0x1FE60] =	vst v50;
	v1 =	vsel vm14, $0x1B00, v56;
	v36 =	vsel vm3, $0x1800, v0;
	v0 =	vsel vm14, $0x1A80, v46  }
0xcb: {  	[tilespmem:$0x1FE30] =	vst v41;
	v2 =	vsel vm5, $0x1880, v2;
	v1 =	vsel vm15, $0x1B80, v1;
	v0 =	vsel vm15, $0x1B00, v0  }
0xcc: {  	[tilespmem:$0x1FEF0] =	vst v62;
	v56 =	vor.u32 $0x10, v6;
	v1 =	vsel vm13, $0x1000, v1;
	v0 =	vsel vm13, $0x1B80, v0  }
0xcd: {  	[tilespmem:$0x1FEE0] =	vst v51;
	v61 =	vsel vm3, $0x1880, v34;
	v1 =	vsel vm12, $0x1080, v1;
	v0 =	vsel vm12, $0x1000, v0  }
0xce: {  	[tilespmem:$0x1FED0] =	vst v49;
	v34 =	vsel vm3, $0x1900, v37;
	v1 =	vsel vm11, $0x1100, v1;
	v0 =	vsel vm11, $0x1080, v0  }
0xcf: {  	v37 =	vsel vm0, v25, v5;
	[tilespmem:$0x1FE90] =	vst v56;
	v1 =	vsel vm10, $0x1180, v1;
	v0 =	vsel vm10, $0x1100, v0  }
0xd0: {  	v2 =	vsel vm4, $0x1900, v2;
	v25 =	vmovc v23;
	[tilespmem:$0x1FE00] =	vst v37;
	v1 =	vsel vm9, $0x1200, v1;
	v0 =	vsel vm9, $0x1180, v0  }
0xd1: {  	v23 =	vmovc v21;
	v21 =	vmovc v20;
	v20 =	vmov v17;
	[tilespmem:$0x1FEC0] =	vst v34;
	v1 =	vsel vm8, $0x1280, v1;
	v0 =	vsel vm8, $0x1200, v0  }
0xd2: {  	v17 =	vmovc v14;
	v14 =	vmovc v12;
	v12 =	vmov v11;
	[tilespmem:$0x1FF00] =	vst v61;
	v1 =	vsel vm7, $0x1300, v1;
	v0 =	vsel vm7, $0x1280, v0  }
0xd3: {  	v11 =	vmovc v10;
	v2 =	vsel vm2, $0x1980, v2;
	[tilespmem:$0x1FF10] =	vst v12;
	v1 =	vsel vm6, $0x1380, v1;
	v0 =	vsel vm6, $0x1300, v0  }
0xd4: {  	v10 =	vmovc v9;
	[tilespmem:$0x1FF50] =	vst v11;
	v60 =	vsel vm1, $0x1A00, v2;
	v1 =	vsel vm5, $0x1800, v1;
	v0 =	vsel vm5, $0x1380, v0  }
0xd5: {  	[tilespmem:$0x1FFD0] =	vst v10;
	v57 =	vsel vm3, $0x1A80, v60;
	v1 =	vsel vm4, $0x1880, v1;
	v0 =	vsel vm4, $0x1800, v0  }
0xd6: {  	[tilespmem:$0x1FFE0] =	vst v14;
	v60 =	vsel vm0, v54, v28;
	v1 =	vsel vm2, $0x1900, v1;
	v0 =	vsel vm2, $0x1880, v0  }
0xd7: {  	s4 =	srdreg.scid;
	s2 =	stileid.u32;
	[tilespmem:$0x1FE10] =	vst v60;
	v59 =	vsel vm1, $0x1980, v1;
	v0 =	vsel vm1, $0x1900, v0  }
0xd8: {  	s10 =	simm.s32 $0x7A1400;
	s11 =	simm.s32 $0x1;
	s12 =	simm.s32 $0x2000;
	[tilespmem:$0x1FE50] =	vst v57;
	v46 =	vsel vm3, $0x1980, v0;
	v0 =	vsel vm3, $0x1A00, v59  }
0xd9: {  	s13 =	simm.s32 $0x4000;
	s14 =	simm.s32 $0x2;
	s15 =	simm.s32 $0x6000;
	[tilespmem:$0x1FD60] =	vst v0  }
0xda: {  	s16 =	simm.s32 $0x3;
	s4 =	sand.u32 $0x1, s4;
	s6 =	sshll.u32 s2, $0x1;
	v0 =	vsel vm0, v4, v3;
	v3 =	vsel vm0, v39, v29;
	[tilespmem:$0x1FEB0] =	vst v46  }
0xdb: {  	s17 =	simm.s32 $0x4;
	s7 =	ssub.s32 $0x2, s4;
	s4 =	sor.u32 s4, s6;
	[tilespmem:$0x1FDF0] =	vst v0;
	v54 =	vcombine.low v3, v60  }
0xdc: {  	s18 =	simm.s32 $0x0;
	s31 =	sshrl.u32 s7, $0x1;
	s8 =	sshll.u32 s4, $0x8;
	v37 =	vcombine.low v37, v0;
	[tilespmem:$0x1FE20] =	vst v3  }
0xdd: {  	s5 =	sadd.s32 $0xE00, s5;
	s9 =	ssub.s32 s7, s31;
	s6 =	sadd.s32 s0, s8;
	[tilespmem:$0x1FE40] =	vst v54  }
0xde: {  	s7 =	sor.u32 $0x40, s4;
	s8 =	smax.u32 s9, $0x1;
	s9 =	simm.s32 $0x800;
	v13 =	vmovc v44;
	v5 =	vmov v24;
	v24 =	vmov v40;
	v9 =	vmov v8;
	[tilespmem:$0x1FEA0] =	vst v37  }
.LBB2_1:
0xdf: {  	[tilespmem:s3], [sflag:$0x1] =	stream.strided.gather [hbm4b:s6+s9], $0x2000, s10, s9, $0x38;
	[tilespmem:$0x8000] =	vst v63  }
0xe0: {  	s19 =	simm.s32 $0x0  }
.LBB2_2:
0xe1: {  	s21 =	sshll.u32 s19, $0x6;
	s23 =	simm.s32 $0x0  }
0xe2: {  	s22 =	sor.u32 s21, s4;
	v0 =	vmov s23  }
0xe3: {  	v1 =	vor.u32 s23, v6;
	s20 =	sor.u32 $0x20, s22;
	v0 =	vshll.u32 v0, $0x3  }
0xe4: {  	_ =	swait.ge [sflag:s11], $0x2000;
	v2 =	vand.u32 $0x7F, v1;
	s20 =	smin.u32 s20, $0xF42;
	v0 =	vand.u32 $0x400, v0  }
0xe5: {  	p0 =	seq.s32 s19, $0x0;
	[sflag:s11] =	ssyncset.done $0x0;
	s24 =	sshll.u32 s20, $0x8;
	v2 =	vor.u32 v0, v2  }
0xe6: {  	s23 =	simm.s32 @!p0 $0x3;
	[sflag:s11] =	ssyncadd.s32 $0xFFFFE000;
	s31 =	sadd.s32 s0, s24;
	v3 =	vor.u32 v45, v2  }
0xe7: {  	[tilespmem:s12], [sflag:$0x2] =	stream.strided.gather [hbm4b:s31+s9], $0x2000, s10, s9, $0x38;
	[tilespmem:$0x8000] =	vst v63  }
0xe8: {  	_ =	swait.ge @!p0 [sflag:s23], $0x2000  }
0xe9: {  	[sflag:s23] =	ssyncset.done @!p0 $0x0  }
0xea: {  	v0 =	vshll.u32 v1, $0x5;
	[sflag:s23] =	ssyncadd.s32 @!p0 $0xFFFFE000  }
0xeb: {  	v1 =	vld.idx.msk [tilespmem:v3+s3+$0x0], $0xffff;
	v3 =	vor.u32 v6, v0  }
0xec: {  	v4 =	vor.u32 v9, v2;
	_ =	sdelay $0x3  }
0xed: {  	[tilespmem:v3+s13+$0x0] =	vst.idx.msk $0xffff, v1  }
0xee: {  	v3 =	vor.u32 v10, v0;
	v1 =	vld.idx.msk [tilespmem:v4+s3+$0x0], $0xffff  }
0xef: {  	v4 =	vor.u32 v11, v2;
	_ =	sdelay $0x3  }
0xf0: {  	[tilespmem:v3+s13+$0x0] =	vst.idx.msk $0xffff, v1  }
0xf1: {  	v3 =	vor.u32 v12, v0;
	v1 =	vld.idx.msk [tilespmem:v4+s3+$0x0], $0xffff  }
0xf2: {  	v4 =	vor.u32 v13, v2;
	_ =	sdelay $0x3  }
0xf3: {  	[tilespmem:v3+s13+$0x0] =	vst.idx.msk $0xffff, v1  }
0xf4: {  	v3 =	vor.u32 v14, v0;
	v1 =	vld.idx.msk [tilespmem:v4+s3+$0x0], $0xffff  }
0xf5: {  	v4 =	vor.u32 v15, v2;
	_ =	sdelay $0x3  }
0xf6: {  	[tilespmem:v3+s13+$0x0] =	vst.idx.msk $0xffff, v1  }
0xf7: {  	v3 =	vor.u32 v16, v0;
	v1 =	vld.idx.msk [tilespmem:v4+s3+$0x0], $0xffff  }
0xf8: {  	v4 =	vor.u32 v17, v2;
	_ =	sdelay $0x3  }
0xf9: {  	[tilespmem:v3+s13+$0x0] =	vst.idx.msk $0xffff, v1  }
0xfa: {  	v3 =	vor.u32 v18, v0;
	v1 =	vld.idx.msk [tilespmem:v4+s3+$0x0], $0xffff  }
0xfb: {  	v4 =	vor.u32 v19, v2;
	_ =	sdelay $0x3  }
0xfc: {  	[tilespmem:v3+s13+$0x0] =	vst.idx.msk $0xffff, v1  }
0xfd: {  	v3 =	vor.u32 v20, v0;
	v1 =	vld.idx.msk [tilespmem:v4+s3+$0x0], $0xffff  }
0xfe: {  	v4 =	vor.u32 v21, v2;
	_ =	sdelay $0x3  }
0xff: {  	[tilespmem:v3+s13+$0x0] =	vst.idx.msk $0xffff, v1  }
0x100: {  	v3 =	vor.u32 v22, v0;
	v1 =	vld.idx.msk [tilespmem:v4+s3+$0x0], $0xffff  }
0x101: {  	v4 =	vor.u32 v23, v2;
	_ =	sdelay $0x3  }
0x102: {  	[tilespmem:v3+s13+$0x0] =	vst.idx.msk $0xffff, v1  }
0x103: {  	v3 =	vor.u32 v24, v0;
	v1 =	vld.idx.msk [tilespmem:v4+s3+$0x0], $0xffff  }
0x104: {  	v4 =	vor.u32 v25, v2;
	_ =	sdelay $0x3  }
0x105: {  	[tilespmem:v3+s13+$0x0] =	vst.idx.msk $0xffff, v1  }
0x106: {  	v3 =	vor.u32 v5, v0;
	v1 =	vld.idx.msk [tilespmem:v4+s3+$0x0], $0xffff  }
0x107: {  	v4 =	vor.u32 v27, v2;
	_ =	sdelay $0x3  }
0x108: {  	[tilespmem:v3+s13+$0x0] =	vst.idx.msk $0xffff, v1  }
0x109: {  	v3 =	vor.u32 v55, v0;
	v1 =	vld.idx.msk [tilespmem:v4+s3+$0x0], $0xffff  }
0x10a: {  	v4 =	vor.u32 v26, v2;
	_ =	sdelay $0x3  }
0x10b: {  	[tilespmem:v3+s13+$0x0] =	vst.idx.msk $0xffff, v1  }
0x10c: {  	v3 =	vor.u32 v47, v0;
	v1 =	vld.idx.msk [tilespmem:v4+s3+$0x0], $0xffff  }
0x10d: {  	v4 =	vor.u32 v31, v2;
	_ =	sdelay $0x3  }
0x10e: {  	[tilespmem:v3+s13+$0x0] =	vst.idx.msk $0xffff, v1  }
0x10f: {  	v3 =	vor.u32 v32, v0;
	v1 =	vld.idx.msk [tilespmem:v4+s3+$0x0], $0xffff  }
0x110: {  	v4 =	vor.u32 v33, v2;
	_ =	sdelay $0x3  }
0x111: {  	[tilespmem:v3+s13+$0x0] =	vst.idx.msk $0xffff, v1  }
0x112: {  	v3 =	vor.u32 v38, v0;
	v1 =	vld.idx.msk [tilespmem:v4+s3+$0x0], $0xffff  }
0x113: {  	v4 =	vor.u32 v43, v2;
	_ =	sdelay $0x3  }
0x114: {  	[tilespmem:v3+s13+$0x0] =	vst.idx.msk $0xffff, v1  }
0x115: {  	v3 =	vor.u32 v48, v0;
	v1 =	vld.idx.msk [tilespmem:v4+s3+$0x0], $0xffff  }
0x116: {  	v4 =	vor.u32 v53, v2;
	_ =	sdelay $0x3  }
0x117: {  	[tilespmem:v3+s13+$0x0] =	vst.idx.msk $0xffff, v1  }
0x118: {  	v3 =	vor.u32 v52, v0;
	v1 =	vld.idx.msk [tilespmem:v4+s3+$0x0], $0xffff  }
0x119: {  	v4 =	vor.u32 v42, v2;
	_ =	sdelay $0x3  }
0x11a: {  	[tilespmem:v3+s13+$0x0] =	vst.idx.msk $0xffff, v1  }
0x11b: {  	v3 =	vor.u32 v56, v0;
	v1 =	vld.idx.msk [tilespmem:v4+s3+$0x0], $0xffff  }
0x11c: {  	v4 =	vor.u32 v58, v2;
	_ =	sdelay $0x3  }
0x11d: {  	v40 =	vmov v61;
	v61 =	vld [tilespmem:$0x1FCE0];
	[tilespmem:v3+s13+$0x0] =	vst.idx.msk $0xffff, v1  }
0x11e: {  	v3 =	vor.u32 v37, v0;
	v1 =	vld.idx.msk [tilespmem:v4+s3+$0x0], $0xffff  }
0x11f: {  	v45 =	vld [tilespmem:$0x1FCF0];
	v4 =	vor.u32 v35, v2  }
0x120: {  	v28 =	vmov v7;
	v7 =	vld [tilespmem:$0x1FD10]  }
0x121: {  	v8 =	vmov v51;
	v51 =	vld [tilespmem:$0x1FD30]  }
0x122: {  	v11 =	vmov v46;
	v46 =	vld [tilespmem:$0x1FD00]  }
0x123: {  	v13 =	vmov v57;
	v57 =	vmov v50;
	v50 =	vld [tilespmem:$0x1FD20];
	[tilespmem:v3+s13+$0x0] =	vst.idx.msk $0xffff, v1  }
0x124: {  	v3 =	vor.u32 v54, v0;
	v1 =	vld.idx.msk [tilespmem:v4+s3+$0x0], $0xffff  }
0x125: {  	v47 =	vld [tilespmem:$0x1FD40];
	v4 =	vor.u32 v63, v2  }
0x126: {  	v54 =	vmov v58;
	v58 =	vmov v49;
	v49 =	vld [tilespmem:$0x1FD50]  }
0x127: {  	v39 =	vsel vm0, v45, v61;
	v30 =	vsel vm0, v7, v46  }
0x128: {  	v6 =	vcombine.low v30, v39  }
0x129: {  	[tilespmem:v3+s13+$0x0] =	vst.idx.msk $0xffff, v1  }
0x12a: {  	v3 =	vor.u32 v6, v0;
	v1 =	vld.idx.msk [tilespmem:v4+s3+$0x0], $0xffff  }
0x12b: {  	v26 =	vsel vm0, v51, v50;
	v31 =	vsel vm0, v49, v47  }
0x12c: {  	[tilespmem:$0x1FCC0] =	vst v6;
	v6 =	vcombine.low v31, v26;
	_ =	sdelay $0x1  }
0x12d: {  	v32 =	vmovc v35;
	v35 =	vmov v53;
	v53 =	vmov v26;
	v26 =	vmov v5;
	v5 =	vld [tilespmem:$0x1FD80];
	[tilespmem:$0x1FCD0] =	vst v6  }
0x12e: {  	[tilespmem:v3+s13+$0x0] =	vst.idx.msk $0xffff, v1;
	v3 =	vor.u32 v6, v0;
	v6 =	vld [tilespmem:$0x1FD90];
	_ =	sdelay $0x3  }
0x12f: {  	v4 =	vor.u32 v28, v2  }
0x130: {  	v15 =	vmov v27;
	v27 =	vsel vm0, v6, v5;
	v5 =	vld [tilespmem:$0x1FD70]  }
0x131: {  	v6 =	vld [tilespmem:$0x1FDA0];
	_ =	sdelay $0x2  }
0x132: {  	v1 =	vld.idx.msk [tilespmem:v4+s3+$0x0], $0xffff;
	_ =	sdelay $0x1  }
0x133: {  	v14 =	vsel vm0, v5, v6  }
0x134: {  	v5 =	vcombine.low v14, v27  }
0x135: {  	v6 =	vld [tilespmem:$0x1FDD0]  }
0x136: {  	[tilespmem:v3+s13+$0x0] =	vst.idx.msk $0xffff, v1;
	v60 =	vmov v5;
	v3 =	vor.u32 v5, v0;
	v5 =	vld [tilespmem:$0x1FDC0];
	_ =	sdelay $0x2  }
0x137: {  	v4 =	vor.u32 v41, v2;
	_ =	sdelay $0x1  }
0x138: {  	v12 =	vsel vm0, v6, v5;
	v5 =	vld [tilespmem:$0x1FDB0]  }
0x139: {  	v6 =	vld [tilespmem:$0x1FDE0];
	_ =	sdelay $0x1  }
0x13a: {  	v1 =	vld.idx.msk [tilespmem:v4+s3+$0x0], $0xffff  }
0x13b: {  	v4 =	vor.u32 v57, v2;
	_ =	sdelay $0x1  }
0x13c: {  	v6 =	vsel vm0, v5, v6  }
0x13d: {  	v5 =	vcombine.low v6, v12  }
0x13e: {  	[tilespmem:v3+s13+$0x0] =	vst.idx.msk $0xffff, v1  }
0x13f: {  	v3 =	vld.idx.msk [tilespmem:v4+s3+$0x0], $0xffff;
	v4 =	vor.u32 v5, v0  }
0x140: {  	v55 =	vmov v37;
	v37 =	vmov v5;
	v5 =	vor.u32 v58, v2;
	_ =	sdelay $0x1  }
0x141: {  	v29 =	vmov v52;
	v52 =	vsel vm0, v46, v45;
	v1 =	vsel vm0, v61, v7  }
0x142: {  	v7 =	vcombine.low v1, v52  }
0x143: {  	[tilespmem:v4+s13+$0x0] =	vst.idx.msk $0xffff, v3  }
0x144: {  	v4 =	vor.u32 v7, v0;
	v3 =	vld.idx.msk [tilespmem:v5+s3+$0x0], $0xffff  }
0x145: {  	v10 =	vmov v34;
	v34 =	vmov v36;
	v36 =	vmov v28  }
0x146: {  	v28 =	vmovc v42;
	v42 =	vor.u32 v8, v2;
	v5 =	vsel vm0, v47, v51;
	v51 =	vsel vm0, v50, v49  }
0x147: {  	v5 =	vcombine.low v51, v5  }
0x148: {  	v59 =	vmov v7;
	v7 =	vld [tilespmem:$0x1FE00]  }
0x149: {  	v45 =	vmov v5;
	[tilespmem:v4+s13+$0x0] =	vst.idx.msk $0xffff, v3;
	v4 =	vor.u32 v5, v0;
	v5 =	vld [tilespmem:$0x1FDF0];
	_ =	sdelay $0x1  }
0x14a: {  	v3 =	vld.idx.msk [tilespmem:v42+s3+$0x0], $0xffff  }
0x14b: {  	v57 =	vor.u32 v62, v2;
	_ =	sdelay $0x1  }
0x14c: {  	v7 =	vcombine.low v5, v7  }
0x14d: {  	v44 =	vmov v58;
	v58 =	vld [tilespmem:$0x1FE20]  }
0x14e: {  	[tilespmem:v4+s13+$0x0] =	vst.idx.msk $0xffff, v3;
	v42 =	vmov v7;
	v4 =	vor.u32 v7, v0;
	v7 =	vld [tilespmem:$0x1FE10]  }
0x14f: {  	v5 =	vld.idx.msk [tilespmem:v57+s3+$0x0], $0xffff  }
0x150: {  	v3 =	vor.u32 v34, v2;
	_ =	sdelay $0x2  }
0x151: {  	v7 =	vcombine.low v7, v58  }
0x152: {  	[tilespmem:v4+s13+$0x0] =	vst.idx.msk $0xffff, v5  }
0x153: {  	v3 =	vld.idx.msk [tilespmem:v3+s3+$0x0], $0xffff;
	v4 =	vor.u32 v7, v0  }
0x154: {  	v5 =	vor.u32 v40, v2;
	_ =	sdelay $0x2  }
0x155: {  	v51 =	vmov v7;
	v7 =	vcombine.low v39, v30  }
0x156: {  	[tilespmem:v4+s13+$0x0] =	vst.idx.msk $0xffff, v3  }
0x157: {  	v4 =	vor.u32 v7, v0;
	v3 =	vld.idx.msk [tilespmem:v5+s3+$0x0], $0xffff  }
0x158: {  	v5 =	vor.u32 v10, v2;
	_ =	sdelay $0x2  }
0x159: {  	v39 =	vmov v7;
	v7 =	vcombine.low v53, v31  }
0x15a: {  	[tilespmem:v4+s13+$0x0] =	vst.idx.msk $0xffff, v3  }
0x15b: {  	v4 =	vor.u32 v7, v0;
	v3 =	vld.idx.msk [tilespmem:v5+s3+$0x0], $0xffff  }
0x15c: {  	v5 =	vor.u32 v11, v2  }
0x15d: {  	v9 =	vld [tilespmem:$0x1FFD0]  }
0x15e: {  	v46 =	vmov v48;
	v48 =	vld [tilespmem:$0x1FF90]  }
0x15f: {  	v61 =	vmov v8;
	v8 =	vld [tilespmem:$0x1FE80]  }
0x160: {  	v6 =	vcombine.low v12, v6;
	v12 =	vld [tilespmem:$0x1FF60];
	[tilespmem:v4+s13+$0x0] =	vst.idx.msk $0xffff, v3  }
0x161: {  	v3 =	vld.idx.msk [tilespmem:v5+s3+$0x0], $0xffff  }
0x162: {  	v5 =	vld [tilespmem:$0x1FD60]  }
0x163: {  	v50 =	vmov v35;
	v35 =	vmov v43;
	v43 =	vld [tilespmem:$0x1FFC0]  }
0x164: {  	v49 =	vmov v29;
	v29 =	vld [tilespmem:$0x1FF30];
	v30 =	vmov v7;
	v7 =	vcombine.low v27, v14  }
0x165: {  	v58 =	vmov v28;
	v28 =	vld [tilespmem:$0x1FF80]  }
0x166: {  	v57 =	vmovc v34;
	v34 =	vmov v40;
	v40 =	vmov v32;
	v32 =	vld [tilespmem:$0x1FF20];
	v4 =	vor.u32 v7, v0  }
0x167: {  	v31 =	vld [tilespmem:$0x1FE70];
	v5 =	vor.u32 v5, v2  }
0x168: {  	v41 =	vmov v10;
	v10 =	vld [tilespmem:$0x1FF50]  }
0x169: {  	v14 =	vld [tilespmem:$0x1FFE0]  }
0x16a: {  	v47 =	vmov v11;
	v11 =	vld [tilespmem:$0x1FF10]  }
0x16b: {  	s23 =	simm.s32 $0x10;
	[tilespmem:v4+s13+$0x0] =	vst.idx.msk $0xffff, v3;
	v2 =	vor.u32 v13, v2;
	v13 =	vmov v15;
	v15 =	vld [tilespmem:$0x1FFF0]  }
0x16c: {  	s24 =	simm.s32 $0x20;
	v27 =	vmovc v6;
	v53 =	vmov v7;
	v4 =	vor.u32 v6, v0;
	v3 =	vld.idx.msk [tilespmem:v5+s3+$0x0], $0xffff;
	v5 =	vmov s23  }
.LBB2_3:
0x16d: {  	_ =	sdelay $0x2  }
0x16e: {  	v6 =	vlaneseq.u32  }
0x16f: {  	v5 =	vshll.u32 v5, $0x3;
	[tilespmem:v4+s13+$0x0] =	vst.idx.msk $0xffff, v3;
	v3 =	vcombine.low v52, v1;
	v6 =	vor.u32 s23, v6  }
0x170: {  	v5 =	vand.u32 $0x400, v5;
	v4 =	vand.u32 $0x7F, v6  }
0x171: {  	v7 =	vld.idx.msk [tilespmem:v2+s3+$0x0], $0xffff;
	v0 =	vor.u32 v3, v0;
	v2 =	vor.u32 v5, v4  }
0x172: {  	v3 =	vor.u32 v31, v2;
	_ =	sdelay $0x3  }
0x173: {  	[tilespmem:v0+s13+$0x0] =	vst.idx.msk $0xffff, v7;
	v0 =	vshll.u32 v6, $0x5;
	v6 =	vlaneseq.u32  }
0x174: {  	v4 =	vor.u32 v6, v0;
	v3 =	vld.idx.msk [tilespmem:v3+s3+$0x0], $0xffff  }
0x175: {  	v5 =	vor.u32 v8, v2;
	_ =	sdelay $0x3  }
0x176: {  	[tilespmem:v4+s13+$0x0] =	vst.idx.msk $0xffff, v3  }
0x177: {  	v4 =	vor.u32 v9, v0;
	v3 =	vld.idx.msk [tilespmem:v5+s3+$0x0], $0xffff  }
0x178: {  	v5 =	vor.u32 v10, v2;
	_ =	sdelay $0x3  }
0x179: {  	[tilespmem:v4+s13+$0x0] =	vst.idx.msk $0xffff, v3  }
0x17a: {  	v4 =	vor.u32 v11, v0;
	v3 =	vld.idx.msk [tilespmem:v5+s3+$0x0], $0xffff  }
0x17b: {  	v5 =	vor.u32 v12, v2;
	_ =	sdelay $0x3  }
0x17c: {  	[tilespmem:v4+s13+$0x0] =	vst.idx.msk $0xffff, v3  }
0x17d: {  	v4 =	vor.u32 v14, v0;
	v3 =	vld.idx.msk [tilespmem:v5+s3+$0x0], $0xffff  }
0x17e: {  	v5 =	vor.u32 v15, v2;
	_ =	sdelay $0x3  }
0x17f: {  	[tilespmem:v4+s13+$0x0] =	vst.idx.msk $0xffff, v3  }
0x180: {  	v4 =	vor.u32 v16, v0;
	v3 =	vld.idx.msk [tilespmem:v5+s3+$0x0], $0xffff  }
0x181: {  	v5 =	vor.u32 v17, v2;
	_ =	sdelay $0x3  }
0x182: {  	[tilespmem:v4+s13+$0x0] =	vst.idx.msk $0xffff, v3  }
0x183: {  	v4 =	vor.u32 v18, v0;
	v3 =	vld.idx.msk [tilespmem:v5+s3+$0x0], $0xffff  }
0x184: {  	v5 =	vor.u32 v19, v2;
	_ =	sdelay $0x3  }
0x185: {  	[tilespmem:v4+s13+$0x0] =	vst.idx.msk $0xffff, v3  }
0x186: {  	v4 =	vor.u32 v20, v0;
	v3 =	vld.idx.msk [tilespmem:v5+s3+$0x0], $0xffff  }
0x187: {  	v5 =	vor.u32 v21, v2;
	_ =	sdelay $0x3  }
0x188: {  	[tilespmem:v4+s13+$0x0] =	vst.idx.msk $0xffff, v3  }
0x189: {  	v4 =	vor.u32 v22, v0;
	v3 =	vld.idx.msk [tilespmem:v5+s3+$0x0], $0xffff  }
0x18a: {  	v5 =	vor.u32 v23, v2;
	_ =	sdelay $0x3  }
0x18b: {  	[tilespmem:v4+s13+$0x0] =	vst.idx.msk $0xffff, v3  }
0x18c: {  	v4 =	vor.u32 v24, v0;
	v3 =	vld.idx.msk [tilespmem:v5+s3+$0x0], $0xffff  }
0x18d: {  	v5 =	vor.u32 v25, v2;
	_ =	sdelay $0x3  }
0x18e: {  	[tilespmem:v4+s13+$0x0] =	vst.idx.msk $0xffff, v3  }
0x18f: {  	v4 =	vor.u32 v26, v0;
	v3 =	vld.idx.msk [tilespmem:v5+s3+$0x0], $0xffff  }
0x190: {  	v5 =	vor.u32 v13, v2;
	_ =	sdelay $0x3  }
0x191: {  	[tilespmem:v4+s13+$0x0] =	vst.idx.msk $0xffff, v3  }
0x192: {  	v4 =	vor.u32 v32, v0;
	v3 =	vld.idx.msk [tilespmem:v5+s3+$0x0], $0xffff  }
0x193: {  	v5 =	vor.u32 v28, v2;
	_ =	sdelay $0x3  }
0x194: {  	[tilespmem:v4+s13+$0x0] =	vst.idx.msk $0xffff, v3  }
0x195: {  	v4 =	vor.u32 v29, v0;
	v3 =	vld.idx.msk [tilespmem:v5+s3+$0x0], $0xffff  }
0x196: {  	v5 =	vor.u32 v48, v2;
	_ =	sdelay $0x3  }
0x197: {  	[tilespmem:v4+s13+$0x0] =	vst.idx.msk $0xffff, v3  }
0x198: {  	v4 =	vor.u32 v43, v0;
	v3 =	vld.idx.msk [tilespmem:v5+s3+$0x0], $0xffff  }
0x199: {  	v5 =	vor.u32 v33, v2;
	_ =	sdelay $0x3  }
0x19a: {  	[tilespmem:v4+s13+$0x0] =	vst.idx.msk $0xffff, v3  }
0x19b: {  	v4 =	vor.u32 v38, v0;
	v3 =	vld.idx.msk [tilespmem:v5+s3+$0x0], $0xffff  }
0x19c: {  	v5 =	vor.u32 v35, v2;
	_ =	sdelay $0x3  }
0x19d: {  	[tilespmem:v4+s13+$0x0] =	vst.idx.msk $0xffff, v3  }
0x19e: {  	v4 =	vor.u32 v46, v0;
	v3 =	vld.idx.msk [tilespmem:v5+s3+$0x0], $0xffff  }
0x19f: {  	v5 =	vor.u32 v50, v2;
	_ =	sdelay $0x3  }
0x1a0: {  	[tilespmem:v4+s13+$0x0] =	vst.idx.msk $0xffff, v3  }
0x1a1: {  	v4 =	vor.u32 v49, v0;
	v3 =	vld.idx.msk [tilespmem:v5+s3+$0x0], $0xffff  }
0x1a2: {  	v5 =	vor.u32 v58, v2;
	_ =	sdelay $0x3  }
0x1a3: {  	[tilespmem:v4+s13+$0x0] =	vst.idx.msk $0xffff, v3  }
0x1a4: {  	v4 =	vor.u32 v56, v0;
	v3 =	vld.idx.msk [tilespmem:v5+s3+$0x0], $0xffff  }
0x1a5: {  	v5 =	vor.u32 v54, v2;
	_ =	sdelay $0x3  }
0x1a6: {  	[tilespmem:v4+s13+$0x0] =	vst.idx.msk $0xffff, v3  }
0x1a7: {  	v4 =	vor.u32 v55, v0;
	v3 =	vld.idx.msk [tilespmem:v5+s3+$0x0], $0xffff;
	_ =	sdelay $0x4  }
0x1a8: {  	v5 =	vor.u32 v40, v2;
	[tilespmem:v4+s13+$0x0] =	vst.idx.msk $0xffff, v3;
	v4 =	vld [tilespmem:$0x1FE40];
	_ =	sdelay $0x4  }
0x1a9: {  	v3 =	vld.idx.msk [tilespmem:v5+s3+$0x0], $0xffff;
	v4 =	vor.u32 v4, v0;
	_ =	sdelay $0x4  }
0x1aa: {  	v5 =	vor.u32 v63, v2;
	[tilespmem:v4+s13+$0x0] =	vst.idx.msk $0xffff, v3;
	v4 =	vld [tilespmem:$0x1FCC0];
	_ =	sdelay $0x4  }
0x1ab: {  	v3 =	vld.idx.msk [tilespmem:v5+s3+$0x0], $0xffff;
	v4 =	vor.u32 v4, v0  }
0x1ac: {  	v5 =	vor.u32 v36, v2;
	_ =	sdelay $0x3  }
0x1ad: {  	[tilespmem:v4+s13+$0x0] =	vst.idx.msk $0xffff, v3;
	v4 =	vld [tilespmem:$0x1FCD0]  }
0x1ae: {  	v3 =	vld.idx.msk [tilespmem:v5+s3+$0x0], $0xffff  }
0x1af: {  	v5 =	vld [tilespmem:$0x1FE30];
	_ =	sdelay $0x3  }
0x1b0: {  	v4 =	vor.u32 v4, v0  }
0x1b1: {  	v5 =	vor.u32 v5, v2;
	_ =	sdelay $0x3  }
0x1b2: {  	[tilespmem:v4+s13+$0x0] =	vst.idx.msk $0xffff, v3  }
0x1b3: {  	v3 =	vld.idx.msk [tilespmem:v5+s3+$0x0], $0xffff  }
0x1b4: {  	v5 =	vld [tilespmem:$0x1FE60];
	_ =	sdelay $0x3  }
0x1b5: {  	v4 =	vor.u32 v60, v0  }
0x1b6: {  	v5 =	vor.u32 v5, v2;
	_ =	sdelay $0x3  }
0x1b7: {  	[tilespmem:v4+s13+$0x0] =	vst.idx.msk $0xffff, v3  }
0x1b8: {  	v4 =	vor.u32 v37, v0;
	v3 =	vld.idx.msk [tilespmem:v5+s3+$0x0], $0xffff  }
0x1b9: {  	v5 =	vor.u32 v44, v2;
	_ =	sdelay $0x3  }
0x1ba: {  	[tilespmem:v4+s13+$0x0] =	vst.idx.msk $0xffff, v3  }
0x1bb: {  	v4 =	vor.u32 v59, v0;
	v3 =	vld.idx.msk [tilespmem:v5+s3+$0x0], $0xffff  }
0x1bc: {  	v5 =	vor.u32 v61, v2;
	_ =	sdelay $0x3  }
0x1bd: {  	[tilespmem:v4+s13+$0x0] =	vst.idx.msk $0xffff, v3  }
0x1be: {  	v4 =	vor.u32 v45, v0;
	v3 =	vld.idx.msk [tilespmem:v5+s3+$0x0], $0xffff  }
0x1bf: {  	v5 =	vor.u32 v62, v2;
	_ =	sdelay $0x3  }
0x1c0: {  	[tilespmem:v4+s13+$0x0] =	vst.idx.msk $0xffff, v3  }
0x1c1: {  	v4 =	vor.u32 v42, v0;
	v3 =	vld.idx.msk [tilespmem:v5+s3+$0x0], $0xffff  }
0x1c2: {  	v5 =	vor.u32 v57, v2;
	_ =	sdelay $0x3  }
0x1c3: {  	[tilespmem:v4+s13+$0x0] =	vst.idx.msk $0xffff, v3  }
0x1c4: {  	v4 =	vor.u32 v51, v0;
	v3 =	vld.idx.msk [tilespmem:v5+s3+$0x0], $0xffff  }
0x1c5: {  	v5 =	vor.u32 v34, v2;
	_ =	sdelay $0x3  }
0x1c6: {  	[tilespmem:v4+s13+$0x0] =	vst.idx.msk $0xffff, v3  }
0x1c7: {  	v4 =	vor.u32 v39, v0;
	v3 =	vld.idx.msk [tilespmem:v5+s3+$0x0], $0xffff  }
0x1c8: {  	v5 =	vor.u32 v41, v2;
	_ =	sdelay $0x3  }
0x1c9: {  	[tilespmem:v4+s13+$0x0] =	vst.idx.msk $0xffff, v3  }
0x1ca: {  	v4 =	vor.u32 v30, v0;
	v3 =	vld.idx.msk [tilespmem:v5+s3+$0x0], $0xffff  }
0x1cb: {  	v5 =	vor.u32 v47, v2  }
0x1cc: {  	v7 =	vld [tilespmem:$0x1FD60];
	_ =	sdelay $0x2  }
0x1cd: {  	[tilespmem:v4+s13+$0x0] =	vst.idx.msk $0xffff, v3  }
0x1ce: {  	v4 =	vor.u32 v53, v0;
	v3 =	vld.idx.msk [tilespmem:v5+s3+$0x0], $0xffff  }
0x1cf: {  	v5 =	vor.u32 v7, v2;
	_ =	sdelay $0x3  }
0x1d0: {  	[tilespmem:v4+s13+$0x0] =	vst.idx.msk $0xffff, v3  }
0x1d1: {  	v3 =	vld.idx.msk [tilespmem:v5+s3+$0x0], $0xffff  }
0x1d2: {  	p1 =	sne.s32 s24, $0xF0;
	v5 =	vld [tilespmem:$0x1FE50]  }
.Ltmp0:
0x1d3: {  	_ = 	snop;
	(pc) =	sbr.rel @p1 .LBB2_3-.Ltmp0, $3  }
0x1d4: {  	_ =	sdelay $0x1  }
0x1d5: {  	s23 =	smov.u32 s24  }
0x1d6: {  	s24 =	sadd.s32 $0x10, s24;
	v4 =	vor.u32 v27, v0;
	v2 =	vor.u32 v5, v2;
	v5 =	vmov s23  }
0x1d7: {  	_ =	sdelay $0x2  }
0x1d8: {  	v52 =	vcombine.low v52, v1;
	v1 =	vor.u32 s23, v6;
	v5 =	vshll.u32 v5, $0x3  }
0x1d9: {  	[tilespmem:v4+s13+$0x0] =	vst.idx.msk $0xffff, v3;
	v3 =	vand.u32 $0x7F, v1;
	v4 =	vand.u32 $0x400, v5  }
0x1da: {  	v2 =	vld.idx.msk [tilespmem:v2+s3+$0x0], $0xffff;
	v3 =	vor.u32 v4, v3;
	v0 =	vor.u32 v52, v0  }
0x1db: {  	v4 =	vor.u32 v31, v3;
	_ =	sdelay $0x3  }
0x1dc: {  	[tilespmem:v0+s13+$0x0] =	vst.idx.msk $0xffff, v2;
	v0 =	vshll.u32 v1, $0x5  }
0x1dd: {  	v1 =	vld.idx.msk [tilespmem:v4+s3+$0x0], $0xffff;
	v2 =	vor.u32 v6, v0  }
0x1de: {  	v4 =	vor.u32 v8, v3;
	_ =	sdelay $0x3  }
0x1df: {  	[tilespmem:v2+s13+$0x0] =	vst.idx.msk $0xffff, v1  }
0x1e0: {  	v2 =	vor.u32 v9, v0;
	v1 =	vld.idx.msk [tilespmem:v4+s3+$0x0], $0xffff  }
0x1e1: {  	v4 =	vor.u32 v10, v3;
	_ =	sdelay $0x3  }
0x1e2: {  	[tilespmem:v2+s13+$0x0] =	vst.idx.msk $0xffff, v1  }
0x1e3: {  	v2 =	vor.u32 v11, v0;
	v1 =	vld.idx.msk [tilespmem:v4+s3+$0x0], $0xffff  }
0x1e4: {  	v4 =	vor.u32 v12, v3;
	_ =	sdelay $0x3  }
0x1e5: {  	[tilespmem:v2+s13+$0x0] =	vst.idx.msk $0xffff, v1  }
0x1e6: {  	v2 =	vor.u32 v14, v0;
	v1 =	vld.idx.msk [tilespmem:v4+s3+$0x0], $0xffff  }
0x1e7: {  	v4 =	vor.u32 v15, v3;
	_ =	sdelay $0x3  }
0x1e8: {  	[tilespmem:v2+s13+$0x0] =	vst.idx.msk $0xffff, v1  }
0x1e9: {  	v2 =	vor.u32 v16, v0;
	v1 =	vld.idx.msk [tilespmem:v4+s3+$0x0], $0xffff  }
0x1ea: {  	v4 =	vor.u32 v17, v3;
	_ =	sdelay $0x3  }
0x1eb: {  	[tilespmem:v2+s13+$0x0] =	vst.idx.msk $0xffff, v1  }
0x1ec: {  	v2 =	vor.u32 v18, v0;
	v1 =	vld.idx.msk [tilespmem:v4+s3+$0x0], $0xffff  }
0x1ed: {  	v4 =	vor.u32 v19, v3;
	_ =	sdelay $0x3  }
0x1ee: {  	[tilespmem:v2+s13+$0x0] =	vst.idx.msk $0xffff, v1  }
0x1ef: {  	v2 =	vor.u32 v20, v0;
	v1 =	vld.idx.msk [tilespmem:v4+s3+$0x0], $0xffff  }
0x1f0: {  	v4 =	vor.u32 v21, v3;
	_ =	sdelay $0x3  }
0x1f1: {  	[tilespmem:v2+s13+$0x0] =	vst.idx.msk $0xffff, v1  }
0x1f2: {  	v2 =	vor.u32 v22, v0;
	v1 =	vld.idx.msk [tilespmem:v4+s3+$0x0], $0xffff  }
0x1f3: {  	v4 =	vor.u32 v23, v3;
	_ =	sdelay $0x3  }
0x1f4: {  	[tilespmem:v2+s13+$0x0] =	vst.idx.msk $0xffff, v1  }
0x1f5: {  	v2 =	vor.u32 v24, v0;
	v1 =	vld.idx.msk [tilespmem:v4+s3+$0x0], $0xffff  }
0x1f6: {  	v4 =	vor.u32 v25, v3;
	_ =	sdelay $0x3  }
0x1f7: {  	[tilespmem:v2+s13+$0x0] =	vst.idx.msk $0xffff, v1  }
0x1f8: {  	v2 =	vor.u32 v26, v0;
	v1 =	vld.idx.msk [tilespmem:v4+s3+$0x0], $0xffff  }
0x1f9: {  	v4 =	vor.u32 v13, v3;
	_ =	sdelay $0x3  }
0x1fa: {  	[tilespmem:v2+s13+$0x0] =	vst.idx.msk $0xffff, v1  }
0x1fb: {  	v2 =	vor.u32 v32, v0;
	v1 =	vld.idx.msk [tilespmem:v4+s3+$0x0], $0xffff  }
0x1fc: {  	v4 =	vor.u32 v28, v3;
	_ =	sdelay $0x3  }
0x1fd: {  	[tilespmem:v2+s13+$0x0] =	vst.idx.msk $0xffff, v1  }
0x1fe: {  	v2 =	vor.u32 v29, v0;
	v1 =	vld.idx.msk [tilespmem:v4+s3+$0x0], $0xffff  }
0x1ff: {  	v4 =	vor.u32 v48, v3;
	_ =	sdelay $0x3  }
0x200: {  	[tilespmem:v2+s13+$0x0] =	vst.idx.msk $0xffff, v1  }
0x201: {  	v2 =	vor.u32 v43, v0;
	v1 =	vld.idx.msk [tilespmem:v4+s3+$0x0], $0xffff  }
0x202: {  	v4 =	vor.u32 v33, v3;
	_ =	sdelay $0x3  }
0x203: {  	[tilespmem:v2+s13+$0x0] =	vst.idx.msk $0xffff, v1  }
0x204: {  	v2 =	vor.u32 v38, v0;
	v1 =	vld.idx.msk [tilespmem:v4+s3+$0x0], $0xffff  }
0x205: {  	v4 =	vor.u32 v35, v3;
	_ =	sdelay $0x3  }
0x206: {  	[tilespmem:v2+s13+$0x0] =	vst.idx.msk $0xffff, v1  }
0x207: {  	v2 =	vor.u32 v46, v0;
	v1 =	vld.idx.msk [tilespmem:v4+s3+$0x0], $0xffff  }
0x208: {  	v4 =	vor.u32 v50, v3;
	_ =	sdelay $0x3  }
0x209: {  	[tilespmem:v2+s13+$0x0] =	vst.idx.msk $0xffff, v1  }
0x20a: {  	v2 =	vor.u32 v49, v0;
	v1 =	vld.idx.msk [tilespmem:v4+s3+$0x0], $0xffff  }
0x20b: {  	v4 =	vor.u32 v58, v3;
	_ =	sdelay $0x3  }
0x20c: {  	[tilespmem:v2+s13+$0x0] =	vst.idx.msk $0xffff, v1  }
0x20d: {  	v2 =	vor.u32 v56, v0;
	v1 =	vld.idx.msk [tilespmem:v4+s3+$0x0], $0xffff  }
0x20e: {  	v4 =	vor.u32 v54, v3;
	_ =	sdelay $0x3  }
0x20f: {  	[tilespmem:v2+s13+$0x0] =	vst.idx.msk $0xffff, v1  }
0x210: {  	v2 =	vor.u32 v55, v0;
	v1 =	vld.idx.msk [tilespmem:v4+s3+$0x0], $0xffff;
	_ =	sdelay $0x4  }
0x211: {  	v4 =	vor.u32 v40, v3;
	[tilespmem:v2+s13+$0x0] =	vst.idx.msk $0xffff, v1;
	v2 =	vld [tilespmem:$0x1FE40];
	_ =	sdelay $0x4  }
0x212: {  	v1 =	vld.idx.msk [tilespmem:v4+s3+$0x0], $0xffff;
	v2 =	vor.u32 v2, v0;
	_ =	sdelay $0x4  }
0x213: {  	v4 =	vor.u32 v63, v3;
	[tilespmem:v2+s13+$0x0] =	vst.idx.msk $0xffff, v1;
	v2 =	vld [tilespmem:$0x1FCC0];
	_ =	sdelay $0x4  }
0x214: {  	v1 =	vld.idx.msk [tilespmem:v4+s3+$0x0], $0xffff;
	v2 =	vor.u32 v2, v0  }
0x215: {  	v4 =	vor.u32 v36, v3;
	_ =	sdelay $0x3  }
0x216: {  	[tilespmem:v2+s13+$0x0] =	vst.idx.msk $0xffff, v1;
	v2 =	vld [tilespmem:$0x1FCD0]  }
0x217: {  	v1 =	vld.idx.msk [tilespmem:v4+s3+$0x0], $0xffff  }
0x218: {  	v4 =	vld [tilespmem:$0x1FE30];
	_ =	sdelay $0x3  }
0x219: {  	v2 =	vor.u32 v2, v0  }
0x21a: {  	v4 =	vor.u32 v4, v3;
	_ =	sdelay $0x3  }
0x21b: {  	[tilespmem:v2+s13+$0x0] =	vst.idx.msk $0xffff, v1  }
0x21c: {  	v1 =	vld.idx.msk [tilespmem:v4+s3+$0x0], $0xffff  }
0x21d: {  	v4 =	vld [tilespmem:$0x1FE60];
	_ =	sdelay $0x3  }
0x21e: {  	v2 =	vor.u32 v60, v0  }
0x21f: {  	v4 =	vor.u32 v4, v3;
	_ =	sdelay $0x3  }
0x220: {  	[tilespmem:v2+s13+$0x0] =	vst.idx.msk $0xffff, v1  }
0x221: {  	v2 =	vor.u32 v37, v0;
	v1 =	vld.idx.msk [tilespmem:v4+s3+$0x0], $0xffff  }
0x222: {  	v4 =	vor.u32 v44, v3;
	_ =	sdelay $0x3  }
0x223: {  	[tilespmem:v2+s13+$0x0] =	vst.idx.msk $0xffff, v1  }
0x224: {  	v2 =	vor.u32 v59, v0;
	v1 =	vld.idx.msk [tilespmem:v4+s3+$0x0], $0xffff  }
0x225: {  	v4 =	vor.u32 v61, v3;
	_ =	sdelay $0x3  }
0x226: {  	[tilespmem:v2+s13+$0x0] =	vst.idx.msk $0xffff, v1  }
0x227: {  	v2 =	vor.u32 v45, v0;
	v1 =	vld.idx.msk [tilespmem:v4+s3+$0x0], $0xffff  }
0x228: {  	v4 =	vor.u32 v62, v3;
	_ =	sdelay $0x3  }
0x229: {  	[tilespmem:v2+s13+$0x0] =	vst.idx.msk $0xffff, v1  }
0x22a: {  	v2 =	vor.u32 v42, v0;
	v1 =	vld.idx.msk [tilespmem:v4+s3+$0x0], $0xffff  }
0x22b: {  	v4 =	vor.u32 v57, v3;
	_ =	sdelay $0x3  }
0x22c: {  	[tilespmem:v2+s13+$0x0] =	vst.idx.msk $0xffff, v1  }
0x22d: {  	v2 =	vor.u32 v51, v0;
	v1 =	vld.idx.msk [tilespmem:v4+s3+$0x0], $0xffff  }
0x22e: {  	v4 =	vor.u32 v34, v3;
	_ =	sdelay $0x3  }
0x22f: {  	[tilespmem:v2+s13+$0x0] =	vst.idx.msk $0xffff, v1  }
0x230: {  	v2 =	vor.u32 v39, v0;
	v1 =	vld.idx.msk [tilespmem:v4+s3+$0x0], $0xffff  }
0x231: {  	v4 =	vor.u32 v41, v3;
	_ =	sdelay $0x3  }
0x232: {  	[tilespmem:v2+s13+$0x0] =	vst.idx.msk $0xffff, v1  }
0x233: {  	v2 =	vor.u32 v30, v0;
	v1 =	vld.idx.msk [tilespmem:v4+s3+$0x0], $0xffff  }
0x234: {  	v4 =	vor.u32 v47, v3;
	_ =	sdelay $0x3  }
0x235: {  	[tilespmem:v2+s13+$0x0] =	vst.idx.msk $0xffff, v1  }
0x236: {  	v2 =	vor.u32 v53, v0;
	v1 =	vld.idx.msk [tilespmem:v4+s3+$0x0], $0xffff  }
0x237: {  	v4 =	vor.u32 v7, v3;
	_ =	sdelay $0x3  }
0x238: {  	[tilespmem:v2+s13+$0x0] =	vst.idx.msk $0xffff, v1  }
0x239: {  	v1 =	vld.idx.msk [tilespmem:v4+s3+$0x0], $0xffff  }
0x23a: {  	v4 =	vld [tilespmem:$0x1FE50];
	_ =	sdelay $0x3  }
0x23b: {  	v2 =	vor.u32 v27, v0  }
0x23c: {  	v3 =	vor.u32 v4, v3;
	_ =	sdelay $0x3  }
0x23d: {  	[tilespmem:v2+s13+$0x0] =	vst.idx.msk $0xffff, v1  }
0x23e: {  	[tilespmem:$0x1FC70] =	vst v60;
	v0 =	vor.u32 v52, v0;
	v1 =	vld.idx.msk [tilespmem:v3+s3+$0x0], $0xffff  }
0x23f: {  	[tilespmem:$0x1FC80] =	vst v37  }
0x240: {  	[tilespmem:$0x1FC90] =	vst v59  }
0x241: {  	[tilespmem:$0x1FCA0] =	vst v45;
	s22 =	smin.u32 s22, $0xF42  }
0x242: {  	[tilespmem:$0x1FCB0] =	vst v42;
	s31 =	simm.s32 $0x0;
	s22 =	sshll.u32 s22, $0xA  }
0x243: {  	s22 =	sadd.s32 s5, s22;
	[tilespmem:v0+s13+$0x0] =	vst.idx.msk $0xffff, v1;
	v0 =	vmov s31  }
0x244: {  	v2 =	vor.u32 s31, v6;
	[hbm4b:s22+s3] =	stream.linear.scatter [tilespmem:s13], [sflag:$0x3], $0x2000, $0x38;
	v0 =	vshll.u32 v0, $0x3;
	[tilespmem:$0x8000] =	vst v63  }
0x245: {  	s21 =	sadd.s32 s7, s21;
	v1 =	vand.u32 $0x7F, v2;
	_ =	swait.ge [sflag:s14], $0x2000;
	v0 =	vand.u32 $0x400, v0  }
0x246: {  	s21 =	smin.u32 s21, $0xF42;
	v1 =	vor.u32 v0, v1;
	v0 =	vld [tilespmem:$0x1FE70]  }
0x247: {  	s21 =	sshll.u32 s21, $0x8;
	[sflag:s14] =	ssyncset.done $0x0  }
0x248: {  	s21 =	sadd.s32 s0, s21;
	[sflag:s14] =	ssyncadd.s32 $0xFFFFE000  }
0x249: {  	[tilespmem:s3], [sflag:$0x1] =	stream.strided.gather [hbm4b:s21+s9], $0x2000, s10, s9, $0x38;
	[tilespmem:$0x8000] =	vst v63  }
0x24a: {  	s21 =	simm.s32 @!p0 $0x4  }
0x24b: {  	_ =	swait.ge @!p0 [sflag:s21], $0x2000;
	v3 =	vor.u32 v0, v1  }
0x24c: {  	v4 =	vld [tilespmem:$0x1FE80];
	_ =	sdelay $0x1  }
0x24d: {  	[sflag:s21] =	ssyncset.done @!p0 $0x0  }
0x24e: {  	[sflag:s21] =	ssyncadd.s32 @!p0 $0xFFFFE000;
	v0 =	vshll.u32 v2, $0x5  }
0x24f: {  	v2 =	vld.idx.msk [tilespmem:v3+s12+$0x0], $0xffff;
	v3 =	vor.u32 v6, v0  }
0x250: {  	v4 =	vor.u32 v4, v1  }
0x251: {  	v11 =	vld [tilespmem:$0x1FF50];
	_ =	sdelay $0x2  }
0x252: {  	v31 =	vmov v9;
	[tilespmem:v3+s15+$0x0] =	vst.idx.msk $0xffff, v2  }
0x253: {  	v3 =	vor.u32 v31, v0;
	v2 =	vld.idx.msk [tilespmem:v4+s12+$0x0], $0xffff  }
0x254: {  	v12 =	vld [tilespmem:$0x1FF10];
	v4 =	vor.u32 v11, v1  }
0x255: {  	v48 =	vld [tilespmem:$0x1FF60];
	_ =	sdelay $0x2  }
0x256: {  	[tilespmem:v3+s15+$0x0] =	vst.idx.msk $0xffff, v2  }
0x257: {  	v3 =	vor.u32 v12, v0;
	v2 =	vld.idx.msk [tilespmem:v4+s12+$0x0], $0xffff  }
0x258: {  	v4 =	vor.u32 v48, v1;
	_ =	sdelay $0x3  }
0x259: {  	[tilespmem:v3+s15+$0x0] =	vst.idx.msk $0xffff, v2  }
0x25a: {  	v3 =	vor.u32 v14, v0;
	v2 =	vld.idx.msk [tilespmem:v4+s12+$0x0], $0xffff  }
0x25b: {  	v4 =	vor.u32 v15, v1;
	_ =	sdelay $0x3  }
0x25c: {  	[tilespmem:v3+s15+$0x0] =	vst.idx.msk $0xffff, v2  }
0x25d: {  	v3 =	vor.u32 v16, v0;
	v2 =	vld.idx.msk [tilespmem:v4+s12+$0x0], $0xffff  }
0x25e: {  	v4 =	vor.u32 v17, v1;
	_ =	sdelay $0x3  }
0x25f: {  	[tilespmem:v3+s15+$0x0] =	vst.idx.msk $0xffff, v2  }
0x260: {  	v3 =	vor.u32 v18, v0;
	v2 =	vld.idx.msk [tilespmem:v4+s12+$0x0], $0xffff  }
0x261: {  	v4 =	vor.u32 v19, v1;
	_ =	sdelay $0x3  }
0x262: {  	[tilespmem:v3+s15+$0x0] =	vst.idx.msk $0xffff, v2  }
0x263: {  	v3 =	vor.u32 v20, v0;
	v2 =	vld.idx.msk [tilespmem:v4+s12+$0x0], $0xffff  }
0x264: {  	v4 =	vor.u32 v21, v1;
	_ =	sdelay $0x3  }
0x265: {  	[tilespmem:v3+s15+$0x0] =	vst.idx.msk $0xffff, v2  }
0x266: {  	v3 =	vor.u32 v22, v0;
	v2 =	vld.idx.msk [tilespmem:v4+s12+$0x0], $0xffff  }
0x267: {  	v4 =	vor.u32 v23, v1;
	_ =	sdelay $0x3  }
0x268: {  	[tilespmem:v3+s15+$0x0] =	vst.idx.msk $0xffff, v2  }
0x269: {  	v3 =	vor.u32 v24, v0;
	v2 =	vld.idx.msk [tilespmem:v4+s12+$0x0], $0xffff  }
0x26a: {  	v4 =	vor.u32 v25, v1  }
0x26b: {  	v13 =	vmov v27;
	v27 =	vld [tilespmem:$0x1FF70];
	_ =	sdelay $0x2  }
0x26c: {  	[tilespmem:v3+s15+$0x0] =	vst.idx.msk $0xffff, v2  }
0x26d: {  	v3 =	vor.u32 v26, v0;
	v2 =	vld.idx.msk [tilespmem:v4+s12+$0x0], $0xffff  }
0x26e: {  	v28 =	vld [tilespmem:$0x1FF20];
	v4 =	vor.u32 v27, v1  }
0x26f: {  	v29 =	vld [tilespmem:$0x1FF80];
	_ =	sdelay $0x2  }
0x270: {  	[tilespmem:v3+s15+$0x0] =	vst.idx.msk $0xffff, v2  }
0x271: {  	v3 =	vor.u32 v28, v0;
	v2 =	vld.idx.msk [tilespmem:v4+s12+$0x0], $0xffff  }
0x272: {  	v9 =	vmov v30;
	v30 =	vld [tilespmem:$0x1FF30];
	v4 =	vor.u32 v29, v1  }
0x273: {  	v32 =	vmov v31;
	v31 =	vld [tilespmem:$0x1FF90];
	_ =	sdelay $0x2  }
0x274: {  	[tilespmem:v3+s15+$0x0] =	vst.idx.msk $0xffff, v2  }
0x275: {  	v3 =	vor.u32 v30, v0;
	v2 =	vld.idx.msk [tilespmem:v4+s12+$0x0], $0xffff  }
0x276: {  	v4 =	vor.u32 v31, v1;
	_ =	sdelay $0x3  }
0x277: {  	[tilespmem:v3+s15+$0x0] =	vst.idx.msk $0xffff, v2  }
0x278: {  	v3 =	vor.u32 v43, v0;
	v2 =	vld.idx.msk [tilespmem:v4+s12+$0x0], $0xffff  }
0x279: {  	v4 =	vor.u32 v33, v1  }
0x27a: {  	v43 =	vld [tilespmem:$0x1FFA0];
	_ =	sdelay $0x2  }
0x27b: {  	[tilespmem:v3+s15+$0x0] =	vst.idx.msk $0xffff, v2  }
0x27c: {  	v3 =	vor.u32 v38, v0;
	v2 =	vld.idx.msk [tilespmem:v4+s12+$0x0], $0xffff  }
0x27d: {  	v5 =	vld [tilespmem:$0x1FF40];
	v4 =	vor.u32 v43, v1  }
0x27e: {  	v8 =	vmov v53;
	v53 =	vld [tilespmem:$0x1FFB0];
	_ =	sdelay $0x2  }
0x27f: {  	[tilespmem:v3+s15+$0x0] =	vst.idx.msk $0xffff, v2  }
0x280: {  	v3 =	vor.u32 v5, v0;
	v2 =	vld.idx.msk [tilespmem:v4+s12+$0x0], $0xffff  }
0x281: {  	v4 =	vor.u32 v53, v1;
	_ =	sdelay $0x3  }
0x282: {  	v50 =	vmov v49;
	[tilespmem:v3+s15+$0x0] =	vst.idx.msk $0xffff, v2  }
0x283: {  	v3 =	vor.u32 v50, v0;
	v2 =	vld.idx.msk [tilespmem:v4+s12+$0x0], $0xffff;
	_ =	sdelay $0x3  }
0x284: {  	v49 =	vmov v58  }
0x285: {  	v4 =	vor.u32 v49, v1;
	[tilespmem:v3+s15+$0x0] =	vst.idx.msk $0xffff, v2;
	v3 =	vld [tilespmem:$0x1FE90];
	_ =	sdelay $0x4  }
0x286: {  	v2 =	vld.idx.msk [tilespmem:v4+s12+$0x0], $0xffff;
	v3 =	vor.u32 v3, v0;
	_ =	sdelay $0x3  }
0x287: {  	v46 =	vmov v54  }
0x288: {  	v4 =	vor.u32 v46, v1;
	[tilespmem:v3+s15+$0x0] =	vst.idx.msk $0xffff, v2;
	v3 =	vld [tilespmem:$0x1FEA0];
	_ =	sdelay $0x4  }
0x289: {  	v2 =	vld.idx.msk [tilespmem:v4+s12+$0x0], $0xffff;
	v3 =	vor.u32 v3, v0;
	_ =	sdelay $0x4  }
0x28a: {  	v4 =	vor.u32 v40, v1;
	[tilespmem:v3+s15+$0x0] =	vst.idx.msk $0xffff, v2;
	v3 =	vld [tilespmem:$0x1FE40];
	_ =	sdelay $0x4  }
0x28b: {  	v2 =	vld.idx.msk [tilespmem:v4+s12+$0x0], $0xffff;
	v3 =	vor.u32 v3, v0;
	_ =	sdelay $0x4  }
0x28c: {  	v4 =	vor.u32 v63, v1;
	[tilespmem:v3+s15+$0x0] =	vst.idx.msk $0xffff, v2;
	v3 =	vld [tilespmem:$0x1FCC0];
	_ =	sdelay $0x4  }
0x28d: {  	v2 =	vld.idx.msk [tilespmem:v4+s12+$0x0], $0xffff;
	v3 =	vor.u32 v3, v0  }
0x28e: {  	v4 =	vor.u32 v36, v1;
	_ =	sdelay $0x3  }
0x28f: {  	[tilespmem:v3+s15+$0x0] =	vst.idx.msk $0xffff, v2;
	v3 =	vld [tilespmem:$0x1FCD0]  }
0x290: {  	v2 =	vld.idx.msk [tilespmem:v4+s12+$0x0], $0xffff  }
0x291: {  	v4 =	vld [tilespmem:$0x1FE30];
	_ =	sdelay $0x3  }
0x292: {  	v3 =	vor.u32 v3, v0  }
0x293: {  	v4 =	vor.u32 v4, v1;
	_ =	sdelay $0x3  }
0x294: {  	[tilespmem:v3+s15+$0x0] =	vst.idx.msk $0xffff, v2;
	v3 =	vld [tilespmem:$0x1FC70]  }
0x295: {  	v2 =	vld.idx.msk [tilespmem:v4+s12+$0x0], $0xffff  }
0x296: {  	v4 =	vld [tilespmem:$0x1FE60];
	_ =	sdelay $0x2  }
0x297: {  	v3 =	vor.u32 v3, v0;
	_ =	sdelay $0x1  }
0x298: {  	v4 =	vor.u32 v4, v1;
	_ =	sdelay $0x2  }
0x299: {  	[tilespmem:v3+s15+$0x0] =	vst.idx.msk $0xffff, v2;
	v3 =	vld [tilespmem:$0x1FC80];
	_ =	sdelay $0x1  }
0x29a: {  	v2 =	vld.idx.msk [tilespmem:v4+s12+$0x0], $0xffff  }
0x29b: {  	v4 =	vld [tilespmem:$0x1FED0];
	_ =	sdelay $0x1  }
0x29c: {  	v3 =	vor.u32 v3, v0;
	_ =	sdelay $0x2  }
0x29d: {  	v4 =	vor.u32 v4, v1;
	_ =	sdelay $0x1  }
0x29e: {  	[tilespmem:v3+s15+$0x0] =	vst.idx.msk $0xffff, v2;
	v3 =	vld [tilespmem:$0x1FC90];
	_ =	sdelay $0x2  }
0x29f: {  	v2 =	vld.idx.msk [tilespmem:v4+s12+$0x0], $0xffff  }
0x2a0: {  	v4 =	vld [tilespmem:$0x1FEE0]  }
0x2a1: {  	v3 =	vor.u32 v3, v0;
	_ =	sdelay $0x3  }
0x2a2: {  	v4 =	vor.u32 v4, v1  }
0x2a3: {  	[tilespmem:v3+s15+$0x0] =	vst.idx.msk $0xffff, v2;
	v3 =	vld [tilespmem:$0x1FCA0];
	_ =	sdelay $0x3  }
0x2a4: {  	v2 =	vld.idx.msk [tilespmem:v4+s12+$0x0], $0xffff  }
0x2a5: {  	v4 =	vld [tilespmem:$0x1FEF0];
	v3 =	vor.u32 v3, v0;
	_ =	sdelay $0x4  }
0x2a6: {  	v4 =	vor.u32 v4, v1;
	[tilespmem:v3+s15+$0x0] =	vst.idx.msk $0xffff, v2;
	v3 =	vld [tilespmem:$0x1FCB0];
	_ =	sdelay $0x4  }
0x2a7: {  	v2 =	vld.idx.msk [tilespmem:v4+s12+$0x0], $0xffff;
	v3 =	vor.u32 v3, v0  }
0x2a8: {  	v4 =	vor.u32 v57, v1;
	_ =	sdelay $0x3  }
0x2a9: {  	[tilespmem:v3+s15+$0x0] =	vst.idx.msk $0xffff, v2  }
0x2aa: {  	v2 =	vld.idx.msk [tilespmem:v4+s12+$0x0], $0xffff  }
0x2ab: {  	v4 =	vld [tilespmem:$0x1FF00];
	_ =	sdelay $0x3  }
0x2ac: {  	v3 =	vor.u32 v51, v0  }
0x2ad: {  	v4 =	vor.u32 v4, v1;
	_ =	sdelay $0x3  }
0x2ae: {  	[tilespmem:v3+s15+$0x0] =	vst.idx.msk $0xffff, v2  }
0x2af: {  	v2 =	vld.idx.msk [tilespmem:v4+s12+$0x0], $0xffff  }
0x2b0: {  	v4 =	vld [tilespmem:$0x1FEC0];
	_ =	sdelay $0x3  }
0x2b1: {  	v3 =	vor.u32 v39, v0  }
0x2b2: {  	v4 =	vor.u32 v4, v1;
	_ =	sdelay $0x3  }
0x2b3: {  	[tilespmem:v3+s15+$0x0] =	vst.idx.msk $0xffff, v2  }
0x2b4: {  	v2 =	vld.idx.msk [tilespmem:v4+s12+$0x0], $0xffff  }
0x2b5: {  	v4 =	vld [tilespmem:$0x1FEB0];
	_ =	sdelay $0x3  }
0x2b6: {  	v3 =	vor.u32 v9, v0  }
0x2b7: {  	v4 =	vor.u32 v4, v1;
	_ =	sdelay $0x3  }
0x2b8: {  	[tilespmem:v3+s15+$0x0] =	vst.idx.msk $0xffff, v2  }
0x2b9: {  	v3 =	vor.u32 v8, v0;
	v2 =	vld.idx.msk [tilespmem:v4+s12+$0x0], $0xffff  }
0x2ba: {  	v4 =	vor.u32 v7, v1;
	_ =	sdelay $0x3  }
0x2bb: {  	[tilespmem:v3+s15+$0x0] =	vst.idx.msk $0xffff, v2  }
0x2bc: {  	v2 =	vld.idx.msk [tilespmem:v4+s12+$0x0], $0xffff  }
0x2bd: {  	v4 =	vld [tilespmem:$0x1FE50];
	_ =	sdelay $0x1  }
0x2be: {  	v10 =	vmov v32  }
0x2bf: {  	v35 =	vmovc v46;
	v58 =	vmovc v39;
	v54 =	vmov v52;
	v52 =	vmov v50;
	v32 =	vld [tilespmem:$0x1FFC0];
	v50 =	vmov v8  }
0x2c0: {  	s21 =	simm.s32 $0x10;
	v46 =	vmovc v51;
	v51 =	vmovc v13;
	v39 =	vmov v49;
	v49 =	vmov v9;
	v9 =	vld [tilespmem:$0x1FE80];
	v7 =	vmov v36  }
0x2c1: {  	s22 =	simm.s32 $0x20;
	v8 =	vld [tilespmem:$0x1FE70];
	v3 =	vor.u32 v13, v0;
	v13 =	vmovc v48;
	v48 =	vmovc v5;
	v1 =	vor.u32 v4, v1;
	v4 =	vmov s21  }
.LBB2_5:
0x2c2: {  	_ =	sdelay $0x2  }
0x2c3: {  	v5 =	vor.u32 s21, v6;
	v4 =	vshll.u32 v4, $0x3  }
0x2c4: {  	[tilespmem:v3+s15+$0x0] =	vst.idx.msk $0xffff, v2;
	v2 =	vand.u32 $0x7F, v5;
	v3 =	vand.u32 $0x400, v4  }
0x2c5: {  	v0 =	vor.u32 v54, v0;
	v4 =	vld.idx.msk [tilespmem:v1+s12+$0x0], $0xffff;
	v1 =	vor.u32 v3, v2  }
0x2c6: {  	v2 =	vor.u32 v8, v1;
	_ =	sdelay $0x3  }
0x2c7: {  	[tilespmem:v0+s15+$0x0] =	vst.idx.msk $0xffff, v4;
	v0 =	vshll.u32 v5, $0x5  }
0x2c8: {  	v3 =	vor.u32 v6, v0;
	v2 =	vld.idx.msk [tilespmem:v2+s12+$0x0], $0xffff  }
0x2c9: {  	v4 =	vor.u32 v9, v1;
	_ =	sdelay $0x3  }
0x2ca: {  	[tilespmem:v3+s15+$0x0] =	vst.idx.msk $0xffff, v2  }
0x2cb: {  	v3 =	vor.u32 v10, v0;
	v2 =	vld.idx.msk [tilespmem:v4+s12+$0x0], $0xffff  }
0x2cc: {  	v4 =	vor.u32 v11, v1;
	_ =	sdelay $0x3  }
0x2cd: {  	[tilespmem:v3+s15+$0x0] =	vst.idx.msk $0xffff, v2  }
0x2ce: {  	v3 =	vor.u32 v12, v0;
	v2 =	vld.idx.msk [tilespmem:v4+s12+$0x0], $0xffff  }
0x2cf: {  	v4 =	vor.u32 v13, v1;
	_ =	sdelay $0x3  }
0x2d0: {  	[tilespmem:v3+s15+$0x0] =	vst.idx.msk $0xffff, v2  }
0x2d1: {  	v3 =	vor.u32 v14, v0;
	v2 =	vld.idx.msk [tilespmem:v4+s12+$0x0], $0xffff  }
0x2d2: {  	v4 =	vor.u32 v15, v1;
	_ =	sdelay $0x3  }
0x2d3: {  	[tilespmem:v3+s15+$0x0] =	vst.idx.msk $0xffff, v2  }
0x2d4: {  	v3 =	vor.u32 v16, v0;
	v2 =	vld.idx.msk [tilespmem:v4+s12+$0x0], $0xffff  }
0x2d5: {  	v4 =	vor.u32 v17, v1;
	_ =	sdelay $0x3  }
0x2d6: {  	[tilespmem:v3+s15+$0x0] =	vst.idx.msk $0xffff, v2  }
0x2d7: {  	v3 =	vor.u32 v18, v0;
	v2 =	vld.idx.msk [tilespmem:v4+s12+$0x0], $0xffff  }
0x2d8: {  	v4 =	vor.u32 v19, v1;
	_ =	sdelay $0x3  }
0x2d9: {  	[tilespmem:v3+s15+$0x0] =	vst.idx.msk $0xffff, v2  }
0x2da: {  	v3 =	vor.u32 v20, v0;
	v2 =	vld.idx.msk [tilespmem:v4+s12+$0x0], $0xffff  }
0x2db: {  	v4 =	vor.u32 v21, v1;
	_ =	sdelay $0x3  }
0x2dc: {  	[tilespmem:v3+s15+$0x0] =	vst.idx.msk $0xffff, v2  }
0x2dd: {  	v3 =	vor.u32 v22, v0;
	v2 =	vld.idx.msk [tilespmem:v4+s12+$0x0], $0xffff  }
0x2de: {  	v4 =	vor.u32 v23, v1;
	_ =	sdelay $0x3  }
0x2df: {  	[tilespmem:v3+s15+$0x0] =	vst.idx.msk $0xffff, v2  }
0x2e0: {  	v3 =	vor.u32 v24, v0;
	v2 =	vld.idx.msk [tilespmem:v4+s12+$0x0], $0xffff  }
0x2e1: {  	v4 =	vor.u32 v25, v1;
	_ =	sdelay $0x3  }
0x2e2: {  	[tilespmem:v3+s15+$0x0] =	vst.idx.msk $0xffff, v2  }
0x2e3: {  	v3 =	vor.u32 v26, v0;
	v2 =	vld.idx.msk [tilespmem:v4+s12+$0x0], $0xffff  }
0x2e4: {  	v4 =	vor.u32 v27, v1;
	_ =	sdelay $0x3  }
0x2e5: {  	[tilespmem:v3+s15+$0x0] =	vst.idx.msk $0xffff, v2  }
0x2e6: {  	v3 =	vor.u32 v28, v0;
	v2 =	vld.idx.msk [tilespmem:v4+s12+$0x0], $0xffff  }
0x2e7: {  	v4 =	vor.u32 v29, v1;
	_ =	sdelay $0x3  }
0x2e8: {  	[tilespmem:v3+s15+$0x0] =	vst.idx.msk $0xffff, v2  }
0x2e9: {  	v3 =	vor.u32 v30, v0;
	v2 =	vld.idx.msk [tilespmem:v4+s12+$0x0], $0xffff  }
0x2ea: {  	v4 =	vor.u32 v31, v1;
	_ =	sdelay $0x3  }
0x2eb: {  	[tilespmem:v3+s15+$0x0] =	vst.idx.msk $0xffff, v2  }
0x2ec: {  	v3 =	vor.u32 v32, v0;
	v2 =	vld.idx.msk [tilespmem:v4+s12+$0x0], $0xffff  }
0x2ed: {  	v4 =	vor.u32 v33, v1;
	_ =	sdelay $0x3  }
0x2ee: {  	[tilespmem:v3+s15+$0x0] =	vst.idx.msk $0xffff, v2  }
0x2ef: {  	v3 =	vor.u32 v38, v0;
	v2 =	vld.idx.msk [tilespmem:v4+s12+$0x0], $0xffff  }
0x2f0: {  	v4 =	vor.u32 v43, v1;
	_ =	sdelay $0x3  }
0x2f1: {  	[tilespmem:v3+s15+$0x0] =	vst.idx.msk $0xffff, v2  }
0x2f2: {  	v3 =	vor.u32 v48, v0;
	v2 =	vld.idx.msk [tilespmem:v4+s12+$0x0], $0xffff  }
0x2f3: {  	v4 =	vor.u32 v53, v1;
	_ =	sdelay $0x3  }
0x2f4: {  	[tilespmem:v3+s15+$0x0] =	vst.idx.msk $0xffff, v2  }
0x2f5: {  	v3 =	vor.u32 v52, v0;
	v2 =	vld.idx.msk [tilespmem:v4+s12+$0x0], $0xffff  }
0x2f6: {  	v4 =	vor.u32 v39, v1;
	_ =	sdelay $0x3  }
0x2f7: {  	[tilespmem:v3+s15+$0x0] =	vst.idx.msk $0xffff, v2  }
0x2f8: {  	v3 =	vor.u32 v56, v0;
	v2 =	vld.idx.msk [tilespmem:v4+s12+$0x0], $0xffff  }
0x2f9: {  	v4 =	vor.u32 v35, v1;
	_ =	sdelay $0x3  }
0x2fa: {  	[tilespmem:v3+s15+$0x0] =	vst.idx.msk $0xffff, v2  }
0x2fb: {  	v3 =	vor.u32 v55, v0;
	v2 =	vld.idx.msk [tilespmem:v4+s12+$0x0], $0xffff;
	_ =	sdelay $0x4  }
0x2fc: {  	v4 =	vor.u32 v40, v1;
	[tilespmem:v3+s15+$0x0] =	vst.idx.msk $0xffff, v2;
	v3 =	vld [tilespmem:$0x1FE40];
	_ =	sdelay $0x4  }
0x2fd: {  	v2 =	vld.idx.msk [tilespmem:v4+s12+$0x0], $0xffff;
	v3 =	vor.u32 v3, v0;
	_ =	sdelay $0x4  }
0x2fe: {  	v4 =	vor.u32 v63, v1;
	[tilespmem:v3+s15+$0x0] =	vst.idx.msk $0xffff, v2;
	v3 =	vld [tilespmem:$0x1FCC0];
	_ =	sdelay $0x4  }
0x2ff: {  	v2 =	vld.idx.msk [tilespmem:v4+s12+$0x0], $0xffff;
	v3 =	vor.u32 v3, v0  }
0x300: {  	v4 =	vor.u32 v7, v1;
	_ =	sdelay $0x3  }
0x301: {  	[tilespmem:v3+s15+$0x0] =	vst.idx.msk $0xffff, v2;
	v3 =	vld [tilespmem:$0x1FCD0]  }
0x302: {  	v2 =	vld.idx.msk [tilespmem:v4+s12+$0x0], $0xffff  }
0x303: {  	v4 =	vld [tilespmem:$0x1FE30];
	_ =	sdelay $0x3  }
0x304: {  	v3 =	vor.u32 v3, v0  }
0x305: {  	v4 =	vor.u32 v4, v1;
	_ =	sdelay $0x3  }
0x306: {  	[tilespmem:v3+s15+$0x0] =	vst.idx.msk $0xffff, v2  }
0x307: {  	v2 =	vld.idx.msk [tilespmem:v4+s12+$0x0], $0xffff  }
0x308: {  	v4 =	vld [tilespmem:$0x1FE60];
	_ =	sdelay $0x3  }
0x309: {  	v3 =	vor.u32 v60, v0  }
0x30a: {  	v4 =	vor.u32 v4, v1;
	_ =	sdelay $0x3  }
0x30b: {  	[tilespmem:v3+s15+$0x0] =	vst.idx.msk $0xffff, v2  }
0x30c: {  	v3 =	vor.u32 v37, v0;
	v2 =	vld.idx.msk [tilespmem:v4+s12+$0x0], $0xffff  }
0x30d: {  	v4 =	vor.u32 v44, v1;
	_ =	sdelay $0x3  }
0x30e: {  	[tilespmem:v3+s15+$0x0] =	vst.idx.msk $0xffff, v2  }
0x30f: {  	v3 =	vor.u32 v59, v0;
	v2 =	vld.idx.msk [tilespmem:v4+s12+$0x0], $0xffff  }
0x310: {  	v4 =	vor.u32 v61, v1;
	_ =	sdelay $0x3  }
0x311: {  	[tilespmem:v3+s15+$0x0] =	vst.idx.msk $0xffff, v2  }
0x312: {  	v3 =	vor.u32 v45, v0;
	v2 =	vld.idx.msk [tilespmem:v4+s12+$0x0], $0xffff  }
0x313: {  	v4 =	vor.u32 v62, v1;
	_ =	sdelay $0x3  }
0x314: {  	[tilespmem:v3+s15+$0x0] =	vst.idx.msk $0xffff, v2  }
0x315: {  	v3 =	vor.u32 v42, v0;
	v2 =	vld.idx.msk [tilespmem:v4+s12+$0x0], $0xffff  }
0x316: {  	v4 =	vor.u32 v57, v1;
	_ =	sdelay $0x3  }
0x317: {  	[tilespmem:v3+s15+$0x0] =	vst.idx.msk $0xffff, v2  }
0x318: {  	v3 =	vor.u32 v46, v0;
	v2 =	vld.idx.msk [tilespmem:v4+s12+$0x0], $0xffff  }
0x319: {  	v4 =	vor.u32 v34, v1;
	_ =	sdelay $0x3  }
0x31a: {  	[tilespmem:v3+s15+$0x0] =	vst.idx.msk $0xffff, v2  }
0x31b: {  	v3 =	vor.u32 v58, v0;
	v2 =	vld.idx.msk [tilespmem:v4+s12+$0x0], $0xffff  }
0x31c: {  	v4 =	vor.u32 v41, v1;
	_ =	sdelay $0x3  }
0x31d: {  	[tilespmem:v3+s15+$0x0] =	vst.idx.msk $0xffff, v2  }
0x31e: {  	v3 =	vor.u32 v49, v0;
	v2 =	vld.idx.msk [tilespmem:v4+s12+$0x0], $0xffff  }
0x31f: {  	v4 =	vor.u32 v47, v1;
	_ =	sdelay $0x3  }
0x320: {  	[tilespmem:v3+s15+$0x0] =	vst.idx.msk $0xffff, v2  }
0x321: {  	v2 =	vld.idx.msk [tilespmem:v4+s12+$0x0], $0xffff  }
0x322: {  	v4 =	vld [tilespmem:$0x1FD60];
	_ =	sdelay $0x3  }
0x323: {  	v3 =	vor.u32 v50, v0  }
0x324: {  	v4 =	vor.u32 v4, v1;
	_ =	sdelay $0x3  }
0x325: {  	[tilespmem:v3+s15+$0x0] =	vst.idx.msk $0xffff, v2  }
0x326: {  	v2 =	vld.idx.msk [tilespmem:v4+s12+$0x0], $0xffff  }
0x327: {  	p0 =	sne.s32 s22, $0xF0;
	v4 =	vld [tilespmem:$0x1FE50]  }
.Ltmp1:
0x328: {  	_ = 	snop;
	(pc) =	sbr.rel @p0 .LBB2_5-.Ltmp1, $3  }
0x329: {  	_ =	sdelay $0x1  }
0x32a: {  	s21 =	smov.u32 s22  }
0x32b: {  	s22 =	sadd.s32 $0x10, s22;
	v3 =	vor.u32 v51, v0;
	v1 =	vor.u32 v4, v1;
	v4 =	vmov s21  }
0x32c: {  	_ =	sdelay $0x2  }
0x32d: {  	v5 =	vor.u32 s21, v6;
	v4 =	vshll.u32 v4, $0x3  }
0x32e: {  	[tilespmem:v3+s15+$0x0] =	vst.idx.msk $0xffff, v2;
	v36 =	vand.u32 $0x7F, v5;
	v3 =	vand.u32 $0x400, v4  }
0x32f: {  	v0 =	vor.u32 v54, v0;
	v1 =	vld.idx.msk [tilespmem:v1+s12+$0x0], $0xffff;
	v2 =	vor.u32 v3, v36  }
0x330: {  	v3 =	vor.u32 v8, v2;
	_ =	sdelay $0x3  }
0x331: {  	[tilespmem:v0+s15+$0x0] =	vst.idx.msk $0xffff, v1;
	v0 =	vshll.u32 v5, $0x5  }
0x332: {  	v1 =	vld.idx.msk [tilespmem:v3+s12+$0x0], $0xffff;
	v3 =	vor.u32 v6, v0  }
0x333: {  	v4 =	vor.u32 v9, v2;
	_ =	sdelay $0x3  }
0x334: {  	[tilespmem:v3+s15+$0x0] =	vst.idx.msk $0xffff, v1  }
0x335: {  	v3 =	vor.u32 v10, v0;
	v1 =	vld.idx.msk [tilespmem:v4+s12+$0x0], $0xffff  }
0x336: {  	v4 =	vor.u32 v11, v2;
	_ =	sdelay $0x3  }
0x337: {  	[tilespmem:v3+s15+$0x0] =	vst.idx.msk $0xffff, v1  }
0x338: {  	v3 =	vor.u32 v12, v0;
	v1 =	vld.idx.msk [tilespmem:v4+s12+$0x0], $0xffff  }
0x339: {  	v4 =	vor.u32 v13, v2;
	_ =	sdelay $0x3  }
0x33a: {  	[tilespmem:v3+s15+$0x0] =	vst.idx.msk $0xffff, v1  }
0x33b: {  	v3 =	vor.u32 v14, v0;
	v1 =	vld.idx.msk [tilespmem:v4+s12+$0x0], $0xffff  }
0x33c: {  	v4 =	vor.u32 v15, v2;
	_ =	sdelay $0x3  }
0x33d: {  	[tilespmem:v3+s15+$0x0] =	vst.idx.msk $0xffff, v1  }
0x33e: {  	v3 =	vor.u32 v16, v0;
	v1 =	vld.idx.msk [tilespmem:v4+s12+$0x0], $0xffff  }
0x33f: {  	v4 =	vor.u32 v17, v2;
	_ =	sdelay $0x3  }
0x340: {  	[tilespmem:v3+s15+$0x0] =	vst.idx.msk $0xffff, v1  }
0x341: {  	v3 =	vor.u32 v18, v0;
	v1 =	vld.idx.msk [tilespmem:v4+s12+$0x0], $0xffff  }
0x342: {  	v4 =	vor.u32 v19, v2;
	_ =	sdelay $0x3  }
0x343: {  	[tilespmem:v3+s15+$0x0] =	vst.idx.msk $0xffff, v1  }
0x344: {  	v3 =	vor.u32 v20, v0;
	v1 =	vld.idx.msk [tilespmem:v4+s12+$0x0], $0xffff  }
0x345: {  	v4 =	vor.u32 v21, v2;
	_ =	sdelay $0x3  }
0x346: {  	[tilespmem:v3+s15+$0x0] =	vst.idx.msk $0xffff, v1  }
0x347: {  	v3 =	vor.u32 v22, v0;
	v1 =	vld.idx.msk [tilespmem:v4+s12+$0x0], $0xffff  }
0x348: {  	v4 =	vor.u32 v23, v2;
	_ =	sdelay $0x3  }
0x349: {  	[tilespmem:v3+s15+$0x0] =	vst.idx.msk $0xffff, v1  }
0x34a: {  	v3 =	vor.u32 v24, v0;
	v1 =	vld.idx.msk [tilespmem:v4+s12+$0x0], $0xffff  }
0x34b: {  	v4 =	vor.u32 v25, v2;
	_ =	sdelay $0x3  }
0x34c: {  	[tilespmem:v3+s15+$0x0] =	vst.idx.msk $0xffff, v1  }
0x34d: {  	v3 =	vor.u32 v26, v0;
	v1 =	vld.idx.msk [tilespmem:v4+s12+$0x0], $0xffff  }
0x34e: {  	v4 =	vor.u32 v27, v2;
	_ =	sdelay $0x3  }
0x34f: {  	[tilespmem:v3+s15+$0x0] =	vst.idx.msk $0xffff, v1  }
0x350: {  	v3 =	vor.u32 v28, v0;
	v1 =	vld.idx.msk [tilespmem:v4+s12+$0x0], $0xffff  }
0x351: {  	v4 =	vor.u32 v29, v2;
	_ =	sdelay $0x3  }
0x352: {  	[tilespmem:v3+s15+$0x0] =	vst.idx.msk $0xffff, v1  }
0x353: {  	v3 =	vor.u32 v30, v0;
	v1 =	vld.idx.msk [tilespmem:v4+s12+$0x0], $0xffff  }
0x354: {  	v4 =	vor.u32 v31, v2;
	_ =	sdelay $0x3  }
0x355: {  	[tilespmem:v3+s15+$0x0] =	vst.idx.msk $0xffff, v1  }
0x356: {  	v3 =	vor.u32 v32, v0;
	v1 =	vld.idx.msk [tilespmem:v4+s12+$0x0], $0xffff  }
0x357: {  	v4 =	vor.u32 v33, v2;
	_ =	sdelay $0x3  }
0x358: {  	[tilespmem:v3+s15+$0x0] =	vst.idx.msk $0xffff, v1  }
0x359: {  	v3 =	vor.u32 v38, v0;
	v1 =	vld.idx.msk [tilespmem:v4+s12+$0x0], $0xffff  }
0x35a: {  	v4 =	vor.u32 v43, v2;
	_ =	sdelay $0x3  }
0x35b: {  	[tilespmem:v3+s15+$0x0] =	vst.idx.msk $0xffff, v1  }
0x35c: {  	v3 =	vor.u32 v48, v0;
	v1 =	vld.idx.msk [tilespmem:v4+s12+$0x0], $0xffff  }
0x35d: {  	v4 =	vor.u32 v53, v2;
	_ =	sdelay $0x3  }
0x35e: {  	[tilespmem:v3+s15+$0x0] =	vst.idx.msk $0xffff, v1  }
0x35f: {  	v3 =	vor.u32 v52, v0;
	v1 =	vld.idx.msk [tilespmem:v4+s12+$0x0], $0xffff  }
0x360: {  	v4 =	vor.u32 v39, v2;
	_ =	sdelay $0x3  }
0x361: {  	[tilespmem:v3+s15+$0x0] =	vst.idx.msk $0xffff, v1  }
0x362: {  	v3 =	vor.u32 v56, v0;
	v1 =	vld.idx.msk [tilespmem:v4+s12+$0x0], $0xffff  }
0x363: {  	v4 =	vor.u32 v35, v2;
	_ =	sdelay $0x3  }
0x364: {  	[tilespmem:v3+s15+$0x0] =	vst.idx.msk $0xffff, v1  }
0x365: {  	v3 =	vor.u32 v55, v0;
	v1 =	vld.idx.msk [tilespmem:v4+s12+$0x0], $0xffff  }
0x366: {  	[tilespmem:$0x1FC60] =	vst v54;
	v54 =	vld [tilespmem:$0x1FE40];
	v4 =	vor.u32 v40, v2;
	_ =	sdelay $0x3  }
0x367: {  	[tilespmem:v3+s15+$0x0] =	vst.idx.msk $0xffff, v1  }
0x368: {  	v3 =	vor.u32 v54, v0;
	v1 =	vld.idx.msk [tilespmem:v4+s12+$0x0], $0xffff;
	_ =	sdelay $0x4  }
0x369: {  	v4 =	vor.u32 v63, v2;
	[tilespmem:v3+s15+$0x0] =	vst.idx.msk $0xffff, v1;
	v3 =	vld [tilespmem:$0x1FCC0];
	_ =	sdelay $0x4  }
0x36a: {  	v1 =	vld.idx.msk [tilespmem:v4+s12+$0x0], $0xffff;
	v3 =	vor.u32 v3, v0;
	_ =	sdelay $0x4  }
0x36b: {  	v4 =	vor.u32 v7, v2;
	[tilespmem:v3+s15+$0x0] =	vst.idx.msk $0xffff, v1;
	v3 =	vld [tilespmem:$0x1FCD0]  }
0x36c: {  	v56 =	vld [tilespmem:$0x1FE30];
	_ =	sdelay $0x3  }
0x36d: {  	v1 =	vld.idx.msk [tilespmem:v4+s12+$0x0], $0xffff;
	v3 =	vor.u32 v3, v0  }
0x36e: {  	v4 =	vor.u32 v56, v2  }
0x36f: {  	v55 =	vld [tilespmem:$0x1FE60];
	_ =	sdelay $0x2  }
0x370: {  	[tilespmem:v3+s15+$0x0] =	vst.idx.msk $0xffff, v1  }
0x371: {  	v3 =	vor.u32 v60, v0;
	v1 =	vld.idx.msk [tilespmem:v4+s12+$0x0], $0xffff  }
0x372: {  	v4 =	vor.u32 v55, v2;
	_ =	sdelay $0x3  }
0x373: {  	[tilespmem:v3+s15+$0x0] =	vst.idx.msk $0xffff, v1  }
0x374: {  	v3 =	vor.u32 v37, v0;
	v1 =	vld.idx.msk [tilespmem:v4+s12+$0x0], $0xffff  }
0x375: {  	v4 =	vor.u32 v44, v2;
	_ =	sdelay $0x3  }
0x376: {  	[tilespmem:v3+s15+$0x0] =	vst.idx.msk $0xffff, v1  }
0x377: {  	v3 =	vor.u32 v59, v0;
	v1 =	vld.idx.msk [tilespmem:v4+s12+$0x0], $0xffff  }
0x378: {  	v4 =	vor.u32 v61, v2;
	_ =	sdelay $0x3  }
0x379: {  	[tilespmem:v3+s15+$0x0] =	vst.idx.msk $0xffff, v1  }
0x37a: {  	v3 =	vor.u32 v45, v0;
	v1 =	vld.idx.msk [tilespmem:v4+s12+$0x0], $0xffff  }
0x37b: {  	v4 =	vor.u32 v62, v2;
	_ =	sdelay $0x3  }
0x37c: {  	[tilespmem:v3+s15+$0x0] =	vst.idx.msk $0xffff, v1  }
0x37d: {  	v3 =	vor.u32 v42, v0;
	v1 =	vld.idx.msk [tilespmem:v4+s12+$0x0], $0xffff  }
0x37e: {  	v4 =	vor.u32 v57, v2;
	_ =	sdelay $0x3  }
0x37f: {  	[tilespmem:v3+s15+$0x0] =	vst.idx.msk $0xffff, v1  }
0x380: {  	v3 =	vor.u32 v46, v0;
	v1 =	vld.idx.msk [tilespmem:v4+s12+$0x0], $0xffff  }
0x381: {  	v4 =	vor.u32 v34, v2;
	_ =	sdelay $0x3  }
0x382: {  	[tilespmem:v3+s15+$0x0] =	vst.idx.msk $0xffff, v1  }
0x383: {  	v3 =	vor.u32 v58, v0;
	v1 =	vld.idx.msk [tilespmem:v4+s12+$0x0], $0xffff  }
0x384: {  	v4 =	vor.u32 v41, v2;
	_ =	sdelay $0x3  }
0x385: {  	[tilespmem:v3+s15+$0x0] =	vst.idx.msk $0xffff, v1  }
0x386: {  	v3 =	vor.u32 v49, v0;
	v1 =	vld.idx.msk [tilespmem:v4+s12+$0x0], $0xffff  }
0x387: {  	v4 =	vor.u32 v47, v2;
	_ =	sdelay $0x3  }
0x388: {  	[tilespmem:v3+s15+$0x0] =	vst.idx.msk $0xffff, v1  }
0x389: {  	v1 =	vld.idx.msk [tilespmem:v4+s12+$0x0], $0xffff  }
0x38a: {  	v4 =	vld [tilespmem:$0x1FD60];
	_ =	sdelay $0x3  }
0x38b: {  	v3 =	vor.u32 v50, v0  }
0x38c: {  	v4 =	vor.u32 v4, v2;
	_ =	sdelay $0x3  }
0x38d: {  	[tilespmem:v3+s15+$0x0] =	vst.idx.msk $0xffff, v1  }
0x38e: {  	v1 =	vld.idx.msk [tilespmem:v4+s12+$0x0], $0xffff  }
0x38f: {  	v4 =	vld [tilespmem:$0x1FE50];
	_ =	sdelay $0x3  }
0x390: {  	v3 =	vor.u32 v51, v0  }
0x391: {  	v59 =	vld [tilespmem:$0x1FC60];
	v2 =	vor.u32 v4, v2;
	_ =	sdelay $0x3  }
0x392: {  	[tilespmem:v3+s15+$0x0] =	vst.idx.msk $0xffff, v1  }
0x393: {  	s19 =	sadd.s32 $0x1, s19;
	v0 =	vor.u32 v59, v0;
	v60 =	vld.idx.msk [tilespmem:v2+s12+$0x0], $0xffff  }
0x394: {  	p0 =	sne.s32 s19, $0x3E  }
.Ltmp2:
0x395: {  	_ = 	snop;
	(pc) =	sbr.rel @p0 .LBB2_2-.Ltmp2, $4  }
0x396: {  	v36 =	vmov v57;
	v5 =	vmov v26;
	v26 =	vmov v29  }
0x397: {  	s20 =	sshll.u32 s20, $0xA;
	v37 =	vmovc v34;
	v45 =	vmovc v8;
	v42 =	vmov v39;
	v46 =	vmov v47;
	v34 =	vmov v41  }
0x398: {  	s20 =	sadd.s32 s5, s20;
	v58 =	vmovc v35;
	v35 =	vmovc v40;
	v41 =	vmov v56;
	v56 =	vld [tilespmem:$0x1FE90];
	v49 =	vmov v44;
	v47 =	vmov v30;
	[tilespmem:v0+s15+$0x0] =	vst.idx.msk $0xffff, v60  }
0x399: {  	v50 =	vmovc v55;
	v55 =	vmovc v28;
	v51 =	vmov v61;
	v61 =	vmov v37;
	v37 =	vld [tilespmem:$0x1FEA0];
	v57 =	vmov v4;
	[hbm4b:s20+s3] =	stream.linear.scatter [tilespmem:s15], [sflag:$0x4], $0x2000, $0x38  }
0x39a: {  	_ =	swait.ge [sflag:s11], $0x2000  }
0x39b: {  	[sflag:s11] =	ssyncset.done $0x0  }
0x39c: {  	s18 =	sadd.s32 $0x1, s18;
	[sflag:s11] =	ssyncadd.s32 $0xFFFFE000  }
0x39d: {  	p0 =	sne.s32 s18, s8;
	_ =	swait.ge [sflag:s16], $0x2000  }
.Ltmp3:
0x39e: {  	[sflag:s16] =	ssyncset.done $0x0;
	(pc) =	sbr.rel @p0 .LBB2_1-.Ltmp3, $4  }
0x39f: {  	[sflag:s16] =	ssyncadd.s32 $0xFFFFE000  }
0x3a0: {  	_ =	swait.ge [sflag:s17], $0x2000  }
0x3a1: {  	[sflag:s17] =	ssyncset.done $0x0  }
0x3a2: {  	[sflag:s17] =	ssyncadd.s32 $0xFFFFE000  }
0x3a3: {  	_ =	sfence.sel $0x180000  }
0x3a4: {  	[bflag:$0x0] =	sbarrier.arrive $0xFFFF  }
0x3a5: {  	p0 =	sne.s32 s2, $0x0;
	_ =	strace $0x90000047  }
0x3a6: {  	s0 =	sadd.s32 @!p0 $0x100000, s1;
	[bflag:$0x2] =	sbarrier.arrive $0xFFFF  }
0x3a7: {  	[sflag:s0] =	ssyncadd.tile.s32 @!p0 $0x1;
	_ =	shalt  }
.Lfunc_end2:
_tile_overlayer_lowered:
.L_overlay_start_2:
0x3a8: {  	(tag) =	ssettag $0x2  }
0x3a9: {  	s0 =	rddreg [dreg:$0x0];
	s2 =	stileid.u32  }
0x3aa: {  	s1 =	rddreg [dreg:$0x1];
	p0 =	sne.s32 s2, $0x0  }
0x3ab: {  	s3 =	rddreg [dreg:$0x2];
	[bflag:$0x3] =	sbarrier.arrive $0xFFFF;
	s2 =	simm.s32 @!p0 $0x1C05  }
0x3ac: {  	[timem:s3], [sflag:s2] =	dma.local @!p0 [hbm:s0], s1  }
0x3ad: {  	s0 =	simm.s32 @!p0 $0x5  }
0x3ae: {  	_ =	swait.ge @!p0 [sflag:s0], s1  }
0x3af: {  	s1 =	ssub.s32 @!p0 $0x0, s1;
	[sflag:s0] =	ssyncset.done @!p0 $0x0  }
0x3b0: {  	[sflag:s0] =	ssyncadd.s32 @!p0 s1  }
0x3b1: {  	[bflag:$0x3] =	sbarrier.arrive $0xFFFF  }
0x3b2: {  	_ =	shalt  }

// kernel: kernel.7.cloned.1.call-start
scs
__scs_entry_jumppad:
0x0: {  	(pc) =	sbr.rel $0x88, $3  }
0x1: {  	(tag) =	ssettag $0x0;
	lr =	simm.s32 $0x1  }
0x2: {  	[smem:$0x3F9F] =	sst lr;
	_ =	strace $0xD0000000  }
0x3: {  	_ = 	snop  }
0x4: {  	_ = 	snop  }
0x5: {  	_ = 	snop  }
0x6: {  	_ = 	snop  }
0x7: {  	_ = 	snop  }
__scs_overlays_trampoline_lowered:
0x8: {  	[smem:$0x3FAE] =	sst s0  }
0x9: {  	[smem:$0x3FAF] =	sst s1  }
0xa: {  	[smem:$0x3FB0] =	sst s2  }
0xb: {  	[smem:$0x3FB1] =	sst s3  }
0xc: {  	[smem:$0x3FB2] =	sst s4  }
0xd: {  	[smem:$0x3FB3] =	sst s5  }
0xe: {  	[smem:$0x3FB4] =	sst s6  }
0xf: {  	[smem:$0x3FB5] =	sst s7  }
0x10: {  	[smem:$0x3FB6] =	sst s8  }
0x11: {  	[smem:$0x3FB7] =	sst s9;
	s0 =	simm.s32 @!p0 $0x0  }
0x12: {  	s1 =	sld [smem:$0x3F9D];
	s0 =	simm.s32 @p0 $0x1  }
0x13: {  	[smem:$0x3FB8] =	sst s0;
	s0 =	simm.s32 @!p1 $0x0  }
0x14: {  	s2 =	sld [smem:$0x3F9C];
	s0 =	simm.s32 @p1 $0x1  }
0x15: {  	[smem:$0x3FB9] =	sst s0;
	s0 =	simm.s32 @!p2 $0x0  }
0x16: {  	s3 =	sld [smem:$0x3FDB];
	s0 =	simm.s32 @p2 $0x1  }
0x17: {  	s4 =	simm.s32 $0x1BF5;
	[smem:$0x3FBB] =	sst s0  }
0x18: {  	s0 =	sld [smem:$0x3F9E];
	_ =	swait.ge [sflag:s4], $0x0  }
0x19: {  	s7 =	sld [smem:$0x3F9F]  }
0x1a: {  	s8 =	sadd.s32 $0xFFFFE003, lr  }
0x1b: {  	s9 =	sadd.s32 $0xFFFFFEF7, lr;
	s5 =	simm.s32 $0xFFFFFFFF;
	p2 =	slt.u32 s8, $0xFFFFF086  }
0x1c: {  	p1 =	slt.u32 s9, $0xF7A;
	s5 =	simm.s32 @!p2 $0x0  }
0x1d: {  	s5 =	simm.s32 @p1 $0x1;
	p0 =	seq.s32 s7, s2  }
0x1e: {  	s7 =	smul.u32 @!p0 $0xF7A, s2;
	p2 =	seq.s32 @!p0 s5, $0x0  }
0x1f: {  	s9 =	smul.u32 $0xF7A, s1;
	s8 =	simm.s32 @!p0 $0x1BF5;
	p2 =	por !p2, p0  }
0x20: {  	[sflag:s8] =	ssyncset.s32 @!p0 $0xFFFFF086;
	s6 =	sadd.s32 @!p0 s3, s7;
	s7 =	simm.s32 @!p0 $0x108  }
0x21: {  	s3 =	sadd.s32 s3, s9;
	s6 =	sadd.s32 @!p0 $0x88, s6;
	s7 =	simm.s32 @p2 $0x1082  }
0x22: {  	[simem:s7], [sflag:s8] =	dma.local @!p0 [hbm:s6], $0xF7A  }
0x23: {  	s9 =	sor.u32 $0xD0000000, s2;
	s6 =	simm.s32 $0x108;
	_ =	swait.ge @!p0 [sflag:s8], $0x0  }
0x24: {  	s3 =	sadd.s32 $0x88, s3;
	s6 =	simm.s32 @!p1 $0x1082;
	[sflag:s4] =	ssyncset.s32 $0xFFFFF086  }
0x25: {  	[simem:s6], [sflag:s4] =	dma.local [hbm:s3], $0xF7A  }
0x26: {  	[smem:$0x3F9F] =	sst s1;
	(tag) =	ssettag s2;
	_ =	strace s9  }
0x27: {  	s1 =	sld [smem:$0x3FAF]  }
0x28: {  	s2 =	sld [smem:$0x3FB0]  }
0x29: {  	s4 =	sld [smem:$0x3FB2]  }
0x2a: {  	p0 =	seq.s32 s5, $0x0;
	s5 =	sld [smem:$0x3FB3]  }
0x2b: {  	s6 =	sld [smem:$0x3FB4]  }
0x2c: {  	s7 =	sld [smem:$0x3FB5]  }
0x2d: {  	s3 =	simm.s32 $0x108;
	s8 =	sld [smem:$0x3FB6]  }
0x2e: {  	s3 =	simm.s32 @!p0 $0x1082;
	s9 =	sld [smem:$0x3FB7]  }
0x2f: {  	lr =	sadd.s32 s0, s3;
	s0 =	sld [smem:$0x3FAE]  }
0x30: {  	s3 =	sld [smem:$0x3FB1]  }
0x31: {  	[smem:$0x3FBA] =	sst s10  }
0x32: {  	s10 =	sld [smem:$0x3FB8];
	_ =	sdelay $0x3  }
0x33: {  	p0 =	seq.s32 s10, $0x1;
	s10 =	sld [smem:$0x3FBA];
	_ =	sdelay $0x3  }
0x34: {  	[smem:$0x3FBA] =	sst s10  }
0x35: {  	s10 =	sld [smem:$0x3FB9];
	_ =	sdelay $0x3  }
0x36: {  	p1 =	seq.s32 s10, $0x1;
	s10 =	sld [smem:$0x3FBA];
	_ =	sdelay $0x3  }
0x37: {  	[smem:$0x3FBA] =	sst s10  }
0x38: {  	s10 =	sld [smem:$0x3FBB]  }
0x39: {  	_ = 	snop;
	(pc) =	sbr.ind lr, $3  }
0x3a: {  	_ = 	snop  }
0x3b: {  	_ = 	snop  }
0x3c: {  	p2 =	seq.s32 s10, $0x1;
	s10 =	sld [smem:$0x3FBA]  }
0x3d: {  	_ =	shalt  }
0x3e: {  	_ =	shalt  }
0x3f: {  	_ =	shalt  }
0x40: {  	_ =	shalt  }
0x41: {  	_ =	shalt  }
0x42: {  	_ =	shalt  }
0x43: {  	_ =	shalt  }
0x44: {  	_ =	shalt  }
0x45: {  	_ =	shalt  }
0x46: {  	_ =	shalt  }
0x47: {  	_ =	shalt  }
0x48: {  	_ =	shalt  }
0x49: {  	_ =	shalt  }
0x4a: {  	_ =	shalt  }
0x4b: {  	_ =	shalt  }
0x4c: {  	_ =	shalt  }
0x4d: {  	_ =	shalt  }
0x4e: {  	_ =	shalt  }
0x4f: {  	_ =	shalt  }
0x50: {  	_ =	shalt  }
0x51: {  	_ =	shalt  }
0x52: {  	_ =	shalt  }
0x53: {  	_ =	shalt  }
0x54: {  	_ =	shalt  }
0x55: {  	_ =	shalt  }
0x56: {  	_ =	shalt  }
0x57: {  	_ =	shalt  }
0x58: {  	_ =	shalt  }
0x59: {  	_ =	shalt  }
0x5a: {  	_ =	shalt  }
0x5b: {  	_ =	shalt  }
0x5c: {  	_ =	shalt  }
0x5d: {  	_ =	shalt  }
0x5e: {  	_ =	shalt  }
0x5f: {  	_ =	shalt  }
0x60: {  	_ =	shalt  }
0x61: {  	_ =	shalt  }
0x62: {  	_ =	shalt  }
0x63: {  	_ =	shalt  }
0x64: {  	_ =	shalt  }
0x65: {  	_ =	shalt  }
0x66: {  	_ =	shalt  }
0x67: {  	_ =	shalt  }
0x68: {  	_ =	shalt  }
0x69: {  	_ =	shalt  }
0x6a: {  	_ =	shalt  }
0x6b: {  	_ =	shalt  }
0x6c: {  	_ =	shalt  }
0x6d: {  	_ =	shalt  }
0x6e: {  	_ =	shalt  }
0x6f: {  	_ =	shalt  }
0x70: {  	_ =	shalt  }
0x71: {  	_ =	shalt  }
0x72: {  	_ =	shalt  }
0x73: {  	_ =	shalt  }
0x74: {  	_ =	shalt  }
0x75: {  	_ =	shalt  }
0x76: {  	_ =	shalt  }
0x77: {  	_ =	shalt  }
0x78: {  	_ =	shalt  }
0x79: {  	_ =	shalt  }
0x7a: {  	_ =	shalt  }
0x7b: {  	_ =	shalt  }
0x7c: {  	_ =	shalt  }
0x7d: {  	_ =	shalt  }
0x7e: {  	_ =	shalt  }
0x7f: {  	_ =	shalt  }
0x80: {  	_ =	shalt  }
0x81: {  	_ =	shalt  }
0x82: {  	_ =	shalt  }
0x83: {  	_ =	shalt  }
0x84: {  	_ =	shalt  }
0x85: {  	_ =	shalt  }
0x86: {  	_ =	shalt  }
0x87: {  	_ =	shalt  }
.Lfunc_end0:
.L_simem_size_0:
called_computation.2_lowered:
.L_overlay_start_0:
0x88: {  	s2 =	sld [smem:$0x3FD9]  }
0x89: {  	s3 =	sld [smem:$0x3FFE];
	_ =	sdelay $0x1  }
0x8a: {  	s1 =	srdreg.scid  }
0x8b: {  	s0 =	sand.u32 $0x1, s1  }
0x8c: {  	s17 =	sshll.u32 s0, $0xA;
	s2 =	sadd.s32 s3, s2  }
0x8d: {  	s2 =	sadd.s32 s2, s17  }
0x8e: {  	[smem:$0x3FC6] =	sst s2  }
0x8f: {  	_ = 	snop  }
0x90: {  	s2 =	sld [smem:$0x3FD0];
	(tm) =	ssettm $0x1  }
0x91: {  	s18 =	sld [smem:$0x3FFB];
	_ =	sdelay $0x3  }
0x92: {  	_ =	strace s18  }
0x93: {  	s3 =	sld [smem:$0x3FFC];
	_ =	sdelay $0x3  }
0x94: {  	_ =	strace s3  }
0x95: {  	s3 =	sld [smem:$0x3FFD];
	_ =	sdelay $0x3  }
0x96: {  	_ =	strace s3  }
0x97: {  	_ =	strace $0x8FFFFFFF  }
0x98: {  	s19 =	sld [smem:$0x3FDB];
	_ =	sdelay $0x1  }
0x99: {  	s4 =	simm.s32 $_scs_section_size  }
0x9a: {  	s5 =	simm.s32 $_size__tile_overlayer_lowered;
	s6 =	simm.s32 $_tile_overlayer_lowered  }
0x9b: {  	s22 =	simm.s32 $0x1BFF;
	s21 =	sshll.u32 s6, $0x1;
	s3 =	sadd.s32 s4, s19  }
0x9c: {  	s7 =	simm.s32 $0x0;
	s20 =	sshll.u32 s5, $0x1;
	s5 =	sadd.s32 s21, s3  }
0x9d: {  	[timem:s7], [sflag:s22] =	dma.local [hbm:s5], s20  }
0x9e: {  	_ =	swait.ge [sflag:s22], s20  }
0x9f: {  	s4 =	ssub.s32 $0x0, s20;
	[sflag:s22] =	ssyncset.done $0x0  }
0xa0: {  	[sflag:s22] =	ssyncadd.s32 s4;
	_ =	sdelay $0x1  }
0xa1: {  	s23 =	simm.s32 $0x1B8B  }
0xa2: {  	_ =	swait.ge [sflag:s23], $0x1  }
0xa3: {  	[sflag:s23] =	ssyncset.done $0x0  }
0xa4: {  	s25 =	simm.s32 $0x1B8E;
	s24 =	sld [smem:$0x3FFE];
	[sflag:s23] =	ssyncadd.s32 $0xFFFFFFFF  }
0xa5: {  	s26 =	simm.s32 $execute0_lowered;
	[smem:$0x3FD2] =	sst s25  }
0xa6: {  	s5 =	sshll.u32 s26, $0x1;
	_ =	strace $0x80000049;
	[dreg:$0x1] =	wrdreg $0xFFFFFFFF  }
0xa7: {  	s28 =	simm.s32 $_size_execute0_lowered;
	s3 =	sadd.s32 s3, s5;
	[dreg:$0x0] =	wrdreg $0x0  }
0xa8: {  	s5 =	sshll.u32 s28, $0x1;
	[dreg:$0x2] =	wrdreg s3  }
0xa9: {  	[dreg:$0x3] =	wrdreg s5  }
0xaa: {  	[dreg:$0x4] =	wrdreg $0xC0  }
0xab: {  	_ =	task [dreg:s7], $0x5FFFF  }
0xac: {  	[dreg:$0x1] =	wrdreg $0xFFFFFFFF  }
0xad: {  	[dreg:$0x0] =	wrdreg $0x60  }
0xae: {  	[dreg:$0x2] =	wrdreg s24  }
0xaf: {  	[dreg:$0x3] =	wrdreg s2  }
0xb0: {  	[dreg:$0x4] =	wrdreg $0x9  }
0xb1: {  	_ =	task.clear_ibuf [dreg:s7], $0x5FFFF;
	_ =	strace $0x90000049  }
0xb2: {  	s29 =	simm.s32 $0x9;
	_ =	strace $0x8000004B  }
0xb3: {  	_ =	swait.ge [sflag:s29], $0x1  }
0xb4: {  	[sflag:s29] =	ssyncadd.s32 $0xFFFFFFFF  }
0xb5: {  	_ =	strace $0x9000004B  }
0xb6: {  	_ =	sfence  }
0xb7: {  	s30 =	sld [smem:$0x0];
	_ =	sdelay $0x2  }
0xb8: {  	s31 =	sshll.u32 s1, $0xD;
	s1 =	sshrl.u32 s1, $0x2  }
0xb9: {  	s3 =	sand.u32 $0x4000, s31;
	s1 =	sadd.s32 s1, s30  }
0xba: {  	s0 =	sor.u32 s3, s0;
	s1 =	sshll.u32 s1, $0x11  }
0xbb: {  	s0 =	sor.u32 s1, s0  }
0xbc: {  	s0 =	sadd.s32 $0x8F2B, s0  }
0xbd: {  	[sflag:s0] =	ssyncadd.remote.s32 $0x1  }
0xbe: {  	_ =	sfence.sel $0xFFFF  }
0xbf: {  	[dreg:$0x0] =	wrdreg $0xFFFFFFFF;
	(pc) =	sbr.abs _section_cstart, $3  }
0xc0: {  	[dreg:$0x1] =	wrdreg $0xFFFFFFFF  }
0xc1: {  	_ =	task.clear_ibuf [dreg:s7], $0x2FFFF;
	_ =	strace $0x9FFFFFFF  }
0xc2: {  	(tm) =	ssettm $0x7FFFFFFF  }
0xc3: {  	_ =	shalt  }
tec
execute0_lowered:
.L_overlay_start_1:
0x0: {  	(tag) =	ssettag $0x1  }
0x1: {  	s0 =	srdreg.scid;
	s1 =	rddreg [dreg:$0x0]  }
0x2: {  	s2 =	stileid.u32;
	s7 =	rddreg [dreg:$0x1]  }
0x3: {  	s14 =	simm.s32 $0x5;
	s15 =	simm.s32 $0x500;
	s16 =	simm.s32 $0x3000  }
0x4: {  	s17 =	simm.s32 $0x5800;
	s19 =	simm.s32 $0xF800;
	s20 =	simm.s32 $0x1  }
0x5: {  	s21 =	simm.s32 $0x3;
	s22 =	simm.s32 $0x3A00;
	s23 =	simm.s32 $0x2  }
0x6: {  	s24 =	simm.s32 $0x4;
	s0 =	sand.u32 $0x1, s0;
	s2 =	sshll.u32 s2, $0x1  }
0x7: {  	s28 =	simm.s32 $0x4900;
	s29 =	simm.s32 $0x4E00;
	s3 =	sor.u32 s0, s2  }
0x8: {  	s30 =	simm.s32 $0x5300;
	s31 =	simm.s32 $0x0;
	s4 =	smul.u32 $0x600, s3  }
0x9: {  	s2 =	simm.s32 $0x0;
	s0 =	ssub.s32 $0x2, s0;
	s5 =	smul.u32 $0xA000, s3  }
0xa: {  	[smem:$0x7FF] =	sst s2;
	s6 =	smul.u32 $0x50000, s3;
	s25 =	sshrl.u32 s0, $0x1  }
0xb: {  	s3 =	sadd.s32 $0xE00, s1;
	_ =	strace $0x8000004A;
	s0 =	ssub.s32 s0, s25  }
0xc: {  	s25 =	simm.s32 $0x3F00;
	s1 =	sadd.s32 s4, s1;
	s8 =	sshrl.u32 s6, $0x3  }
0xd: {  	s4 =	sadd.s32 s7, s5;
	s13 =	smax.u32 s0, $0x1;
	s26 =	sadd.s32 s7, s8  }
0xe: {  	s5 =	sadd.s32 $0x3D1A00, s1;
	s6 =	sadd.s32 $0x1400, s4;
	s7 =	sadd.s32 $0x2800, s26  }
0xf: {  	s8 =	sadd.s32 $0x3C00, s26;
	s9 =	sadd.s32 $0x5000, s26;
	s10 =	sadd.s32 $0x6400, s26  }
0x10: {  	v0 =	vlaneseq.u32;
	v1 =	vimm.s32 $0x0;
	s11 =	sadd.s32 $0x7800, s26;
	s12 =	sadd.s32 $0x8C00, s26;
	s26 =	simm.s32 $0x4400  }
.LBB2_1:
0x11: {  	v2 =	vor.u32 s2, v0  }
0x12: {  	v3 =	vmulhi.u32 $0xCCCCCCCD, v2;
	_ =	sdelay $0x1  }
0x13: {  	v3 =	vshrl.u32 v3, $0x4  }
0x14: {  	v4 =	vmul.u32 $0xFFFFFFEC, v3  }
0x15: {  	s0 =	simm.s32 $0x10  }
0x16: {  	v6 =	vmov s2;
	v5 =	vor.u32 s0, v0;
	v2 =	vadd.s32 v2, v4  }
0x17: {  	vm0 =	veq.s32 v6, v0;
	v4 =	vmulhi.u32 $0xCCCCCCCD, v5;
	vm1 =	vne.s32 v2, $0x0  }
0x18: {  	vm0 =	vmand vm0, vm1  }
0x19: {  	s1 =	simm.s32 $0x20;
	v4 =	vshrl.u32 v4, $0x4;
	v6 =	vsel vm0, $0xFFFFFFFF, v1  }
0x1a: {  	v7 =	vor.u32 s1, v0;
	v3 =	vadd.s32 v6, v3;
	v6 =	vmul.u32 $0xFFFFFFEC, v4  }
0x1b: {  	v8 =	vmov s0;
	v9 =	vand.u32 $0x18, v2;
	v3 =	vmul.u32 $0x18, v3  }
0x1c: {  	v2 =	vand.u32 $0x7, v2;
	vm0 =	veq.s32 v8, v0;
	v5 =	vadd.s32 v5, v6  }
0x1d: {  	v6 =	vmulhi.u32 $0xCCCCCCCD, v7;
	vm1 =	vne.s32 v5, $0x0;
	v3 =	vadd.s32 v9, v3  }
0x1e: {  	vm0 =	vmand vm0, vm1;
	v2 =	vor.u32 v2, v3  }
0x1f: {  	[tilespmem:s2], [sflag:$0x5] =	stream.linear.gather [hbm4b:s5+s2], $0x3000, $0x38;
	v6 =	vshrl.u32 v6, $0x4;
	v3 =	vsel vm0, $0xFFFFFFFF, v1;
	[tilespmem:$0x19800] =	vst v63  }
0x20: {  	s18 =	simm.s32 $0x30;
	_ =	swait.ge [sflag:s14], $0x3000;
	v3 =	vadd.s32 v3, v4;
	v4 =	vmul.u32 $0xFFFFFFEC, v6  }
0x21: {  	v61 =	vmov s1;
	[sflag:s14] =	ssyncset.done $0x0;
	v8 =	vor.u32 s18, v0;
	v3 =	vmul.u32 $0x18, v3  }
0x22: {  	[sflag:s14] =	ssyncadd.s32 $0xFFFFD000;
	v10 =	vand.u32 $0x18, v5;
	vm0 =	veq.s32 v61, v0;
	v7 =	vadd.s32 v7, v4  }
0x23: {  	v4 =	vand.u32 $0x7, v5;
	vm1 =	vne.s32 v7, $0x0;
	v5 =	vld.idx.msk [tilespmem:v2+s2+$0x0], $0xffff;
	v2 =	vadd.s32 v10, v3  }
0x24: {  	v3 =	vmulhi.u32 $0xCCCCCCCD, v8;
	vm0 =	vmand vm0, vm1;
	v62 =	vor.u32 v4, v2  }
0x25: {  	v2 =	vsel vm0, $0xFFFFFFFF, v1  }
0x26: {  	v3 =	vshrl.u32 v3, $0x4;
	v2 =	vadd.s32 v2, v6  }
0x27: {  	v4 =	vmul.u32 $0xFFFFFFEC, v3;
	v6 =	vmul.u32 $0x18, v2  }
0x28: {  	v63 =	vmov s18;
	v11 =	vand.u32 $0x18, v7;
	v7 =	vand.u32 $0x7, v7;
	[tilespmem:s16+$0x0] =	vst v5  }
0x29: {  	s1 =	simm.s32 $0x40;
	vm0 =	veq.s32 v63, v0;
	v4 =	vadd.s32 v8, v4;
	v6 =	vadd.s32 v11, v6;
	v5 =	vld.idx.msk [tilespmem:v62+s2+$0x0], $0xffff  }
0x2a: {  	s0 =	simm.s32 $0x3000;
	s18 =	simm.s32 $0x50;
	v2 =	vor.u32 s1, v0;
	vm1 =	vne.s32 v4, $0x0;
	v6 =	vor.u32 v7, v6  }
.LBB2_2:
0x2b: {  	p0 =	sne.s32 s18, $0x27F0;
	v7 =	vmulhi.u32 $0xCCCCCCCD, v2;
	vm0 =	vmand vm0, vm1  }
0x2c: {  	v8 =	vsel vm0, $0xFFFFFFFF, v1  }
.Ltmp0:
0x2d: {  	s0 =	sadd.s32 $0x10, s0;
	v8 =	vadd.s32 v8, v3;
	v3 =	vshrl.u32 v7, $0x4;
	(pc) =	sbr.rel @p0 .LBB2_2-.Ltmp0, $4  }
0x2e: {  	v7 =	vmul.u32 $0xFFFFFFEC, v3;
	v8 =	vmul.u32 $0x18, v8;
	[tilespmem:s0+$0x0] =	vst v5  }
0x2f: {  	v9 =	vor.u32 s18, v0;
	v10 =	vmov s1;
	v11 =	vand.u32 $0x18, v4;
	s1 =	smov.u32 s18;
	v5 =	vld.idx.msk [tilespmem:v6+s2+$0x0], $0xffff  }
0x30: {  	v6 =	vand.u32 $0x7, v4;
	v4 =	vadd.s32 v2, v7;
	v7 =	vadd.s32 v11, v8;
	v2 =	vmovc v9  }
0x31: {  	s18 =	sadd.s32 $0x10, s18;
	vm0 =	veq.s32 v10, v0;
	vm1 =	vne.s32 v4, $0x0;
	v6 =	vor.u32 v6, v7  }
0x32: {  	v7 =	vmulhi.u32 $0xCCCCCCCD, v2  }
0x33: {  	vm0 =	vmand vm0, vm1  }
0x34: {  	v8 =	vsel vm0, $0xFFFFFFFF, v1;
	v7 =	vshrl.u32 v7, $0x4  }
0x35: {  	v3 =	vadd.s32 v8, v3;
	v59 =	vmul.u32 $0xFFFFFFEC, v7  }
0x36: {  	v9 =	vmov s1;
	s0 =	sadd.s32 $0x10, s0;
	v3 =	vmul.u32 $0x18, v3  }
0x37: {  	v60 =	vand.u32 $0x18, v4;
	v61 =	vand.u32 $0x7, v4;
	[tilespmem:s0+$0x0] =	vst v5;
	v2 =	vadd.s32 v2, v59  }
0x38: {  	vm14 =	veq.s32 v9, v0;
	v6 =	vld.idx.msk [tilespmem:v6+s2+$0x0], $0xffff;
	v3 =	vadd.s32 v60, v3;
	vm15 =	vne.s32 v2, $0x0  }
0x39: {  	v3 =	vor.u32 v61, v3;
	vm0 =	vmand vm14, vm15  }
0x3a: {  	v62 =	vsel vm0, $0xFFFFFFFF, v1  }
0x3b: {  	v4 =	vadd.s32 v62, v7  }
0x3c: {  	s0 =	sadd.s32 $0x10, s0;
	v4 =	vmul.u32 $0x18, v4  }
0x3d: {  	v63 =	vand.u32 $0x18, v2;
	[tilespmem:s0+$0x0] =	vst v6  }
0x3e: {  	v2 =	vand.u32 $0x7, v2;
	v3 =	vld.idx.msk [tilespmem:v3+s2+$0x0], $0xffff;
	v4 =	vadd.s32 v63, v4  }
0x3f: {  	v2 =	vor.u32 v2, v4;
	_ =	sdelay $0x2  }
0x40: {  	s0 =	sadd.s32 $0x10, s0  }
0x41: {  	[tilespmem:s0+$0x0] =	vst v3  }
0x42: {  	v2 =	vld.idx.msk [tilespmem:v2+s2+$0x0], $0xffff;
	_ =	sdelay $0x3  }
0x43: {  	s0 =	sadd.s32 $0x10, s0  }
0x44: {  	[tilespmem:s0+$0x0] =	vst v2  }
0x45: {  	[tilespmem:s17], [sflag:$0x1] =	stream.indirect.gather [hbm4b:s3+s15], $0x20, s16, s15, $0xb8;
	[tilespmem:$0x19800] =	vst v63  }
0x46: {  	s18 =	simm.s32 $0x3500  }
0x47: {  	[tilespmem:s19], [sflag:$0x2] =	stream.indirect.gather [hbm4b:s3+s15], $0x20, s18, s15, $0xb8;
	[tilespmem:$0x19800] =	vst v63  }
0x48: {  	_ =	swait.ge [sflag:s20], $0xA000  }
0x49: {  	[sflag:s20] =	ssyncset.done $0x0  }
0x4a: {  	[sflag:s20] =	ssyncadd.s32 $0xFFFF6000  }
0x4b: {  	[hbm4b:s4+s2] =	stream.linear.scatter [tilespmem:s17], [sflag:$0x3], $0xA000, $0x38;
	[tilespmem:$0x19800] =	vst v63  }
0x4c: {  	_ =	swait.ge [sflag:s21], $0xA000  }
0x4d: {  	[sflag:s21] =	ssyncset.done $0x0  }
0x4e: {  	[sflag:s21] =	ssyncadd.s32 $0xFFFF6000  }
0x4f: {  	[tilespmem:s17], [sflag:$0x1] =	stream.indirect.gather [hbm4b:s3+s15], $0x20, s22, s15, $0xb8;
	[tilespmem:$0x19800] =	vst v63  }
0x50: {  	_ =	swait.ge [sflag:s23], $0xA000  }
0x51: {  	[sflag:s23] =	ssyncset.done $0x0  }
0x52: {  	[sflag:s23] =	ssyncadd.s32 $0xFFFF6000  }
0x53: {  	[hbm4b:s6+s2] =	stream.linear.scatter [tilespmem:s19], [sflag:$0x4], $0xA000, $0x38;
	[tilespmem:$0x19800] =	vst v63  }
0x54: {  	_ =	swait.ge [sflag:s24], $0xA000  }
0x55: {  	[sflag:s24] =	ssyncset.done $0x0  }
0x56: {  	[sflag:s24] =	ssyncadd.s32 $0xFFFF6000  }
0x57: {  	[tilespmem:s19], [sflag:$0x2] =	stream.indirect.gather [hbm4b:s3+s15], $0x20, s25, s15, $0xb8;
	[tilespmem:$0x19800] =	vst v63  }
0x58: {  	_ =	swait.ge [sflag:s20], $0xA000  }
0x59: {  	[sflag:s20] =	ssyncset.done $0x0  }
0x5a: {  	[sflag:s20] =	ssyncadd.s32 $0xFFFF6000  }
0x5b: {  	[hbm4b:s7+s2] =	stream.linear.scatter [tilespmem:s17], [sflag:$0x3], $0xA000, $0x38;
	[tilespmem:$0x19800] =	vst v63  }
0x5c: {  	_ =	swait.ge [sflag:s21], $0xA000  }
0x5d: {  	[sflag:s21] =	ssyncset.done $0x0  }
0x5e: {  	[sflag:s21] =	ssyncadd.s32 $0xFFFF6000  }
0x5f: {  	[tilespmem:s17], [sflag:$0x1] =	stream.indirect.gather [hbm4b:s3+s15], $0x20, s26, s15, $0xb8;
	[tilespmem:$0x19800] =	vst v63  }
0x60: {  	_ =	swait.ge [sflag:s23], $0xA000  }
0x61: {  	[sflag:s23] =	ssyncset.done $0x0  }
0x62: {  	[sflag:s23] =	ssyncadd.s32 $0xFFFF6000  }
0x63: {  	[hbm4b:s8+s2] =	stream.linear.scatter [tilespmem:s19], [sflag:$0x4], $0xA000, $0x38;
	[tilespmem:$0x19800] =	vst v63  }
0x64: {  	_ =	swait.ge [sflag:s24], $0xA000  }
0x65: {  	[sflag:s24] =	ssyncset.done $0x0  }
0x66: {  	[sflag:s24] =	ssyncadd.s32 $0xFFFF6000  }
0x67: {  	[tilespmem:s19], [sflag:$0x2] =	stream.indirect.gather [hbm4b:s3+s15], $0x20, s28, s15, $0xb8;
	[tilespmem:$0x19800] =	vst v63  }
0x68: {  	_ =	swait.ge [sflag:s20], $0xA000  }
0x69: {  	[sflag:s20] =	ssyncset.done $0x0  }
0x6a: {  	[sflag:s20] =	ssyncadd.s32 $0xFFFF6000  }
0x6b: {  	[hbm4b:s9+s2] =	stream.linear.scatter [tilespmem:s17], [sflag:$0x3], $0xA000, $0x38;
	[tilespmem:$0x19800] =	vst v63  }
0x6c: {  	_ =	swait.ge [sflag:s21], $0xA000  }
0x6d: {  	[sflag:s21] =	ssyncset.done $0x0  }
0x6e: {  	[sflag:s21] =	ssyncadd.s32 $0xFFFF6000  }
0x6f: {  	[tilespmem:s17], [sflag:$0x1] =	stream.indirect.gather [hbm4b:s3+s15], $0x20, s29, s15, $0xb8;
	[tilespmem:$0x19800] =	vst v63  }
0x70: {  	_ =	swait.ge [sflag:s23], $0xA000  }
0x71: {  	[sflag:s23] =	ssyncset.done $0x0  }
0x72: {  	[sflag:s23] =	ssyncadd.s32 $0xFFFF6000  }
0x73: {  	[hbm4b:s10+s2] =	stream.linear.scatter [tilespmem:s19], [sflag:$0x4], $0xA000, $0x38;
	[tilespmem:$0x19800] =	vst v63  }
0x74: {  	_ =	swait.ge [sflag:s24], $0xA000  }
0x75: {  	[sflag:s24] =	ssyncset.done $0x0  }
0x76: {  	[sflag:s24] =	ssyncadd.s32 $0xFFFF6000  }
0x77: {  	[tilespmem:s19], [sflag:$0x2] =	stream.indirect.gather [hbm4b:s3+s15], $0x20, s30, s15, $0xb8;
	[tilespmem:$0x19800] =	vst v63  }
0x78: {  	_ =	swait.ge [sflag:s20], $0xA000  }
0x79: {  	[sflag:s20] =	ssyncset.done $0x0  }
0x7a: {  	[sflag:s20] =	ssyncadd.s32 $0xFFFF6000  }
0x7b: {  	[hbm4b:s11+s2] =	stream.linear.scatter [tilespmem:s17], [sflag:$0x3], $0xA000, $0x38;
	[tilespmem:$0x19800] =	vst v63  }
0x7c: {  	_ =	swait.ge [sflag:s23], $0xA000  }
0x7d: {  	[sflag:s23] =	ssyncset.done $0x0  }
0x7e: {  	s31 =	sadd.s32 $0x1, s31;
	[sflag:s23] =	ssyncadd.s32 $0xFFFF6000  }
0x7f: {  	[hbm4b:s12+s2] =	stream.linear.scatter [tilespmem:s19], [sflag:$0x4], $0xA000, $0x38;
	[tilespmem:$0x19800] =	vst v63  }
0x80: {  	p0 =	sne.s32 s31, s13;
	_ =	swait.ge [sflag:s24], $0xA000  }
.Ltmp1:
0x81: {  	[sflag:s24] =	ssyncset.done $0x0;
	(pc) =	sbr.rel @p0 .LBB2_1-.Ltmp1, $4  }
0x82: {  	[sflag:s24] =	ssyncadd.s32 $0xFFFF6000  }
0x83: {  	_ =	swait.ge [sflag:s21], $0xA000  }
0x84: {  	[sflag:s21] =	ssyncset.done $0x0  }
0x85: {  	[sflag:s21] =	ssyncadd.s32 $0xFFFF6000  }
0x86: {  	_ =	sfence.sel $0x180000  }
0x87: {  	[bflag:$0x0] =	sbarrier.arrive $0xFFFF  }
0x88: {  	_ =	strace $0x9000004A  }
0x89: {  	s0 =	stileid.u32;
	[bflag:$0x2] =	sbarrier.arrive $0xFFFF  }
0x8a: {  	p0 =	sne.s32 s0, $0x0;
	s0 =	rddreg [dreg:$0x2]  }
0x8b: {  	s0 =	sadd.s32 @!p0 $0x100000, s0  }
0x8c: {  	[sflag:s0] =	ssyncadd.tile.s32 @!p0 $0x1;
	_ =	shalt  }
.Lfunc_end2:
_tile_overlayer_lowered:
.L_overlay_start_2:
0x8d: {  	(tag) =	ssettag $0x2  }
0x8e: {  	s0 =	rddreg [dreg:$0x0];
	s2 =	stileid.u32  }
0x8f: {  	s1 =	rddreg [dreg:$0x1];
	p0 =	sne.s32 s2, $0x0  }
0x90: {  	s3 =	rddreg [dreg:$0x2];
	[bflag:$0x3] =	sbarrier.arrive $0xFFFF;
	s2 =	simm.s32 @!p0 $0x1C05  }
0x91: {  	[timem:s3], [sflag:s2] =	dma.local @!p0 [hbm:s0], s1  }
0x92: {  	s0 =	simm.s32 @!p0 $0x5  }
0x93: {  	_ =	swait.ge @!p0 [sflag:s0], s1  }
0x94: {  	s1 =	ssub.s32 @!p0 $0x0, s1;
	[sflag:s0] =	ssyncset.done @!p0 $0x0  }
0x95: {  	[sflag:s0] =	ssyncadd.s32 @!p0 s1  }
0x96: {  	[bflag:$0x3] =	sbarrier.arrive $0xFFFF  }
0x97: {  	_ =	shalt  }

// kernel: sparse-core-data-format-call.cloned.1.call-start
scs
called_computation_lowered:
.L_overlay_start_0:
0x0: {  	s2 =	sld [smem:$0x3FD9]  }
0x1: {  	s3 =	sld [smem:$0x3FFE];
	_ =	sdelay $0x1  }
0x2: {  	s1 =	srdreg.scid  }
0x3: {  	s0 =	sand.u32 $0x1, s1  }
0x4: {  	s18 =	sshll.u32 s0, $0xA;
	s2 =	sadd.s32 s3, s2  }
0x5: {  	s2 =	sadd.s32 s2, s18  }
0x6: {  	[smem:$0x3FC6] =	sst s2  }
0x7: {  	_ = 	snop  }
0x8: {  	s2 =	sld [smem:$0x3FD0];
	(tm) =	ssettm $0x1  }
0x9: {  	s19 =	sld [smem:$0x3FFB];
	_ =	sdelay $0x3  }
0xa: {  	_ =	strace s19  }
0xb: {  	s3 =	sld [smem:$0x3FFC];
	_ =	sdelay $0x3  }
0xc: {  	_ =	strace s3  }
0xd: {  	s3 =	sld [smem:$0x3FFD];
	_ =	sdelay $0x3  }
0xe: {  	_ =	strace s3  }
0xf: {  	_ =	strace $0x8FFFFFFF  }
0x10: {  	s20 =	sld [smem:$0x3FDB];
	_ =	sdelay $0x1  }
0x11: {  	s4 =	simm.s32 $_scs_section_size  }
0x12: {  	s5 =	simm.s32 $_size__tile_overlayer_lowered;
	s6 =	simm.s32 $_tile_overlayer_lowered  }
0x13: {  	s23 =	simm.s32 $0x1BFF;
	s22 =	sshll.u32 s6, $0x1;
	s3 =	sadd.s32 s4, s20  }
0x14: {  	s7 =	simm.s32 $0x0;
	s21 =	sshll.u32 s5, $0x1;
	s5 =	sadd.s32 s22, s3  }
0x15: {  	[timem:s7], [sflag:s23] =	dma.local [hbm:s5], s21  }
0x16: {  	_ =	swait.ge [sflag:s23], s21  }
0x17: {  	s4 =	ssub.s32 $0x0, s21;
	[sflag:s23] =	ssyncset.done $0x0  }
0x18: {  	[sflag:s23] =	ssyncadd.s32 s4;
	_ =	sdelay $0x1  }
0x19: {  	s24 =	simm.s32 $0x1B8B  }
0x1a: {  	_ =	swait.ge [sflag:s24], $0x1  }
0x1b: {  	[sflag:s24] =	ssyncset.done $0x0  }
0x1c: {  	s26 =	simm.s32 $0x1B8E;
	s25 =	sld [smem:$0x3FFE];
	[sflag:s24] =	ssyncadd.s32 $0xFFFFFFFF  }
0x1d: {  	s27 =	simm.s32 $execute0_lowered;
	[smem:$0x3FD2] =	sst s26  }
0x1e: {  	s5 =	sshll.u32 s27, $0x1;
	_ =	strace $0x8000004C;
	[dreg:$0x1] =	wrdreg $0xFFFFFFFF  }
0x1f: {  	s28 =	simm.s32 $_size_execute0_lowered;
	s3 =	sadd.s32 s3, s5;
	[dreg:$0x0] =	wrdreg $0x0  }
0x20: {  	s5 =	sshll.u32 s28, $0x1;
	[dreg:$0x2] =	wrdreg s3  }
0x21: {  	[dreg:$0x3] =	wrdreg s5  }
0x22: {  	[dreg:$0x4] =	wrdreg $0xC0  }
0x23: {  	_ =	task [dreg:s7], $0x5FFFF  }
0x24: {  	[dreg:$0x1] =	wrdreg $0xFFFFFFFF  }
0x25: {  	[dreg:$0x0] =	wrdreg $0x60  }
0x26: {  	[dreg:$0x2] =	wrdreg s25  }
0x27: {  	[dreg:$0x3] =	wrdreg s2  }
0x28: {  	[dreg:$0x4] =	wrdreg $0x9  }
0x29: {  	_ =	task.clear_ibuf [dreg:s7], $0x5FFFF;
	_ =	strace $0x9000004C  }
0x2a: {  	s29 =	simm.s32 $0x9;
	_ =	strace $0x8000004E  }
0x2b: {  	_ =	swait.ge [sflag:s29], $0x1  }
0x2c: {  	[sflag:s29] =	ssyncadd.s32 $0xFFFFFFFF  }
0x2d: {  	_ =	strace $0x9000004E  }
0x2e: {  	_ =	sfence  }
0x2f: {  	s30 =	sld [smem:$0x0];
	_ =	sdelay $0x2  }
0x30: {  	s31 =	sshll.u32 s1, $0xD;
	s1 =	sshrl.u32 s1, $0x2  }
0x31: {  	s3 =	sand.u32 $0x4000, s31;
	s1 =	sadd.s32 s1, s30  }
0x32: {  	s0 =	sor.u32 s3, s0;
	s1 =	sshll.u32 s1, $0x11  }
0x33: {  	s0 =	sor.u32 s1, s0  }
0x34: {  	s0 =	sadd.s32 $0x8F2B, s0  }
0x35: {  	[sflag:s0] =	ssyncadd.remote.s32 $0x1  }
0x36: {  	_ =	sfence.sel $0xFFFF  }
0x37: {  	[dreg:$0x0] =	wrdreg $0xFFFFFFFF;
	(pc) =	sbr.abs _section_cstart, $3  }
0x38: {  	[dreg:$0x1] =	wrdreg $0xFFFFFFFF  }
0x39: {  	_ =	task.clear_ibuf [dreg:s7], $0x2FFFF;
	_ =	strace $0x9FFFFFFF  }
0x3a: {  	(tm) =	ssettm $0x7FFFFFFF  }
0x3b: {  	_ =	shalt  }
tec
execute0_lowered:
.L_overlay_start_1:
0x0: {  	(tag) =	ssettag $0x1  }
0x1: {  	s0 =	srdreg.scid  }
0x2: {  	s1 =	sshll.u32 s0, $0x4  }
0x3: {  	s0 =	stileid.u32;
	s1 =	sand.u32 $0x10, s1  }
0x4: {  	s1 =	sor.u32 s0, s1  }
0x5: {  	s6 =	rddreg [dreg:$0x0];
	s4 =	simm.s32 $0x1;
	s2 =	sshll.u32 s1, $0x7  }
0x6: {  	s7 =	simm.s32 $0x2;
	s12 =	simm.s32 $0x0;
	s1 =	ssub.s32 $0x4000, s2  }
0x7: {  	s8 =	simm.s32 $0x20000;
	s13 =	simm.s32 $0x0;
	s3 =	sand.u32 $0xF80, s1  }
0x8: {  	s9 =	simm.s32 $0x0;
	s5 =	sshrl.u32 s1, $0xC;
	p0 =	sne.s32 s3, $0x0  }
.Ltmp0:
0x9: {  	s1 =	rddreg [dreg:$0x2];
	s4 =	simm.s32 @!p0 $0x0;
	(pc) =	sbr.rel .LBB1_1-.Ltmp0, $4  }
0xa: {  	s11 =	simm.s32 $0x0;
	s3 =	rddreg [dreg:$0x1];
	s5 =	sadd.s32 s4, s5  }
0xb: {  	_ =	strace $0x8000004D;
	s4 =	simm.s32 $0x1;
	s5 =	smul.u32 $0x14, s5  }
0xc: {  	s6 =	sadd.s32 $0xE00, s6;
	s10 =	smov.u32 s2;
	[sflag:s4] =	ssyncpa.u1 $0x0  }
0xd: {  	p0 =	por $0x0, $0x0;
	[sflag:s7] =	ssyncpa.u1 $0x0;
	s7 =	sor.u32 $0x1, s5  }
.LBB1_4:
0xe: {  	s16 =	sshll.u32 s13, $0x3;
	s17 =	sand.u32 $0x78, s13  }
0xf: {  	s30 =	sand.u32 $0xF800, s13;
	s12 =	sshll.u32 s12, $0x10;
	s16 =	sand.u32 $0x3C00, s16  }
0x10: {  	s31 =	sand.u32 $0x7, s13;
	s16 =	sor.u32 s17, s16;
	s17 =	sadd.s32 s3, s30  }
0x11: {  	s13 =	sshll.u32 s31, $0x12;
	s16 =	sshrl.u32 s16, $0x3;
	s12 =	sadd.s32 s12, s17  }
0x12: {  	[tilespmem:s15+$0x0 ss:$0x81] =	vst.msk $0xffff, v0;
	s13 =	sor.u32 $0x400, s13;
	s12 =	sadd.s32 s16, s12  }
0x13: {  	[hbm4b:s12+s13] =	stream.strided.scatter [tilespmem:s14], [sflag:$0x2], $0x1000, s8, s13, $0x20;
	[tilespmem:$0x4040] =	vst v63  }
.LBB1_5:
0x14: {  	s14 =	sadd.s32 $0x1, s9  }
0x15: {  	s12 =	sadd.s32 $0x1000, s10;
	s16 =	smov.u32 s10;
	p2 =	sgt.s32 s14, $0x13  }
0x16: {  	s16 =	smov.u32 @p2 s12  }
0x17: {  	s14 =	simm.s32 @p2 $0x0;
	p2 =	sgt.s32 s16, $0x3FFF  }
0x18: {  	s16 =	smov.u32 @p2 s2;
	p2 =	sne.s32 s11, s7  }
.Ltmp1:
0x19: {  	p1 =	slt.u32 s11, $0x2;
	(pc) =	sbr.rel @!p2 .LBB1_6-.Ltmp1, $4  }
0x1a: {  	s15 =	simm.s32 @!p1 $0x2  }
0x1b: {  	s13 =	smov.u32 s10;
	p0 =	por !p0, !p0;
	_ =	swait.ge @!p1 [sflag:s15], $0x1000  }
0x1c: {  	s12 =	smov.u32 s9;
	[sflag:s15] =	ssyncset.done @!p1 $0x0;
	s9 =	smov.u32 s14  }
0x1d: {  	s11 =	sadd.s32 $0x1, s11;
	[sflag:s15] =	ssyncadd.s32 @!p1 $0xFFFFF000;
	s10 =	smov.u32 s16  }
.LBB1_1:
0x1e: {  	p1 =	sge.u32 s11, s5  }
0x1f: {  	s14 =	sand.u32 @!p1 $0x1FFFFFF, s9  }
0x20: {  	s15 =	smulhi.u32 @!p1 $0xAAAAAAB, s14;
	_ =	sdelay $0x1  }
0x21: {  	s15 =	smul.u32 @!p1 $0x18, s15  }
0x22: {  	s16 =	sxor.u32 @!p1 $0xFFFFFFFF, s11;
	s17 =	smul.u32 @!p1 $0x180, s10  }
0x23: {  	s31 =	sadd.s32 $0xFFFFFFFF, s11;
	s16 =	sshll.u32 @!p1 s16, $0xC;
	s14 =	ssub.s32 @!p1 s14, s15  }
0x24: {  	s15 =	sand.u32 @!p1 $0x1000, s16;
	s16 =	sadd.s32 @!p1 s6, s17;
	s14 =	sshll.u32 @!p1 s14, $0x4  }
0x25: {  	s17 =	simm.s32 @!p1 $0xC00;
	s14 =	sadd.s32 @!p1 s14, s16;
	s16 =	simm.s32 @!p1 $0x20  }
0x26: {  	[tilespmem:s15], [sflag:$0x1] =	stream.strided.gather @!p1 [hbm4b:s14+s16], $0x1000, s17, s16, $0x38;
	[tilespmem:$0x4040] =	vst v63  }
0x27: {  	p1 =	sge.u32 s31, s5  }
.Ltmp2:
0x28: {  	_ = 	snop;
	(pc) =	sbr.rel @p1 .LBB1_5-.Ltmp2, $1  }
0x29: {  	_ =	sdelay $0x3  }
0x2a: {  	s14 =	simm.s32 $0x1  }
0x2b: {  	_ =	swait.ge [sflag:s4], $0x1000;
	s14 =	simm.s32 @!p0 $0x0  }
0x2c: {  	[sflag:s4] =	ssyncset.done $0x0;
	s15 =	sshll.u32 s14, $0xC  }
0x2d: {  	[sflag:s4] =	ssyncadd.s32 $0xFFFFF000;
	s18 =	sor.u32 $0x10, s15  }
0x2e: {  	s14 =	smul.u32 $0x4080, s14;
	v1 =	vld [tilespmem:s18+$0x0]  }
0x2f: {  	s30 =	sand.u32 $0x1, s11;
	v0 =	vld [tilespmem:s18+$0xFFFFFFF0]  }
0x30: {  	s15 =	smul.u32 $0x4080, s30;
	s14 =	sshrl.u32 s14, $0x2  }
0x31: {  	s16 =	sor.u32 $0x2000, s14  }
0x32: {  	s31 =	sshrl.u32 s15, $0x2;
	s15 =	sadd.s32 $0x0, s16  }
0x33: {  	s17 =	simm.s32 $0x4;
	s18 =	sadd.s32 $0x20, s18;
	s14 =	sor.u32 $0x2000, s31;
	[tilespmem:s15+$0x810 ss:$0x81] =	vst.msk $0xffff, v1  }
.LBB1_3:
0x34: {  	v1 =	vld [tilespmem:s18+$0x0];
	p1 =	sne.s32 s17, $0x1FC;
	[tilespmem:s15+$0x0 ss:$0x81] =	vst.msk $0xffff, v0;
	s15 =	smov.u32 s17;
	s17 =	sadd.s32 $0x4, s17  }
.Ltmp3:
0x35: {  	v0 =	vld [tilespmem:s18+$0xFFFFFFF0];
	(pc) =	sbr.rel @p1 .LBB1_3-.Ltmp3, $4  }
0x36: {  	_ = 	snop  }
0x37: {  	s15 =	sshra.s32 s15, $0x2  }
0x38: {  	s15 =	sadd.s32 s15, s16  }
0x39: {  	s18 =	sadd.s32 $0x20, s18;
	[tilespmem:s15+$0x810 ss:$0x81] =	vst.msk $0xffff, v1  }
.Ltmp4:
0x3a: {  	_ = 	snop;
	(pc) =	sbr.rel .LBB1_4-.Ltmp4, $1  }
0x3b: {  	_ =	sdelay $0x3  }
.LBB1_6:
0x3c: {  	_ =	sfence.sel $0x180000  }
0x3d: {  	s2 =	simm.s32 $0x1;
	[bflag:$0x0] =	sbarrier.arrive $0xFFFF  }
0x3e: {  	s31 =	simm.s32 $0x2;
	[sflag:s2] =	ssyncpa.u1 $0x1  }
0x3f: {  	[sflag:s31] =	ssyncpa.u1 $0x1  }
0x40: {  	p0 =	sne.s32 s0, $0x0;
	_ =	strace $0x9000004D  }
0x41: {  	s0 =	sadd.s32 @!p0 $0x100000, s1;
	[bflag:$0x2] =	sbarrier.arrive $0xFFFF  }
0x42: {  	[sflag:s0] =	ssyncadd.tile.s32 @!p0 $0x1;
	_ =	shalt  }
.Lfunc_end1:
_tile_overlayer_lowered:
.L_overlay_start_2:
0x43: {  	(tag) =	ssettag $0x2  }
0x44: {  	s0 =	rddreg [dreg:$0x0];
	s2 =	stileid.u32  }
0x45: {  	s1 =	rddreg [dreg:$0x1];
	p0 =	sne.s32 s2, $0x0  }
0x46: {  	s3 =	rddreg [dreg:$0x2];
	[bflag:$0x3] =	sbarrier.arrive $0xFFFF;
	s2 =	simm.s32 @!p0 $0x1C01  }
0x47: {  	[timem:s3], [sflag:s2] =	dma.local @!p0 [hbm:s0], s1  }
0x48: {  	s0 =	simm.s32 @!p0 $0x1  }
0x49: {  	_ =	swait.ge @!p0 [sflag:s0], s1  }
0x4a: {  	s1 =	ssub.s32 @!p0 $0x0, s1;
	[sflag:s0] =	ssyncset.done @!p0 $0x0  }
0x4b: {  	[sflag:s0] =	ssyncadd.s32 @!p0 s1  }
0x4c: {  	[bflag:$0x3] =	sbarrier.arrive $0xFFFF  }
0x4d: {  	_ =	shalt  }

</sc_bundles>
